<compile_context>
chip_gen: v7x
topology: tpu7x:2x2x1
jax: 0.10.2.dev20260603
libtpu: 0.0.44.dev20260713+nightly
codegen_flags: <defaults>
</compile_context>

<pallas_src>
import functools

import jax
import jax.numpy as jnp
from jax import lax
from jax.experimental import pallas as pl
from jax.experimental.pallas import tpu as pltpu
from jax.experimental.pallas import tpu_sc as plsc

FIELD0 = 1000000
BATCH = 16384
D = 16
NF = 2 * D

_NW = 32
_COLS_PER_W = BATCH // _NW
_NG = _COLS_PER_W // 128
_CC = _COLS_PER_W // 16

_FOFF = tuple((c // 8) * 16000000 + (c % 8) * 128 for c in range(D))


def _gather_body(tab_hbm, x_hbm, out_hbm, xv, ebuf, rows_v, sem0, sem1):
    wid = lax.axis_index("s") * 2 + lax.axis_index("c")
    base = wid * 2 * _COLS_PER_W
    pltpu.sync_copy(x_hbm.at[pl.ds(base, 2 * _COLS_PER_W)], xv)

    def drain_and_flush(g, sem):
        pltpu.make_async_copy(
            out_hbm.at[:, _NG * wid + g], rows_v.at[:, g], sem
        ).wait()
        pltpu.sync_copy(rows_v.at[:, g], out_hbm.at[:, _NG * wid + g])

    def build(g):
        def part_body(part, _):
            ru = xv[pl.ds(256 * g + 16 * part, 16)]
            ri = xv[pl.ds(256 * g + 128 + 16 * part, 16)] + FIELD0
            rpu = lax.shift_right_logical(ru, 7) * 1024 + (ru & 127)
            rpi = lax.shift_right_logical(ri, 7) * 1024 + (ri & 127)
            col = 128 * g + 16 * part
            for c in range(D):
                ebuf[c, pl.ds(col, 16)] = rpu + _FOFF[c]
                ebuf[D + c, pl.ds(col, 16)] = rpi + _FOFF[c]
            return _

        lax.fori_loop(0, 8, part_body, None)

    def fire(g, sem):
        for f in range(NF):
            pltpu.async_copy(
                tab_hbm.at[ebuf.at[f, pl.ds(128 * g, 128)]],
                rows_v.at[f // 8, g, f % 8],
                sem,
            )

    def pair(i, _):
        ga, gb = 2 * i, 2 * i + 1
        build(ga)
        fire(ga, sem0)
        build(gb)

        @pl.when(i >= 1)
        def _drain_prev():
            drain_and_flush(gb - 2, sem1)

        fire(gb, sem1)
        drain_and_flush(ga, sem0)
        return _

    lax.fori_loop(0, _NG // 2, pair, None)
    drain_and_flush(_NG - 1, sem1)


@functools.cache
def _make_gather():
    return functools.partial(
        pl.kernel,
        mesh=plsc.VectorSubcoreMesh(core_axis_name="c", subcore_axis_name="s"),
        out_type=jax.ShapeDtypeStruct((NF // 8, BATCH // 128, 8, 128), jnp.float32),
        scratch_types=[
            pltpu.VMEM((2 * _COLS_PER_W,), jnp.int32),
            pltpu.VMEM((NF, _COLS_PER_W), jnp.int32),
            pltpu.VMEM((NF // 8, _NG, 8, 128), jnp.float32),
            pltpu.SemaphoreType.DMA,
            pltpu.SemaphoreType.DMA,
        ],
        compiler_params=pltpu.CompilerParams(use_tc_tiling_on_sc=False),
    )(_gather_body)


def _mlp_body(et_ref, w0, b0, g0, be0, w1, b1, g1, be1, w2, b2, g2, be2,
              fcw, fcb, out_ref):
    et = et_ref[...]
    gmf = et[:D, :] * et[D:, :]
    h = et
    for (w, g, be) in ((w0, g0, be0), (w1, g1, be1), (w2, g2, be2)):
        hw = lax.dot_general(w[...], h, (((0,), (0,)), ((), ())),
                             preferred_element_type=jnp.float32)
        mean = jnp.mean(hw, axis=1, keepdims=True)
        msq = jnp.mean(hw * hw, axis=1, keepdims=True)
        var = msq - mean * mean
        scale = g[...][:, None] * lax.rsqrt(var + 1e-5)
        h = jnp.maximum((hw - mean) * scale + be[...][:, None], 0.0)
    out = (lax.dot_general(fcw[...][:D, :], gmf, (((0,), (0,)), ((), ())),
                           preferred_element_type=jnp.float32)
           + lax.dot_general(fcw[...][D:, :], h, (((0,), (0,)), ((), ())),
                             preferred_element_type=jnp.float32)
           + fcb[...][:, None])
    out_ref[...] = out


def kernel(x, emb_W, W0, b0, g0, beta0, W1, b1, g1, beta1, W2, b2, g2, beta2,
           fcW, fcb):
    flat = emb_W.reshape(15625, 128, 2, 8).transpose(2, 0, 3, 1).reshape(32000000)
    xflat = x.astype(jnp.int32).reshape(128, 128, 2).transpose(0, 2, 1).reshape(2 * BATCH)
    et4 = _make_gather()(flat, xflat)
    et = et4.transpose(0, 2, 1, 3).reshape(NF, BATCH)

    out2d = pl.pallas_call(
        _mlp_body,
        out_shape=jax.ShapeDtypeStruct((1, BATCH), jnp.float32),
    )(et, W0, b0, g0, beta0, W1, b1, g1, beta1, W2, b2, g2, beta2, fcW, fcb)
    return out2d.reshape(BATCH)

# --- scband reference (transcript-rebuilt; emitter-appended) ---
"""Pipeline reference for scband-neural-collaborative-filtering-6047313953055 (READ-ONLY COPY).

The authoritative reference and input builder live on the scoring server;
editing this copy changes nothing except your own understanding.
"""

import jax, jax.numpy as jnp
import numpy as np

FIELD_DIMS = (1000000, 1000000)
EMBED_DIM = 16
MLP_DIMS = (64, 32, 16)
BATCH = 16384


def setup_inputs(seed: int = 0):
    key = jax.random.key(seed)
    ks = jax.random.split(key, 4)
    x = jax.random.randint(ks[0], (BATCH, 2), 0, FIELD_DIMS[0])
    total = sum(FIELD_DIMS)
    emb_W = jax.random.normal(ks[1], (total, EMBED_DIM), dtype=jnp.float32) * 0.01
    dims = [len(FIELD_DIMS) * EMBED_DIM] + list(MLP_DIMS)
    inp = {"x": x, "emb_W": emb_W}
    for i in range(len(MLP_DIMS)):
        fan_in, fan_out = dims[i], dims[i + 1]
        inp[f"W{i}"] = jax.random.normal(jax.random.fold_in(key, 10 + i), (fan_in, fan_out), dtype=jnp.float32) * (1.0 / np.sqrt(fan_in))
        inp[f"b{i}"] = jnp.zeros((fan_out,), dtype=jnp.float32)
        inp[f"g{i}"] = jnp.ones((fan_out,), dtype=jnp.float32)
        inp[f"beta{i}"] = jnp.zeros((fan_out,), dtype=jnp.float32)
    inp["fcW"] = jax.random.normal(ks[2], (MLP_DIMS[-1] + EMBED_DIM, 1), dtype=jnp.float32) * 0.1
    inp["fcb"] = jnp.zeros((1,), dtype=jnp.float32)
    return inp


def reference(x, emb_W, W0, b0, g0, beta0, W1, b1, g1, beta1, W2, b2, g2, beta2, fcW, fcb):
    offsets = jnp.array([0, FIELD_DIMS[0]], dtype=x.dtype)
    idx = x + offsets[None, :]
    e = jnp.take(emb_W, idx, axis=0)  # [B, 2, D]
    user_x = e[:, 0, :]
    item_x = e[:, 1, :]
    gmf = user_x * item_x
    h = e.reshape(e.shape[0], -1)  # [B, 2*D]
    params = [(W0, b0, g0, beta0), (W1, b1, g1, beta1), (W2, b2, g2, beta2)]
    for (W, b, g, be) in params:
        h = h @ W + b
        mean = jnp.mean(h, axis=0)
        var = jnp.var(h, axis=0)
        h = (h - mean) / jnp.sqrt(var + 1e-5) * g + be
        h = jax.nn.relu(h)
    out = jnp.concatenate([gmf, h], axis=1) @ fcW + fcb
    return out.squeeze(1)

if __name__ == "__main__":
    import jax
    _d = setup_inputs()
    print(jax.jit(kernel)(*tuple(_d.values())))

</pallas_src>

<mosaic_0001>
#map = affine_map<(d0, d1) -> (0)>
#map1 = affine_map<(d0, d1) -> (0, 0, 0, 0)>
module attributes {stable_mosaic.version = 14 : i64} {
  func.func @_gather_body(%arg0: i32, %arg1: i32, %arg2: memref<32000000xf32, #tpu.memory_space<hbm>>, %arg3: memref<32768xi32, #tpu.memory_space<hbm>>, %arg4: memref<4x128x8x128xf32, #tpu.memory_space<hbm>>, %arg5: memref<1024xi32, #tpu.memory_space<vmem>>, %arg6: memref<32x512xi32, #tpu.memory_space<vmem>>, %arg7: memref<4x4x8x128xf32, #tpu.memory_space<vmem>>, %arg8: memref<!tpu.dma_semaphore, #tpu.memory_space<semaphore_mem>>, %arg9: memref<!tpu.dma_semaphore, #tpu.memory_space<semaphore_mem>>) attributes {dimension_semantics = [#tpu.dimension_semantics<core_parallel>, #tpu.dimension_semantics<subcore_parallel>], iteration_bounds = array<i64: 2, 16>, scalar_prefetch = 0 : i64, scratch_operands = 5 : i64, tpu.core_type = #tpu.core_type<sc_vector_subcore>, window_params = [{transform_indices = #map}, {transform_indices = #map}, {transform_indices = #map1}]} {
    %mul3A = arith.constant 2 : i32
    %mul3A_0 = arith.muli %arg1, %mul3A : i32
    %add3A = arith.addi %mul3A_0, %arg0 : i32
    %mul3A_1 = arith.constant 2 : i32
    %mul3A_2 = arith.muli %add3A, %mul3A_1 : i32
    %mul3A_3 = arith.constant 512 : i32
    %mul3A_4 = arith.muli %mul3A_2, %mul3A_3 : i32
    "tpu.region"() ({
      %run_scoped3A_37 = tpu.sem_alloc : memref<!tpu.dma_semaphore, #tpu.memory_space<semaphore_mem>>
      %dma_start3A = tpu.memref_slice %arg3[%mul3A_4] : memref<32768xi32, #tpu.memory_space<hbm>> -> memref<1024xi32, #tpu.memory_space<hbm>>
      %dma_start3A_38 = tpu.memref_slice %arg3[%mul3A_4] : memref<32768xi32, #tpu.memory_space<hbm>> -> memref<1024xi32, #tpu.memory_space<hbm>>
      tpu.enqueue_dma source(%dma_start3A_38 : memref<1024xi32, #tpu.memory_space<hbm>>) target(%arg5 : memref<1024xi32, #tpu.memory_space<vmem>>) target_semaphore(%run_scoped3A_37 : memref<!tpu.dma_semaphore, #tpu.memory_space<semaphore_mem>>)
      %dma_wait3A_39 = tpu.memref_slice %arg3[%mul3A_4] : memref<32768xi32, #tpu.memory_space<hbm>> -> memref<1024xi32, #tpu.memory_space<hbm>>
      %dma_wait3A_40 = tpu.memref_slice %arg3[%mul3A_4] : memref<32768xi32, #tpu.memory_space<hbm>> -> memref<1024xi32, #tpu.memory_space<hbm>>
      tpu.wait_dma2 semaphore(%run_scoped3A_37 : memref<!tpu.dma_semaphore, #tpu.memory_space<semaphore_mem>>) src(%dma_wait3A_40 : memref<1024xi32, #tpu.memory_space<hbm>>) dst(%arg5 : memref<1024xi32, #tpu.memory_space<vmem>>)
      tpu.yield
    }) : () -> ()
    %scan3A = arith.constant 0 : i32
    %scan3A_5 = arith.constant 2 : i32
    %scan3A_6 = arith.addi %scan3A, %scan3A_5 : i32
    %scan3A_7 = arith.constant 1 : i32
    scf.for %scan3A_37 = %scan3A to %scan3A_6 step %scan3A_7  : i32 {
      %mul3A_38 = arith.constant 2 : i32
      %mul3A_39 = arith.muli %mul3A_38, %scan3A_37 : i32
      %mul3A_40 = arith.constant 2 : i32
      %mul3A_41 = arith.muli %mul3A_40, %scan3A_37 : i32
      %add3A_42 = arith.constant 1 : i32
      %add3A_43 = arith.addi %mul3A_41, %add3A_42 : i32
      %scan3A_44 = arith.constant 0 : i32
      %scan3A_45 = arith.constant 8 : i32
      %scan3A_46 = arith.addi %scan3A_44, %scan3A_45 : i32
      %scan3A_47 = arith.constant 1 : i32
      scf.for %scan3A_849 = %scan3A_44 to %scan3A_46 step %scan3A_47  : i32 {
        %mul3A_850 = arith.constant 256 : i32
        %mul3A_851 = arith.muli %mul3A_850, %mul3A_39 : i32
        %mul3A_852 = arith.constant 16 : i32
        %mul3A_853 = arith.muli %mul3A_852, %scan3A_849 : i32
        %add3A_854 = arith.addi %mul3A_851, %mul3A_853 : i32
        %get3A = arith.index_cast %add3A_854 : i32 to index
        %get3A_855 = tpu.vector_load %arg5[%get3A] {strides = array<i32>} : memref<1024xi32, #tpu.memory_space<vmem>>, vector<16xi32>,
        %get3A_856 = vector.shape_cast %get3A_855 : vector<16xi32> to vector<16xi32>
        %mul3A_857 = arith.constant 256 : i32
        %mul3A_858 = arith.muli %mul3A_857, %mul3A_39 : i32
        %add3A_859 = arith.constant 128 : i32
        %add3A_860 = arith.addi %mul3A_858, %add3A_859 : i32
        %mul3A_861 = arith.constant 16 : i32
        %mul3A_862 = arith.muli %mul3A_861, %scan3A_849 : i32
        %add3A_863 = arith.addi %add3A_860, %mul3A_862 : i32
        %get3A_864 = arith.index_cast %add3A_863 : i32 to index
        %get3A_865 = tpu.vector_load %arg5[%get3A_864] {strides = array<i32>} : memref<1024xi32, #tpu.memory_space<vmem>>, vector<16xi32>,
        %get3A_866 = vector.shape_cast %get3A_865 : vector<16xi32> to vector<16xi32>
        %add3A_867 = arith.constant 1000000 : i32
        %add3A_868 = vector.broadcast %add3A_867 : i32 to vector<16xi32>
        %add3A_869 = arith.addi %get3A_866, %add3A_868 : vector<16xi32>
        %shift_right_logical3A = arith.constant 7 : i32
        %shift_right_logical3A_870 = vector.broadcast %shift_right_logical3A : i32 to vector<16xi32>
        %shift_right_logical3A_871 = arith.shrui %get3A_856, %shift_right_logical3A_870 : vector<16xi32>
        %mul3A_872 = arith.constant 1024 : i32
        %mul3A_873 = vector.broadcast %mul3A_872 : i32 to vector<16xi32>
        %mul3A_874 = arith.muli %shift_right_logical3A_871, %mul3A_873 : vector<16xi32>
        %and3A = arith.constant 127 : i32
        %and3A_875 = vector.broadcast %and3A : i32 to vector<16xi32>
        %and3A_876 = arith.andi %get3A_856, %and3A_875 : vector<16xi32>
        %add3A_877 = arith.addi %mul3A_874, %and3A_876 : vector<16xi32>
        %shift_right_logical3A_878 = arith.constant 7 : i32
        %shift_right_logical3A_879 = vector.broadcast %shift_right_logical3A_878 : i32 to vector<16xi32>
        %shift_right_logical3A_880 = arith.shrui %add3A_869, %shift_right_logical3A_879 : vector<16xi32>
        %mul3A_881 = arith.constant 1024 : i32
        %mul3A_882 = vector.broadcast %mul3A_881 : i32 to vector<16xi32>
        %mul3A_883 = arith.muli %shift_right_logical3A_880, %mul3A_882 : vector<16xi32>
        %and3A_884 = arith.constant 127 : i32
        %and3A_885 = vector.broadcast %and3A_884 : i32 to vector<16xi32>
        %and3A_886 = arith.andi %add3A_869, %and3A_885 : vector<16xi32>
        %add3A_887 = arith.addi %mul3A_883, %and3A_886 : vector<16xi32>
        %mul3A_888 = arith.constant 128 : i32
        %mul3A_889 = arith.muli %mul3A_888, %mul3A_39 : i32
        %mul3A_890 = arith.constant 16 : i32
        %mul3A_891 = arith.muli %mul3A_890, %scan3A_849 : i32
        %add3A_892 = arith.addi %mul3A_889, %mul3A_891 : i32
        %add3A_893 = arith.constant 0 : i32
        %add3A_894 = vector.broadcast %add3A_893 : i32 to vector<16xi32>
        %add3A_895 = arith.addi %add3A_877, %add3A_894 : vector<16xi32>
        %swap3A = arith.constant 0 : i32
        %swap3A_896 = arith.index_cast %swap3A : i32 to index
        %swap3A_897 = arith.index_cast %add3A_892 : i32 to index
        %swap3A_898 = tpu.vector_load %arg6[%swap3A_896, %swap3A_897] {strides = array<i32>} : memref<32x512xi32, #tpu.memory_space<vmem>>, vector<1x16xi32>,
        %swap3A_899 = vector.shape_cast %swap3A_898 : vector<1x16xi32> to vector<16xi32>
        %swap3A_900 = vector.shape_cast %add3A_895 : vector<16xi32> to vector<1x16xi32>
        tpu.vector_store %arg6[%swap3A_896, %swap3A_897], %swap3A_900 {strides = array<i32>} : memref<32x512xi32, #tpu.memory_space<vmem>>, vector<1x16xi32>,
        %add3A_901 = arith.constant 0 : i32
        %add3A_902 = vector.broadcast %add3A_901 : i32 to vector<16xi32>
        %add3A_903 = arith.addi %add3A_887, %add3A_902 : vector<16xi32>
        %swap3A_904 = arith.constant 16 : i32
        %swap3A_905 = arith.index_cast %swap3A_904 : i32 to index
        %swap3A_906 = arith.index_cast %add3A_892 : i32 to index
        %swap3A_907 = tpu.vector_load %arg6[%swap3A_905, %swap3A_906] {strides = array<i32>} : memref<32x512xi32, #tpu.memory_space<vmem>>, vector<1x16xi32>,
        %swap3A_908 = vector.shape_cast %swap3A_907 : vector<1x16xi32> to vector<16xi32>
        %swap3A_909 = vector.shape_cast %add3A_903 : vector<16xi32> to vector<1x16xi32>
        tpu.vector_store %arg6[%swap3A_905, %swap3A_906], %swap3A_909 {strides = array<i32>} : memref<32x512xi32, #tpu.memory_space<vmem>>, vector<1x16xi32>,
        %add3A_910 = arith.constant 128 : i32
        %add3A_911 = vector.broadcast %add3A_910 : i32 to vector<16xi32>
        %add3A_912 = arith.addi %add3A_877, %add3A_911 : vector<16xi32>
        %swap3A_913 = arith.constant 1 : i32
        %swap3A_914 = arith.index_cast %swap3A_913 : i32 to index
        %swap3A_915 = arith.index_cast %add3A_892 : i32 to index
        %swap3A_916 = tpu.vector_load %arg6[%swap3A_914, %swap3A_915] {strides = array<i32>} : memref<32x512xi32, #tpu.memory_space<vmem>>, vector<1x16xi32>,
        %swap3A_917 = vector.shape_cast %swap3A_916 : vector<1x16xi32> to vector<16xi32>
        %swap3A_918 = vector.shape_cast %add3A_912 : vector<16xi32> to vector<1x16xi32>
        tpu.vector_store %arg6[%swap3A_914, %swap3A_915], %swap3A_918 {strides = array<i32>} : memref<32x512xi32, #tpu.memory_space<vmem>>, vector<1x16xi32>,
        %add3A_919 = arith.constant 128 : i32
        %add3A_920 = vector.broadcast %add3A_919 : i32 to vector<16xi32>
        %add3A_921 = arith.addi %add3A_887, %add3A_920 : vector<16xi32>
        %swap3A_922 = arith.constant 17 : i32
        %swap3A_923 = arith.index_cast %swap3A_922 : i32 to index
        %swap3A_924 = arith.index_cast %add3A_892 : i32 to index
        %swap3A_925 = tpu.vector_load %arg6[%swap3A_923, %swap3A_924] {strides = array<i32>} : memref<32x512xi32, #tpu.memory_space<vmem>>, vector<1x16xi32>,
        %swap3A_926 = vector.shape_cast %swap3A_925 : vector<1x16xi32> to vector<16xi32>
        %swap3A_927 = vector.shape_cast %add3A_921 : vector<16xi32> to vector<1x16xi32>
        tpu.vector_store %arg6[%swap3A_923, %swap3A_924], %swap3A_927 {strides = array<i32>} : memref<32x512xi32, #tpu.memory_space<vmem>>, vector<1x16xi32>,
        %add3A_928 = arith.constant 256 : i32
        %add3A_929 = vector.broadcast %add3A_928 : i32 to vector<16xi32>
        %add3A_930 = arith.addi %add3A_877, %add3A_929 : vector<16xi32>
        %swap3A_931 = arith.constant 2 : i32
        %swap3A_932 = arith.index_cast %swap3A_931 : i32 to index
        %swap3A_933 = arith.index_cast %add3A_892 : i32 to index
        %swap3A_934 = tpu.vector_load %arg6[%swap3A_932, %swap3A_933] {strides = array<i32>} : memref<32x512xi32, #tpu.memory_space<vmem>>, vector<1x16xi32>,
        %swap3A_935 = vector.shape_cast %swap3A_934 : vector<1x16xi32> to vector<16xi32>
        %swap3A_936 = vector.shape_cast %add3A_930 : vector<16xi32> to vector<1x16xi32>
        tpu.vector_store %arg6[%swap3A_932, %swap3A_933], %swap3A_936 {strides = array<i32>} : memref<32x512xi32, #tpu.memory_space<vmem>>, vector<1x16xi32>,
        %add3A_937 = arith.constant 256 : i32
        %add3A_938 = vector.broadcast %add3A_937 : i32 to vector<16xi32>
        %add3A_939 = arith.addi %add3A_887, %add3A_938 : vector<16xi32>
        %swap3A_940 = arith.constant 18 : i32
        %swap3A_941 = arith.index_cast %swap3A_940 : i32 to index
        %swap3A_942 = arith.index_cast %add3A_892 : i32 to index
        %swap3A_943 = tpu.vector_load %arg6[%swap3A_941, %swap3A_942] {strides = array<i32>} : memref<32x512xi32, #tpu.memory_space<vmem>>, vector<1x16xi32>,
        %swap3A_944 = vector.shape_cast %swap3A_943 : vector<1x16xi32> to vector<16xi32>
        %swap3A_945 = vector.shape_cast %add3A_939 : vector<16xi32> to vector<1x16xi32>
        tpu.vector_store %arg6[%swap3A_941, %swap3A_942], %swap3A_945 {strides = array<i32>} : memref<32x512xi32, #tpu.memory_space<vmem>>, vector<1x16xi32>,
        %add3A_946 = arith.constant 384 : i32
        %add3A_947 = vector.broadcast %add3A_946 : i32 to vector<16xi32>
        %add3A_948 = arith.addi %add3A_877, %add3A_947 : vector<16xi32>
        %swap3A_949 = arith.constant 3 : i32
        %swap3A_950 = arith.index_cast %swap3A_949 : i32 to index
        %swap3A_951 = arith.index_cast %add3A_892 : i32 to index
        %swap3A_952 = tpu.vector_load %arg6[%swap3A_950, %swap3A_951] {strides = array<i32>} : memref<32x512xi32, #tpu.memory_space<vmem>>, vector<1x16xi32>,
        %swap3A_953 = vector.shape_cast %swap3A_952 : vector<1x16xi32> to vector<16xi32>
        %swap3A_954 = vector.shape_cast %add3A_948 : vector<16xi32> to vector<1x16xi32>
        tpu.vector_store %arg6[%swap3A_950, %swap3A_951], %swap3A_954 {strides = array<i32>} : memref<32x512xi32, #tpu.memory_space<vmem>>, vector<1x16xi32>,
        %add3A_955 = arith.constant 384 : i32
        %add3A_956 = vector.broadcast %add3A_955 : i32 to vector<16xi32>
        %add3A_957 = arith.addi %add3A_887, %add3A_956 : vector<16xi32>
        %swap3A_958 = arith.constant 19 : i32
        %swap3A_959 = arith.index_cast %swap3A_958 : i32 to index
        %swap3A_960 = arith.index_cast %add3A_892 : i32 to index
        %swap3A_961 = tpu.vector_load %arg6[%swap3A_959, %swap3A_960] {strides = array<i32>} : memref<32x512xi32, #tpu.memory_space<vmem>>, vector<1x16xi32>,
        %swap3A_962 = vector.shape_cast %swap3A_961 : vector<1x16xi32> to vector<16xi32>
        %swap3A_963 = vector.shape_cast %add3A_957 : vector<16xi32> to vector<1x16xi32>
        tpu.vector_store %arg6[%swap3A_959, %swap3A_960], %swap3A_963 {strides = array<i32>} : memref<32x512xi32, #tpu.memory_space<vmem>>, vector<1x16xi32>,
        %add3A_964 = arith.constant 512 : i32
        %add3A_965 = vector.broadcast %add3A_964 : i32 to vector<16xi32>
        %add3A_966 = arith.addi %add3A_877, %add3A_965 : vector<16xi32>
        %swap3A_967 = arith.constant 4 : i32
        %swap3A_968 = arith.index_cast %swap3A_967 : i32 to index
        %swap3A_969 = arith.index_cast %add3A_892 : i32 to index
        %swap3A_970 = tpu.vector_load %arg6[%swap3A_968, %swap3A_969] {strides = array<i32>} : memref<32x512xi32, #tpu.memory_space<vmem>>, vector<1x16xi32>,
        %swap3A_971 = vector.shape_cast %swap3A_970 : vector<1x16xi32> to vector<16xi32>
        %swap3A_972 = vector.shape_cast %add3A_966 : vector<16xi32> to vector<1x16xi32>
        tpu.vector_store %arg6[%swap3A_968, %swap3A_969], %swap3A_972 {strides = array<i32>} : memref<32x512xi32, #tpu.memory_space<vmem>>, vector<1x16xi32>,
        %add3A_973 = arith.constant 512 : i32
        %add3A_974 = vector.broadcast %add3A_973 : i32 to vector<16xi32>
        %add3A_975 = arith.addi %add3A_887, %add3A_974 : vector<16xi32>
        %swap3A_976 = arith.constant 20 : i32
        %swap3A_977 = arith.index_cast %swap3A_976 : i32 to index
        %swap3A_978 = arith.index_cast %add3A_892 : i32 to index
        %swap3A_979 = tpu.vector_load %arg6[%swap3A_977, %swap3A_978] {strides = array<i32>} : memref<32x512xi32, #tpu.memory_space<vmem>>, vector<1x16xi32>,
        %swap3A_980 = vector.shape_cast %swap3A_979 : vector<1x16xi32> to vector<16xi32>
        %swap3A_981 = vector.shape_cast %add3A_975 : vector<16xi32> to vector<1x16xi32>
        tpu.vector_store %arg6[%swap3A_977, %swap3A_978], %swap3A_981 {strides = array<i32>} : memref<32x512xi32, #tpu.memory_space<vmem>>, vector<1x16xi32>,
        %add3A_982 = arith.constant 640 : i32
        %add3A_983 = vector.broadcast %add3A_982 : i32 to vector<16xi32>
        %add3A_984 = arith.addi %add3A_877, %add3A_983 : vector<16xi32>
        %swap3A_985 = arith.constant 5 : i32
        %swap3A_986 = arith.index_cast %swap3A_985 : i32 to index
        %swap3A_987 = arith.index_cast %add3A_892 : i32 to index
        %swap3A_988 = tpu.vector_load %arg6[%swap3A_986, %swap3A_987] {strides = array<i32>} : memref<32x512xi32, #tpu.memory_space<vmem>>, vector<1x16xi32>,
        %swap3A_989 = vector.shape_cast %swap3A_988 : vector<1x16xi32> to vector<16xi32>
        %swap3A_990 = vector.shape_cast %add3A_984 : vector<16xi32> to vector<1x16xi32>
        tpu.vector_store %arg6[%swap3A_986, %swap3A_987], %swap3A_990 {strides = array<i32>} : memref<32x512xi32, #tpu.memory_space<vmem>>, vector<1x16xi32>,
        %add3A_991 = arith.constant 640 : i32
        %add3A_992 = vector.broadcast %add3A_991 : i32 to vector<16xi32>
        %add3A_993 = arith.addi %add3A_887, %add3A_992 : vector<16xi32>
        %swap3A_994 = arith.constant 21 : i32
        %swap3A_995 = arith.index_cast %swap3A_994 : i32 to index
        %swap3A_996 = arith.index_cast %add3A_892 : i32 to index
        %swap3A_997 = tpu.vector_load %arg6[%swap3A_995, %swap3A_996] {strides = array<i32>} : memref<32x512xi32, #tpu.memory_space<vmem>>, vector<1x16xi32>,
        %swap3A_998 = vector.shape_cast %swap3A_997 : vector<1x16xi32> to vector<16xi32>
        %swap3A_999 = vector.shape_cast %add3A_993 : vector<16xi32> to vector<1x16xi32>
        tpu.vector_store %arg6[%swap3A_995, %swap3A_996], %swap3A_999 {strides = array<i32>} : memref<32x512xi32, #tpu.memory_space<vmem>>, vector<1x16xi32>,
        %add3A_1000 = arith.constant 768 : i32
        %add3A_1001 = vector.broadcast %add3A_1000 : i32 to vector<16xi32>
        %add3A_1002 = arith.addi %add3A_877, %add3A_1001 : vector<16xi32>
        %swap3A_1003 = arith.constant 6 : i32
        %swap3A_1004 = arith.index_cast %swap3A_1003 : i32 to index
        %swap3A_1005 = arith.index_cast %add3A_892 : i32 to index
        %swap3A_1006 = tpu.vector_load %arg6[%swap3A_1004, %swap3A_1005] {strides = array<i32>} : memref<32x512xi32, #tpu.memory_space<vmem>>, vector<1x16xi32>,
        %swap3A_1007 = vector.shape_cast %swap3A_1006 : vector<1x16xi32> to vector<16xi32>
        %swap3A_1008 = vector.shape_cast %add3A_1002 : vector<16xi32> to vector<1x16xi32>
        tpu.vector_store %arg6[%swap3A_1004, %swap3A_1005], %swap3A_1008 {strides = array<i32>} : memref<32x512xi32, #tpu.memory_space<vmem>>, vector<1x16xi32>,
        %add3A_1009 = arith.constant 768 : i32
        %add3A_1010 = vector.broadcast %add3A_1009 : i32 to vector<16xi32>
        %add3A_1011 = arith.addi %add3A_887, %add3A_1010 : vector<16xi32>
        %swap3A_1012 = arith.constant 22 : i32
        %swap3A_1013 = arith.index_cast %swap3A_1012 : i32 to index
        %swap3A_1014 = arith.index_cast %add3A_892 : i32 to index
        %swap3A_1015 = tpu.vector_load %arg6[%swap3A_1013, %swap3A_1014] {strides = array<i32>} : memref<32x512xi32, #tpu.memory_space<vmem>>, vector<1x16xi32>,
        %swap3A_1016 = vector.shape_cast %swap3A_1015 : vector<1x16xi32> to vector<16xi32>
        %swap3A_1017 = vector.shape_cast %add3A_1011 : vector<16xi32> to vector<1x16xi32>
        tpu.vector_store %arg6[%swap3A_1013, %swap3A_1014], %swap3A_1017 {strides = array<i32>} : memref<32x512xi32, #tpu.memory_space<vmem>>, vector<1x16xi32>,
        %add3A_1018 = arith.constant 896 : i32
        %add3A_1019 = vector.broadcast %add3A_1018 : i32 to vector<16xi32>
        %add3A_1020 = arith.addi %add3A_877, %add3A_1019 : vector<16xi32>
        %swap3A_1021 = arith.constant 7 : i32
        %swap3A_1022 = arith.index_cast %swap3A_1021 : i32 to index
        %swap3A_1023 = arith.index_cast %add3A_892 : i32 to index
        %swap3A_1024 = tpu.vector_load %arg6[%swap3A_1022, %swap3A_1023] {strides = array<i32>} : memref<32x512xi32, #tpu.memory_space<vmem>>, vector<1x16xi32>,
        %swap3A_1025 = vector.shape_cast %swap3A_1024 : vector<1x16xi32> to vector<16xi32>
        %swap3A_1026 = vector.shape_cast %add3A_1020 : vector<16xi32> to vector<1x16xi32>
        tpu.vector_store %arg6[%swap3A_1022, %swap3A_1023], %swap3A_1026 {strides = array<i32>} : memref<32x512xi32, #tpu.memory_space<vmem>>, vector<1x16xi32>,
        %add3A_1027 = arith.constant 896 : i32
        %add3A_1028 = vector.broadcast %add3A_1027 : i32 to vector<16xi32>
        %add3A_1029 = arith.addi %add3A_887, %add3A_1028 : vector<16xi32>
        %swap3A_1030 = arith.constant 23 : i32
        %swap3A_1031 = arith.index_cast %swap3A_1030 : i32 to index
        %swap3A_1032 = arith.index_cast %add3A_892 : i32 to index
        %swap3A_1033 = tpu.vector_load %arg6[%swap3A_1031, %swap3A_1032] {strides = array<i32>} : memref<32x512xi32, #tpu.memory_space<vmem>>, vector<1x16xi32>,
        %swap3A_1034 = vector.shape_cast %swap3A_1033 : vector<1x16xi32> to vector<16xi32>
        %swap3A_1035 = vector.shape_cast %add3A_1029 : vector<16xi32> to vector<1x16xi32>
        tpu.vector_store %arg6[%swap3A_1031, %swap3A_1032], %swap3A_1035 {strides = array<i32>} : memref<32x512xi32, #tpu.memory_space<vmem>>, vector<1x16xi32>,
        %add3A_1036 = arith.constant 16000000 : i32
        %add3A_1037 = vector.broadcast %add3A_1036 : i32 to vector<16xi32>
        %add3A_1038 = arith.addi %add3A_877, %add3A_1037 : vector<16xi32>
        %swap3A_1039 = arith.constant 8 : i32
        %swap3A_1040 = arith.index_cast %swap3A_1039 : i32 to index
        %swap3A_1041 = arith.index_cast %add3A_892 : i32 to index
        %swap3A_1042 = tpu.vector_load %arg6[%swap3A_1040, %swap3A_1041] {strides = array<i32>} : memref<32x512xi32, #tpu.memory_space<vmem>>, vector<1x16xi32>,
        %swap3A_1043 = vector.shape_cast %swap3A_1042 : vector<1x16xi32> to vector<16xi32>
        %swap3A_1044 = vector.shape_cast %add3A_1038 : vector<16xi32> to vector<1x16xi32>
        tpu.vector_store %arg6[%swap3A_1040, %swap3A_1041], %swap3A_1044 {strides = array<i32>} : memref<32x512xi32, #tpu.memory_space<vmem>>, vector<1x16xi32>,
        %add3A_1045 = arith.constant 16000000 : i32
        %add3A_1046 = vector.broadcast %add3A_1045 : i32 to vector<16xi32>
        %add3A_1047 = arith.addi %add3A_887, %add3A_1046 : vector<16xi32>
        %swap3A_1048 = arith.constant 24 : i32
        %swap3A_1049 = arith.index_cast %swap3A_1048 : i32 to index
        %swap3A_1050 = arith.index_cast %add3A_892 : i32 to index
        %swap3A_1051 = tpu.vector_load %arg6[%swap3A_1049, %swap3A_1050] {strides = array<i32>} : memref<32x512xi32, #tpu.memory_space<vmem>>, vector<1x16xi32>,
        %swap3A_1052 = vector.shape_cast %swap3A_1051 : vector<1x16xi32> to vector<16xi32>
        %swap3A_1053 = vector.shape_cast %add3A_1047 : vector<16xi32> to vector<1x16xi32>
        tpu.vector_store %arg6[%swap3A_1049, %swap3A_1050], %swap3A_1053 {strides = array<i32>} : memref<32x512xi32, #tpu.memory_space<vmem>>, vector<1x16xi32>,
        %add3A_1054 = arith.constant 16000128 : i32
        %add3A_1055 = vector.broadcast %add3A_1054 : i32 to vector<16xi32>
        %add3A_1056 = arith.addi %add3A_877, %add3A_1055 : vector<16xi32>
        %swap3A_1057 = arith.constant 9 : i32
        %swap3A_1058 = arith.index_cast %swap3A_1057 : i32 to index
        %swap3A_1059 = arith.index_cast %add3A_892 : i32 to index
        %swap3A_1060 = tpu.vector_load %arg6[%swap3A_1058, %swap3A_1059] {strides = array<i32>} : memref<32x512xi32, #tpu.memory_space<vmem>>, vector<1x16xi32>,
        %swap3A_1061 = vector.shape_cast %swap3A_1060 : vector<1x16xi32> to vector<16xi32>
        %swap3A_1062 = vector.shape_cast %add3A_1056 : vector<16xi32> to vector<1x16xi32>
        tpu.vector_store %arg6[%swap3A_1058, %swap3A_1059], %swap3A_1062 {strides = array<i32>} : memref<32x512xi32, #tpu.memory_space<vmem>>, vector<1x16xi32>,
        %add3A_1063 = arith.constant 16000128 : i32
        %add3A_1064 = vector.broadcast %add3A_1063 : i32 to vector<16xi32>
        %add3A_1065 = arith.addi %add3A_887, %add3A_1064 : vector<16xi32>
        %swap3A_1066 = arith.constant 25 : i32
        %swap3A_1067 = arith.index_cast %swap3A_1066 : i32 to index
        %swap3A_1068 = arith.index_cast %add3A_892 : i32 to index
        %swap3A_1069 = tpu.vector_load %arg6[%swap3A_1067, %swap3A_1068] {strides = array<i32>} : memref<32x512xi32, #tpu.memory_space<vmem>>, vector<1x16xi32>,
        %swap3A_1070 = vector.shape_cast %swap3A_1069 : vector<1x16xi32> to vector<16xi32>
        %swap3A_1071 = vector.shape_cast %add3A_1065 : vector<16xi32> to vector<1x16xi32>
        tpu.vector_store %arg6[%swap3A_1067, %swap3A_1068], %swap3A_1071 {strides = array<i32>} : memref<32x512xi32, #tpu.memory_space<vmem>>, vector<1x16xi32>,
        %add3A_1072 = arith.constant 16000256 : i32
        %add3A_1073 = vector.broadcast %add3A_1072 : i32 to vector<16xi32>
        %add3A_1074 = arith.addi %add3A_877, %add3A_1073 : vector<16xi32>
        %swap3A_1075 = arith.constant 10 : i32
        %swap3A_1076 = arith.index_cast %swap3A_1075 : i32 to index
        %swap3A_1077 = arith.index_cast %add3A_892 : i32 to index
        %swap3A_1078 = tpu.vector_load %arg6[%swap3A_1076, %swap3A_1077] {strides = array<i32>} : memref<32x512xi32, #tpu.memory_space<vmem>>, vector<1x16xi32>,
        %swap3A_1079 = vector.shape_cast %swap3A_1078 : vector<1x16xi32> to vector<16xi32>
        %swap3A_1080 = vector.shape_cast %add3A_1074 : vector<16xi32> to vector<1x16xi32>
        tpu.vector_store %arg6[%swap3A_1076, %swap3A_1077], %swap3A_1080 {strides = array<i32>} : memref<32x512xi32, #tpu.memory_space<vmem>>, vector<1x16xi32>,
        %add3A_1081 = arith.constant 16000256 : i32
        %add3A_1082 = vector.broadcast %add3A_1081 : i32 to vector<16xi32>
        %add3A_1083 = arith.addi %add3A_887, %add3A_1082 : vector<16xi32>
        %swap3A_1084 = arith.constant 26 : i32
        %swap3A_1085 = arith.index_cast %swap3A_1084 : i32 to index
        %swap3A_1086 = arith.index_cast %add3A_892 : i32 to index
        %swap3A_1087 = tpu.vector_load %arg6[%swap3A_1085, %swap3A_1086] {strides = array<i32>} : memref<32x512xi32, #tpu.memory_space<vmem>>, vector<1x16xi32>,
        %swap3A_1088 = vector.shape_cast %swap3A_1087 : vector<1x16xi32> to vector<16xi32>
        %swap3A_1089 = vector.shape_cast %add3A_1083 : vector<16xi32> to vector<1x16xi32>
        tpu.vector_store %arg6[%swap3A_1085, %swap3A_1086], %swap3A_1089 {strides = array<i32>} : memref<32x512xi32, #tpu.memory_space<vmem>>, vector<1x16xi32>,
        %add3A_1090 = arith.constant 16000384 : i32
        %add3A_1091 = vector.broadcast %add3A_1090 : i32 to vector<16xi32>
        %add3A_1092 = arith.addi %add3A_877, %add3A_1091 : vector<16xi32>
        %swap3A_1093 = arith.constant 11 : i32
        %swap3A_1094 = arith.index_cast %swap3A_1093 : i32 to index
        %swap3A_1095 = arith.index_cast %add3A_892 : i32 to index
        %swap3A_1096 = tpu.vector_load %arg6[%swap3A_1094, %swap3A_1095] {strides = array<i32>} : memref<32x512xi32, #tpu.memory_space<vmem>>, vector<1x16xi32>,
        %swap3A_1097 = vector.shape_cast %swap3A_1096 : vector<1x16xi32> to vector<16xi32>
        %swap3A_1098 = vector.shape_cast %add3A_1092 : vector<16xi32> to vector<1x16xi32>
        tpu.vector_store %arg6[%swap3A_1094, %swap3A_1095], %swap3A_1098 {strides = array<i32>} : memref<32x512xi32, #tpu.memory_space<vmem>>, vector<1x16xi32>,
        %add3A_1099 = arith.constant 16000384 : i32
        %add3A_1100 = vector.broadcast %add3A_1099 : i32 to vector<16xi32>
        %add3A_1101 = arith.addi %add3A_887, %add3A_1100 : vector<16xi32>
        %swap3A_1102 = arith.constant 27 : i32
        %swap3A_1103 = arith.index_cast %swap3A_1102 : i32 to index
        %swap3A_1104 = arith.index_cast %add3A_892 : i32 to index
        %swap3A_1105 = tpu.vector_load %arg6[%swap3A_1103, %swap3A_1104] {strides = array<i32>} : memref<32x512xi32, #tpu.memory_space<vmem>>, vector<1x16xi32>,
        %swap3A_1106 = vector.shape_cast %swap3A_1105 : vector<1x16xi32> to vector<16xi32>
        %swap3A_1107 = vector.shape_cast %add3A_1101 : vector<16xi32> to vector<1x16xi32>
        tpu.vector_store %arg6[%swap3A_1103, %swap3A_1104], %swap3A_1107 {strides = array<i32>} : memref<32x512xi32, #tpu.memory_space<vmem>>, vector<1x16xi32>,
        %add3A_1108 = arith.constant 16000512 : i32
        %add3A_1109 = vector.broadcast %add3A_1108 : i32 to vector<16xi32>
        %add3A_1110 = arith.addi %add3A_877, %add3A_1109 : vector<16xi32>
        %swap3A_1111 = arith.constant 12 : i32
        %swap3A_1112 = arith.index_cast %swap3A_1111 : i32 to index
        %swap3A_1113 = arith.index_cast %add3A_892 : i32 to index
        %swap3A_1114 = tpu.vector_load %arg6[%swap3A_1112, %swap3A_1113] {strides = array<i32>} : memref<32x512xi32, #tpu.memory_space<vmem>>, vector<1x16xi32>,
        %swap3A_1115 = vector.shape_cast %swap3A_1114 : vector<1x16xi32> to vector<16xi32>
        %swap3A_1116 = vector.shape_cast %add3A_1110 : vector<16xi32> to vector<1x16xi32>
        tpu.vector_store %arg6[%swap3A_1112, %swap3A_1113], %swap3A_1116 {strides = array<i32>} : memref<32x512xi32, #tpu.memory_space<vmem>>, vector<1x16xi32>,
        %add3A_1117 = arith.constant 16000512 : i32
        %add3A_1118 = vector.broadcast %add3A_1117 : i32 to vector<16xi32>
        %add3A_1119 = arith.addi %add3A_887, %add3A_1118 : vector<16xi32>
        %swap3A_1120 = arith.constant 28 : i32
        %swap3A_1121 = arith.index_cast %swap3A_1120 : i32 to index
        %swap3A_1122 = arith.index_cast %add3A_892 : i32 to index
        %swap3A_1123 = tpu.vector_load %arg6[%swap3A_1121, %swap3A_1122] {strides = array<i32>} : memref<32x512xi32, #tpu.memory_space<vmem>>, vector<1x16xi32>,
        %swap3A_1124 = vector.shape_cast %swap3A_1123 : vector<1x16xi32> to vector<16xi32>
        %swap3A_1125 = vector.shape_cast %add3A_1119 : vector<16xi32> to vector<1x16xi32>
        tpu.vector_store %arg6[%swap3A_1121, %swap3A_1122], %swap3A_1125 {strides = array<i32>} : memref<32x512xi32, #tpu.memory_space<vmem>>, vector<1x16xi32>,
        %add3A_1126 = arith.constant 16000640 : i32
        %add3A_1127 = vector.broadcast %add3A_1126 : i32 to vector<16xi32>
        %add3A_1128 = arith.addi %add3A_877, %add3A_1127 : vector<16xi32>
        %swap3A_1129 = arith.constant 13 : i32
        %swap3A_1130 = arith.index_cast %swap3A_1129 : i32 to index
        %swap3A_1131 = arith.index_cast %add3A_892 : i32 to index
        %swap3A_1132 = tpu.vector_load %arg6[%swap3A_1130, %swap3A_1131] {strides = array<i32>} : memref<32x512xi32, #tpu.memory_space<vmem>>, vector<1x16xi32>,
        %swap3A_1133 = vector.shape_cast %swap3A_1132 : vector<1x16xi32> to vector<16xi32>
        %swap3A_1134 = vector.shape_cast %add3A_1128 : vector<16xi32> to vector<1x16xi32>
        tpu.vector_store %arg6[%swap3A_1130, %swap3A_1131], %swap3A_1134 {strides = array<i32>} : memref<32x512xi32, #tpu.memory_space<vmem>>, vector<1x16xi32>,
        %add3A_1135 = arith.constant 16000640 : i32
        %add3A_1136 = vector.broadcast %add3A_1135 : i32 to vector<16xi32>
        %add3A_1137 = arith.addi %add3A_887, %add3A_1136 : vector<16xi32>
        %swap3A_1138 = arith.constant 29 : i32
        %swap3A_1139 = arith.index_cast %swap3A_1138 : i32 to index
        %swap3A_1140 = arith.index_cast %add3A_892 : i32 to index
        %swap3A_1141 = tpu.vector_load %arg6[%swap3A_1139, %swap3A_1140] {strides = array<i32>} : memref<32x512xi32, #tpu.memory_space<vmem>>, vector<1x16xi32>,
        %swap3A_1142 = vector.shape_cast %swap3A_1141 : vector<1x16xi32> to vector<16xi32>
        %swap3A_1143 = vector.shape_cast %add3A_1137 : vector<16xi32> to vector<1x16xi32>
        tpu.vector_store %arg6[%swap3A_1139, %swap3A_1140], %swap3A_1143 {strides = array<i32>} : memref<32x512xi32, #tpu.memory_space<vmem>>, vector<1x16xi32>,
        %add3A_1144 = arith.constant 16000768 : i32
        %add3A_1145 = vector.broadcast %add3A_1144 : i32 to vector<16xi32>
        %add3A_1146 = arith.addi %add3A_877, %add3A_1145 : vector<16xi32>
        %swap3A_1147 = arith.constant 14 : i32
        %swap3A_1148 = arith.index_cast %swap3A_1147 : i32 to index
        %swap3A_1149 = arith.index_cast %add3A_892 : i32 to index
        %swap3A_1150 = tpu.vector_load %arg6[%swap3A_1148, %swap3A_1149] {strides = array<i32>} : memref<32x512xi32, #tpu.memory_space<vmem>>, vector<1x16xi32>,
        %swap3A_1151 = vector.shape_cast %swap3A_1150 : vector<1x16xi32> to vector<16xi32>
        %swap3A_1152 = vector.shape_cast %add3A_1146 : vector<16xi32> to vector<1x16xi32>
        tpu.vector_store %arg6[%swap3A_1148, %swap3A_1149], %swap3A_1152 {strides = array<i32>} : memref<32x512xi32, #tpu.memory_space<vmem>>, vector<1x16xi32>,
        %add3A_1153 = arith.constant 16000768 : i32
        %add3A_1154 = vector.broadcast %add3A_1153 : i32 to vector<16xi32>
        %add3A_1155 = arith.addi %add3A_887, %add3A_1154 : vector<16xi32>
        %swap3A_1156 = arith.constant 30 : i32
        %swap3A_1157 = arith.index_cast %swap3A_1156 : i32 to index
        %swap3A_1158 = arith.index_cast %add3A_892 : i32 to index
        %swap3A_1159 = tpu.vector_load %arg6[%swap3A_1157, %swap3A_1158] {strides = array<i32>} : memref<32x512xi32, #tpu.memory_space<vmem>>, vector<1x16xi32>,
        %swap3A_1160 = vector.shape_cast %swap3A_1159 : vector<1x16xi32> to vector<16xi32>
        %swap3A_1161 = vector.shape_cast %add3A_1155 : vector<16xi32> to vector<1x16xi32>
        tpu.vector_store %arg6[%swap3A_1157, %swap3A_1158], %swap3A_1161 {strides = array<i32>} : memref<32x512xi32, #tpu.memory_space<vmem>>, vector<1x16xi32>,
        %add3A_1162 = arith.constant 16000896 : i32
        %add3A_1163 = vector.broadcast %add3A_1162 : i32 to vector<16xi32>
        %add3A_1164 = arith.addi %add3A_877, %add3A_1163 : vector<16xi32>
        %swap3A_1165 = arith.constant 15 : i32
        %swap3A_1166 = arith.index_cast %swap3A_1165 : i32 to index
        %swap3A_1167 = arith.index_cast %add3A_892 : i32 to index
        %swap3A_1168 = tpu.vector_load %arg6[%swap3A_1166, %swap3A_1167] {strides = array<i32>} : memref<32x512xi32, #tpu.memory_space<vmem>>, vector<1x16xi32>,
        %swap3A_1169 = vector.shape_cast %swap3A_1168 : vector<1x16xi32> to vector<16xi32>
        %swap3A_1170 = vector.shape_cast %add3A_1164 : vector<16xi32> to vector<1x16xi32>
        tpu.vector_store %arg6[%swap3A_1166, %swap3A_1167], %swap3A_1170 {strides = array<i32>} : memref<32x512xi32, #tpu.memory_space<vmem>>, vector<1x16xi32>,
        %add3A_1171 = arith.constant 16000896 : i32
        %add3A_1172 = vector.broadcast %add3A_1171 : i32 to vector<16xi32>
        %add3A_1173 = arith.addi %add3A_887, %add3A_1172 : vector<16xi32>
        %swap3A_1174 = arith.constant 31 : i32
        %swap3A_1175 = arith.index_cast %swap3A_1174 : i32 to index
        %swap3A_1176 = arith.index_cast %add3A_892 : i32 to index
        %swap3A_1177 = tpu.vector_load %arg6[%swap3A_1175, %swap3A_1176] {strides = array<i32>} : memref<32x512xi32, #tpu.memory_space<vmem>>, vector<1x16xi32>,
        %swap3A_1178 = vector.shape_cast %swap3A_1177 : vector<1x16xi32> to vector<16xi32>
        %swap3A_1179 = vector.shape_cast %add3A_1173 : vector<16xi32> to vector<1x16xi32>
        tpu.vector_store %arg6[%swap3A_1175, %swap3A_1176], %swap3A_1179 {strides = array<i32>} : memref<32x512xi32, #tpu.memory_space<vmem>>, vector<1x16xi32>,
      }
      %scan3A_48 = arith.constant 8 : i32
      %mul3A_49 = arith.constant 128 : i32
      %mul3A_50 = arith.muli %mul3A_49, %mul3A_39 : i32
      %dma_start3A = arith.constant 0 : i32
      %dma_start3A_51 = arith.constant 0 : i32
      %dma_start3A_52 = arith.constant 0 : i32
      %dma_start3A_53 = arith.constant 0 : i32
      %dma_start3A_54 = tpu.memref_slice %arg7[%dma_start3A_51, %mul3A_39, %dma_start3A_52, %dma_start3A_53] : memref<4x4x8x128xf32, #tpu.memory_space<vmem>> -> memref<1x1x1x128xf32, #tpu.memory_space<vmem>>
      %dma_start3A_55 = tpu.memref_squeeze %dma_start3A_54 : memref<1x1x1x128xf32, #tpu.memory_space<vmem>> -> memref<128xf32, #tpu.memory_space<vmem>>
      %dma_start3A_56 = tpu.memref_slice %arg6[%dma_start3A, %mul3A_50] : memref<32x512xi32, #tpu.memory_space<vmem>> -> memref<1x128xi32, #tpu.memory_space<vmem>>
      %dma_start3A_57 = tpu.memref_squeeze %dma_start3A_56 : memref<1x128xi32, #tpu.memory_space<vmem>> -> memref<128xi32, #tpu.memory_space<vmem>>
      %dma_start3A_58 = arith.constant 0 : i32
      %dma_start3A_59 = tpu.memref_slice %arg2[%dma_start3A_58] : memref<32000000xf32, #tpu.memory_space<hbm>> -> memref<32000000xf32, #tpu.memory_space<hbm>>
      tpu.enqueue_indirect_dma source(%dma_start3A_59 : memref<32000000xf32, #tpu.memory_space<hbm>>) target(%dma_start3A_55 : memref<128xf32, #tpu.memory_space<vmem>>) offsets(%dma_start3A_57 : memref<128xi32, #tpu.memory_space<vmem>>) semaphore(%arg8 : memref<!tpu.dma_semaphore, #tpu.memory_space<semaphore_mem>>)
      %mul3A_60 = arith.constant 128 : i32
      %mul3A_61 = arith.muli %mul3A_60, %mul3A_39 : i32
      %dma_start3A_62 = arith.constant 1 : i32
      %dma_start3A_63 = arith.constant 0 : i32
      %dma_start3A_64 = arith.constant 1 : i32
      %dma_start3A_65 = arith.constant 0 : i32
      %dma_start3A_66 = tpu.memref_slice %arg7[%dma_start3A_63, %mul3A_39, %dma_start3A_64, %dma_start3A_65] : memref<4x4x8x128xf32, #tpu.memory_space<vmem>> -> memref<1x1x1x128xf32, #tpu.memory_space<vmem>>
      %dma_start3A_67 = tpu.memref_squeeze %dma_start3A_66 : memref<1x1x1x128xf32, #tpu.memory_space<vmem>> -> memref<128xf32, #tpu.memory_space<vmem>>
      %dma_start3A_68 = tpu.memref_slice %arg6[%dma_start3A_62, %mul3A_61] : memref<32x512xi32, #tpu.memory_space<vmem>> -> memref<1x128xi32, #tpu.memory_space<vmem>>
      %dma_start3A_69 = tpu.memref_squeeze %dma_start3A_68 : memref<1x128xi32, #tpu.memory_space<vmem>> -> memref<128xi32, #tpu.memory_space<vmem>>
      %dma_start3A_70 = arith.constant 0 : i32
      %dma_start3A_71 = tpu.memref_slice %arg2[%dma_start3A_70] : memref<32000000xf32, #tpu.memory_space<hbm>> -> memref<32000000xf32, #tpu.memory_space<hbm>>
      tpu.enqueue_indirect_dma source(%dma_start3A_71 : memref<32000000xf32, #tpu.memory_space<hbm>>) target(%dma_start3A_67 : memref<128xf32, #tpu.memory_space<vmem>>) offsets(%dma_start3A_69 : memref<128xi32, #tpu.memory_space<vmem>>) semaphore(%arg8 : memref<!tpu.dma_semaphore, #tpu.memory_space<semaphore_mem>>)
      %mul3A_72 = arith.constant 128 : i32
      %mul3A_73 = arith.muli %mul3A_72, %mul3A_39 : i32
      %dma_start3A_74 = arith.constant 2 : i32
      %dma_start3A_75 = arith.constant 0 : i32
      %dma_start3A_76 = arith.constant 2 : i32
      %dma_start3A_77 = arith.constant 0 : i32
      %dma_start3A_78 = tpu.memref_slice %arg7[%dma_start3A_75, %mul3A_39, %dma_start3A_76, %dma_start3A_77] : memref<4x4x8x128xf32, #tpu.memory_space<vmem>> -> memref<1x1x1x128xf32, #tpu.memory_space<vmem>>
      %dma_start3A_79 = tpu.memref_squeeze %dma_start3A_78 : memref<1x1x1x128xf32, #tpu.memory_space<vmem>> -> memref<128xf32, #tpu.memory_space<vmem>>
      %dma_start3A_80 = tpu.memref_slice %arg6[%dma_start3A_74, %mul3A_73] : memref<32x512xi32, #tpu.memory_space<vmem>> -> memref<1x128xi32, #tpu.memory_space<vmem>>
      %dma_start3A_81 = tpu.memref_squeeze %dma_start3A_80 : memref<1x128xi32, #tpu.memory_space<vmem>> -> memref<128xi32, #tpu.memory_space<vmem>>
      %dma_start3A_82 = arith.constant 0 : i32
      %dma_start3A_83 = tpu.memref_slice %arg2[%dma_start3A_82] : memref<32000000xf32, #tpu.memory_space<hbm>> -> memref<32000000xf32, #tpu.memory_space<hbm>>
      tpu.enqueue_indirect_dma source(%dma_start3A_83 : memref<32000000xf32, #tpu.memory_space<hbm>>) target(%dma_start3A_79 : memref<128xf32, #tpu.memory_space<vmem>>) offsets(%dma_start3A_81 : memref<128xi32, #tpu.memory_space<vmem>>) semaphore(%arg8 : memref<!tpu.dma_semaphore, #tpu.memory_space<semaphore_mem>>)
      %mul3A_84 = arith.constant 128 : i32
      %mul3A_85 = arith.muli %mul3A_84, %mul3A_39 : i32
      %dma_start3A_86 = arith.constant 3 : i32
      %dma_start3A_87 = arith.constant 0 : i32
      %dma_start3A_88 = arith.constant 3 : i32
      %dma_start3A_89 = arith.constant 0 : i32
      %dma_start3A_90 = tpu.memref_slice %arg7[%dma_start3A_87, %mul3A_39, %dma_start3A_88, %dma_start3A_89] : memref<4x4x8x128xf32, #tpu.memory_space<vmem>> -> memref<1x1x1x128xf32, #tpu.memory_space<vmem>>
      %dma_start3A_91 = tpu.memref_squeeze %dma_start3A_90 : memref<1x1x1x128xf32, #tpu.memory_space<vmem>> -> memref<128xf32, #tpu.memory_space<vmem>>
      %dma_start3A_92 = tpu.memref_slice %arg6[%dma_start3A_86, %mul3A_85] : memref<32x512xi32, #tpu.memory_space<vmem>> -> memref<1x128xi32, #tpu.memory_space<vmem>>
      %dma_start3A_93 = tpu.memref_squeeze %dma_start3A_92 : memref<1x128xi32, #tpu.memory_space<vmem>> -> memref<128xi32, #tpu.memory_space<vmem>>
      %dma_start3A_94 = arith.constant 0 : i32
      %dma_start3A_95 = tpu.memref_slice %arg2[%dma_start3A_94] : memref<32000000xf32, #tpu.memory_space<hbm>> -> memref<32000000xf32, #tpu.memory_space<hbm>>
      tpu.enqueue_indirect_dma source(%dma_start3A_95 : memref<32000000xf32, #tpu.memory_space<hbm>>) target(%dma_start3A_91 : memref<128xf32, #tpu.memory_space<vmem>>) offsets(%dma_start3A_93 : memref<128xi32, #tpu.memory_space<vmem>>) semaphore(%arg8 : memref<!tpu.dma_semaphore, #tpu.memory_space<semaphore_mem>>)
      %mul3A_96 = arith.constant 128 : i32
      %mul3A_97 = arith.muli %mul3A_96, %mul3A_39 : i32
      %dma_start3A_98 = arith.constant 4 : i32
      %dma_start3A_99 = arith.constant 0 : i32
      %dma_start3A_100 = arith.constant 4 : i32
      %dma_start3A_101 = arith.constant 0 : i32
      %dma_start3A_102 = tpu.memref_slice %arg7[%dma_start3A_99, %mul3A_39, %dma_start3A_100, %dma_start3A_101] : memref<4x4x8x128xf32, #tpu.memory_space<vmem>> -> memref<1x1x1x128xf32, #tpu.memory_space<vmem>>
      %dma_start3A_103 = tpu.memref_squeeze %dma_start3A_102 : memref<1x1x1x128xf32, #tpu.memory_space<vmem>> -> memref<128xf32, #tpu.memory_space<vmem>>
      %dma_start3A_104 = tpu.memref_slice %arg6[%dma_start3A_98, %mul3A_97] : memref<32x512xi32, #tpu.memory_space<vmem>> -> memref<1x128xi32, #tpu.memory_space<vmem>>
      %dma_start3A_105 = tpu.memref_squeeze %dma_start3A_104 : memref<1x128xi32, #tpu.memory_space<vmem>> -> memref<128xi32, #tpu.memory_space<vmem>>
      %dma_start3A_106 = arith.constant 0 : i32
      %dma_start3A_107 = tpu.memref_slice %arg2[%dma_start3A_106] : memref<32000000xf32, #tpu.memory_space<hbm>> -> memref<32000000xf32, #tpu.memory_space<hbm>>
      tpu.enqueue_indirect_dma source(%dma_start3A_107 : memref<32000000xf32, #tpu.memory_space<hbm>>) target(%dma_start3A_103 : memref<128xf32, #tpu.memory_space<vmem>>) offsets(%dma_start3A_105 : memref<128xi32, #tpu.memory_space<vmem>>) semaphore(%arg8 : memref<!tpu.dma_semaphore, #tpu.memory_space<semaphore_mem>>)
      %mul3A_108 = arith.constant 128 : i32
      %mul3A_109 = arith.muli %mul3A_108, %mul3A_39 : i32
      %dma_start3A_110 = arith.constant 5 : i32
      %dma_start3A_111 = arith.constant 0 : i32
      %dma_start3A_112 = arith.constant 5 : i32
      %dma_start3A_113 = arith.constant 0 : i32
      %dma_start3A_114 = tpu.memref_slice %arg7[%dma_start3A_111, %mul3A_39, %dma_start3A_112, %dma_start3A_113] : memref<4x4x8x128xf32, #tpu.memory_space<vmem>> -> memref<1x1x1x128xf32, #tpu.memory_space<vmem>>
      %dma_start3A_115 = tpu.memref_squeeze %dma_start3A_114 : memref<1x1x1x128xf32, #tpu.memory_space<vmem>> -> memref<128xf32, #tpu.memory_space<vmem>>
      %dma_start3A_116 = tpu.memref_slice %arg6[%dma_start3A_110, %mul3A_109] : memref<32x512xi32, #tpu.memory_space<vmem>> -> memref<1x128xi32, #tpu.memory_space<vmem>>
      %dma_start3A_117 = tpu.memref_squeeze %dma_start3A_116 : memref<1x128xi32, #tpu.memory_space<vmem>> -> memref<128xi32, #tpu.memory_space<vmem>>
      %dma_start3A_118 = arith.constant 0 : i32
      %dma_start3A_119 = tpu.memref_slice %arg2[%dma_start3A_118] : memref<32000000xf32, #tpu.memory_space<hbm>> -> memref<32000000xf32, #tpu.memory_space<hbm>>
      tpu.enqueue_indirect_dma source(%dma_start3A_119 : memref<32000000xf32, #tpu.memory_space<hbm>>) target(%dma_start3A_115 : memref<128xf32, #tpu.memory_space<vmem>>) offsets(%dma_start3A_117 : memref<128xi32, #tpu.memory_space<vmem>>) semaphore(%arg8 : memref<!tpu.dma_semaphore, #tpu.memory_space<semaphore_mem>>)
      %mul3A_120 = arith.constant 128 : i32
      %mul3A_121 = arith.muli %mul3A_120, %mul3A_39 : i32
      %dma_start3A_122 = arith.constant 6 : i32
      %dma_start3A_123 = arith.constant 0 : i32
      %dma_start3A_124 = arith.constant 6 : i32
      %dma_start3A_125 = arith.constant 0 : i32
      %dma_start3A_126 = tpu.memref_slice %arg7[%dma_start3A_123, %mul3A_39, %dma_start3A_124, %dma_start3A_125] : memref<4x4x8x128xf32, #tpu.memory_space<vmem>> -> memref<1x1x1x128xf32, #tpu.memory_space<vmem>>
      %dma_start3A_127 = tpu.memref_squeeze %dma_start3A_126 : memref<1x1x1x128xf32, #tpu.memory_space<vmem>> -> memref<128xf32, #tpu.memory_space<vmem>>
      %dma_start3A_128 = tpu.memref_slice %arg6[%dma_start3A_122, %mul3A_121] : memref<32x512xi32, #tpu.memory_space<vmem>> -> memref<1x128xi32, #tpu.memory_space<vmem>>
      %dma_start3A_129 = tpu.memref_squeeze %dma_start3A_128 : memref<1x128xi32, #tpu.memory_space<vmem>> -> memref<128xi32, #tpu.memory_space<vmem>>
      %dma_start3A_130 = arith.constant 0 : i32
      %dma_start3A_131 = tpu.memref_slice %arg2[%dma_start3A_130] : memref<32000000xf32, #tpu.memory_space<hbm>> -> memref<32000000xf32, #tpu.memory_space<hbm>>
      tpu.enqueue_indirect_dma source(%dma_start3A_131 : memref<32000000xf32, #tpu.memory_space<hbm>>) target(%dma_start3A_127 : memref<128xf32, #tpu.memory_space<vmem>>) offsets(%dma_start3A_129 : memref<128xi32, #tpu.memory_space<vmem>>) semaphore(%arg8 : memref<!tpu.dma_semaphore, #tpu.memory_space<semaphore_mem>>)
      %mul3A_132 = arith.constant 128 : i32
      %mul3A_133 = arith.muli %mul3A_132, %mul3A_39 : i32
      %dma_start3A_134 = arith.constant 7 : i32
      %dma_start3A_135 = arith.constant 0 : i32
      %dma_start3A_136 = arith.constant 7 : i32
      %dma_start3A_137 = arith.constant 0 : i32
      %dma_start3A_138 = tpu.memref_slice %arg7[%dma_start3A_135, %mul3A_39, %dma_start3A_136, %dma_start3A_137] : memref<4x4x8x128xf32, #tpu.memory_space<vmem>> -> memref<1x1x1x128xf32, #tpu.memory_space<vmem>>
      %dma_start3A_139 = tpu.memref_squeeze %dma_start3A_138 : memref<1x1x1x128xf32, #tpu.memory_space<vmem>> -> memref<128xf32, #tpu.memory_space<vmem>>
      %dma_start3A_140 = tpu.memref_slice %arg6[%dma_start3A_134, %mul3A_133] : memref<32x512xi32, #tpu.memory_space<vmem>> -> memref<1x128xi32, #tpu.memory_space<vmem>>
      %dma_start3A_141 = tpu.memref_squeeze %dma_start3A_140 : memref<1x128xi32, #tpu.memory_space<vmem>> -> memref<128xi32, #tpu.memory_space<vmem>>
      %dma_start3A_142 = arith.constant 0 : i32
      %dma_start3A_143 = tpu.memref_slice %arg2[%dma_start3A_142] : memref<32000000xf32, #tpu.memory_space<hbm>> -> memref<32000000xf32, #tpu.memory_space<hbm>>
      tpu.enqueue_indirect_dma source(%dma_start3A_143 : memref<32000000xf32, #tpu.memory_space<hbm>>) target(%dma_start3A_139 : memref<128xf32, #tpu.memory_space<vmem>>) offsets(%dma_start3A_141 : memref<128xi32, #tpu.memory_space<vmem>>) semaphore(%arg8 : memref<!tpu.dma_semaphore, #tpu.memory_space<semaphore_mem>>)
      %mul3A_144 = arith.constant 128 : i32
      %mul3A_145 = arith.muli %mul3A_144, %mul3A_39 : i32
      %dma_start3A_146 = arith.constant 8 : i32
      %dma_start3A_147 = arith.constant 1 : i32
      %dma_start3A_148 = arith.constant 0 : i32
      %dma_start3A_149 = arith.constant 0 : i32
      %dma_start3A_150 = tpu.memref_slice %arg7[%dma_start3A_147, %mul3A_39, %dma_start3A_148, %dma_start3A_149] : memref<4x4x8x128xf32, #tpu.memory_space<vmem>> -> memref<1x1x1x128xf32, #tpu.memory_space<vmem>>
      %dma_start3A_151 = tpu.memref_squeeze %dma_start3A_150 : memref<1x1x1x128xf32, #tpu.memory_space<vmem>> -> memref<128xf32, #tpu.memory_space<vmem>>
      %dma_start3A_152 = tpu.memref_slice %arg6[%dma_start3A_146, %mul3A_145] : memref<32x512xi32, #tpu.memory_space<vmem>> -> memref<1x128xi32, #tpu.memory_space<vmem>>
      %dma_start3A_153 = tpu.memref_squeeze %dma_start3A_152 : memref<1x128xi32, #tpu.memory_space<vmem>> -> memref<128xi32, #tpu.memory_space<vmem>>
      %dma_start3A_154 = arith.constant 0 : i32
      %dma_start3A_155 = tpu.memref_slice %arg2[%dma_start3A_154] : memref<32000000xf32, #tpu.memory_space<hbm>> -> memref<32000000xf32, #tpu.memory_space<hbm>>
      tpu.enqueue_indirect_dma source(%dma_start3A_155 : memref<32000000xf32, #tpu.memory_space<hbm>>) target(%dma_start3A_151 : memref<128xf32, #tpu.memory_space<vmem>>) offsets(%dma_start3A_153 : memref<128xi32, #tpu.memory_space<vmem>>) semaphore(%arg8 : memref<!tpu.dma_semaphore, #tpu.memory_space<semaphore_mem>>)
      %mul3A_156 = arith.constant 128 : i32
      %mul3A_157 = arith.muli %mul3A_156, %mul3A_39 : i32
      %dma_start3A_158 = arith.constant 9 : i32
      %dma_start3A_159 = arith.constant 1 : i32
      %dma_start3A_160 = arith.constant 1 : i32
      %dma_start3A_161 = arith.constant 0 : i32
      %dma_start3A_162 = tpu.memref_slice %arg7[%dma_start3A_159, %mul3A_39, %dma_start3A_160, %dma_start3A_161] : memref<4x4x8x128xf32, #tpu.memory_space<vmem>> -> memref<1x1x1x128xf32, #tpu.memory_space<vmem>>
      %dma_start3A_163 = tpu.memref_squeeze %dma_start3A_162 : memref<1x1x1x128xf32, #tpu.memory_space<vmem>> -> memref<128xf32, #tpu.memory_space<vmem>>
      %dma_start3A_164 = tpu.memref_slice %arg6[%dma_start3A_158, %mul3A_157] : memref<32x512xi32, #tpu.memory_space<vmem>> -> memref<1x128xi32, #tpu.memory_space<vmem>>
      %dma_start3A_165 = tpu.memref_squeeze %dma_start3A_164 : memref<1x128xi32, #tpu.memory_space<vmem>> -> memref<128xi32, #tpu.memory_space<vmem>>
      %dma_start3A_166 = arith.constant 0 : i32
      %dma_start3A_167 = tpu.memref_slice %arg2[%dma_start3A_166] : memref<32000000xf32, #tpu.memory_space<hbm>> -> memref<32000000xf32, #tpu.memory_space<hbm>>
      tpu.enqueue_indirect_dma source(%dma_start3A_167 : memref<32000000xf32, #tpu.memory_space<hbm>>) target(%dma_start3A_163 : memref<128xf32, #tpu.memory_space<vmem>>) offsets(%dma_start3A_165 : memref<128xi32, #tpu.memory_space<vmem>>) semaphore(%arg8 : memref<!tpu.dma_semaphore, #tpu.memory_space<semaphore_mem>>)
      %mul3A_168 = arith.constant 128 : i32
      %mul3A_169 = arith.muli %mul3A_168, %mul3A_39 : i32
      %dma_start3A_170 = arith.constant 10 : i32
      %dma_start3A_171 = arith.constant 1 : i32
      %dma_start3A_172 = arith.constant 2 : i32
      %dma_start3A_173 = arith.constant 0 : i32
      %dma_start3A_174 = tpu.memref_slice %arg7[%dma_start3A_171, %mul3A_39, %dma_start3A_172, %dma_start3A_173] : memref<4x4x8x128xf32, #tpu.memory_space<vmem>> -> memref<1x1x1x128xf32, #tpu.memory_space<vmem>>
      %dma_start3A_175 = tpu.memref_squeeze %dma_start3A_174 : memref<1x1x1x128xf32, #tpu.memory_space<vmem>> -> memref<128xf32, #tpu.memory_space<vmem>>
      %dma_start3A_176 = tpu.memref_slice %arg6[%dma_start3A_170, %mul3A_169] : memref<32x512xi32, #tpu.memory_space<vmem>> -> memref<1x128xi32, #tpu.memory_space<vmem>>
      %dma_start3A_177 = tpu.memref_squeeze %dma_start3A_176 : memref<1x128xi32, #tpu.memory_space<vmem>> -> memref<128xi32, #tpu.memory_space<vmem>>
      %dma_start3A_178 = arith.constant 0 : i32
      %dma_start3A_179 = tpu.memref_slice %arg2[%dma_start3A_178] : memref<32000000xf32, #tpu.memory_space<hbm>> -> memref<32000000xf32, #tpu.memory_space<hbm>>
      tpu.enqueue_indirect_dma source(%dma_start3A_179 : memref<32000000xf32, #tpu.memory_space<hbm>>) target(%dma_start3A_175 : memref<128xf32, #tpu.memory_space<vmem>>) offsets(%dma_start3A_177 : memref<128xi32, #tpu.memory_space<vmem>>) semaphore(%arg8 : memref<!tpu.dma_semaphore, #tpu.memory_space<semaphore_mem>>)
      %mul3A_180 = arith.constant 128 : i32
      %mul3A_181 = arith.muli %mul3A_180, %mul3A_39 : i32
      %dma_start3A_182 = arith.constant 11 : i32
      %dma_start3A_183 = arith.constant 1 : i32
      %dma_start3A_184 = arith.constant 3 : i32
      %dma_start3A_185 = arith.constant 0 : i32
      %dma_start3A_186 = tpu.memref_slice %arg7[%dma_start3A_183, %mul3A_39, %dma_start3A_184, %dma_start3A_185] : memref<4x4x8x128xf32, #tpu.memory_space<vmem>> -> memref<1x1x1x128xf32, #tpu.memory_space<vmem>>
      %dma_start3A_187 = tpu.memref_squeeze %dma_start3A_186 : memref<1x1x1x128xf32, #tpu.memory_space<vmem>> -> memref<128xf32, #tpu.memory_space<vmem>>
      %dma_start3A_188 = tpu.memref_slice %arg6[%dma_start3A_182, %mul3A_181] : memref<32x512xi32, #tpu.memory_space<vmem>> -> memref<1x128xi32, #tpu.memory_space<vmem>>
      %dma_start3A_189 = tpu.memref_squeeze %dma_start3A_188 : memref<1x128xi32, #tpu.memory_space<vmem>> -> memref<128xi32, #tpu.memory_space<vmem>>
      %dma_start3A_190 = arith.constant 0 : i32
      %dma_start3A_191 = tpu.memref_slice %arg2[%dma_start3A_190] : memref<32000000xf32, #tpu.memory_space<hbm>> -> memref<32000000xf32, #tpu.memory_space<hbm>>
      tpu.enqueue_indirect_dma source(%dma_start3A_191 : memref<32000000xf32, #tpu.memory_space<hbm>>) target(%dma_start3A_187 : memref<128xf32, #tpu.memory_space<vmem>>) offsets(%dma_start3A_189 : memref<128xi32, #tpu.memory_space<vmem>>) semaphore(%arg8 : memref<!tpu.dma_semaphore, #tpu.memory_space<semaphore_mem>>)
      %mul3A_192 = arith.constant 128 : i32
      %mul3A_193 = arith.muli %mul3A_192, %mul3A_39 : i32
      %dma_start3A_194 = arith.constant 12 : i32
      %dma_start3A_195 = arith.constant 1 : i32
      %dma_start3A_196 = arith.constant 4 : i32
      %dma_start3A_197 = arith.constant 0 : i32
      %dma_start3A_198 = tpu.memref_slice %arg7[%dma_start3A_195, %mul3A_39, %dma_start3A_196, %dma_start3A_197] : memref<4x4x8x128xf32, #tpu.memory_space<vmem>> -> memref<1x1x1x128xf32, #tpu.memory_space<vmem>>
      %dma_start3A_199 = tpu.memref_squeeze %dma_start3A_198 : memref<1x1x1x128xf32, #tpu.memory_space<vmem>> -> memref<128xf32, #tpu.memory_space<vmem>>
      %dma_start3A_200 = tpu.memref_slice %arg6[%dma_start3A_194, %mul3A_193] : memref<32x512xi32, #tpu.memory_space<vmem>> -> memref<1x128xi32, #tpu.memory_space<vmem>>
      %dma_start3A_201 = tpu.memref_squeeze %dma_start3A_200 : memref<1x128xi32, #tpu.memory_space<vmem>> -> memref<128xi32, #tpu.memory_space<vmem>>
      %dma_start3A_202 = arith.constant 0 : i32
      %dma_start3A_203 = tpu.memref_slice %arg2[%dma_start3A_202] : memref<32000000xf32, #tpu.memory_space<hbm>> -> memref<32000000xf32, #tpu.memory_space<hbm>>
      tpu.enqueue_indirect_dma source(%dma_start3A_203 : memref<32000000xf32, #tpu.memory_space<hbm>>) target(%dma_start3A_199 : memref<128xf32, #tpu.memory_space<vmem>>) offsets(%dma_start3A_201 : memref<128xi32, #tpu.memory_space<vmem>>) semaphore(%arg8 : memref<!tpu.dma_semaphore, #tpu.memory_space<semaphore_mem>>)
      %mul3A_204 = arith.constant 128 : i32
      %mul3A_205 = arith.muli %mul3A_204, %mul3A_39 : i32
      %dma_start3A_206 = arith.constant 13 : i32
      %dma_start3A_207 = arith.constant 1 : i32
      %dma_start3A_208 = arith.constant 5 : i32
      %dma_start3A_209 = arith.constant 0 : i32
      %dma_start3A_210 = tpu.memref_slice %arg7[%dma_start3A_207, %mul3A_39, %dma_start3A_208, %dma_start3A_209] : memref<4x4x8x128xf32, #tpu.memory_space<vmem>> -> memref<1x1x1x128xf32, #tpu.memory_space<vmem>>
      %dma_start3A_211 = tpu.memref_squeeze %dma_start3A_210 : memref<1x1x1x128xf32, #tpu.memory_space<vmem>> -> memref<128xf32, #tpu.memory_space<vmem>>
      %dma_start3A_212 = tpu.memref_slice %arg6[%dma_start3A_206, %mul3A_205] : memref<32x512xi32, #tpu.memory_space<vmem>> -> memref<1x128xi32, #tpu.memory_space<vmem>>
      %dma_start3A_213 = tpu.memref_squeeze %dma_start3A_212 : memref<1x128xi32, #tpu.memory_space<vmem>> -> memref<128xi32, #tpu.memory_space<vmem>>
      %dma_start3A_214 = arith.constant 0 : i32
      %dma_start3A_215 = tpu.memref_slice %arg2[%dma_start3A_214] : memref<32000000xf32, #tpu.memory_space<hbm>> -> memref<32000000xf32, #tpu.memory_space<hbm>>
      tpu.enqueue_indirect_dma source(%dma_start3A_215 : memref<32000000xf32, #tpu.memory_space<hbm>>) target(%dma_start3A_211 : memref<128xf32, #tpu.memory_space<vmem>>) offsets(%dma_start3A_213 : memref<128xi32, #tpu.memory_space<vmem>>) semaphore(%arg8 : memref<!tpu.dma_semaphore, #tpu.memory_space<semaphore_mem>>)
      %mul3A_216 = arith.constant 128 : i32
      %mul3A_217 = arith.muli %mul3A_216, %mul3A_39 : i32
      %dma_start3A_218 = arith.constant 14 : i32
      %dma_start3A_219 = arith.constant 1 : i32
      %dma_start3A_220 = arith.constant 6 : i32
      %dma_start3A_221 = arith.constant 0 : i32
      %dma_start3A_222 = tpu.memref_slice %arg7[%dma_start3A_219, %mul3A_39, %dma_start3A_220, %dma_start3A_221] : memref<4x4x8x128xf32, #tpu.memory_space<vmem>> -> memref<1x1x1x128xf32, #tpu.memory_space<vmem>>
      %dma_start3A_223 = tpu.memref_squeeze %dma_start3A_222 : memref<1x1x1x128xf32, #tpu.memory_space<vmem>> -> memref<128xf32, #tpu.memory_space<vmem>>
      %dma_start3A_224 = tpu.memref_slice %arg6[%dma_start3A_218, %mul3A_217] : memref<32x512xi32, #tpu.memory_space<vmem>> -> memref<1x128xi32, #tpu.memory_space<vmem>>
      %dma_start3A_225 = tpu.memref_squeeze %dma_start3A_224 : memref<1x128xi32, #tpu.memory_space<vmem>> -> memref<128xi32, #tpu.memory_space<vmem>>
      %dma_start3A_226 = arith.constant 0 : i32
      %dma_start3A_227 = tpu.memref_slice %arg2[%dma_start3A_226] : memref<32000000xf32, #tpu.memory_space<hbm>> -> memref<32000000xf32, #tpu.memory_space<hbm>>
      tpu.enqueue_indirect_dma source(%dma_start3A_227 : memref<32000000xf32, #tpu.memory_space<hbm>>) target(%dma_start3A_223 : memref<128xf32, #tpu.memory_space<vmem>>) offsets(%dma_start3A_225 : memref<128xi32, #tpu.memory_space<vmem>>) semaphore(%arg8 : memref<!tpu.dma_semaphore, #tpu.memory_space<semaphore_mem>>)
      %mul3A_228 = arith.constant 128 : i32
      %mul3A_229 = arith.muli %mul3A_228, %mul3A_39 : i32
      %dma_start3A_230 = arith.constant 15 : i32
      %dma_start3A_231 = arith.constant 1 : i32
      %dma_start3A_232 = arith.constant 7 : i32
      %dma_start3A_233 = arith.constant 0 : i32
      %dma_start3A_234 = tpu.memref_slice %arg7[%dma_start3A_231, %mul3A_39, %dma_start3A_232, %dma_start3A_233] : memref<4x4x8x128xf32, #tpu.memory_space<vmem>> -> memref<1x1x1x128xf32, #tpu.memory_space<vmem>>
      %dma_start3A_235 = tpu.memref_squeeze %dma_start3A_234 : memref<1x1x1x128xf32, #tpu.memory_space<vmem>> -> memref<128xf32, #tpu.memory_space<vmem>>
      %dma_start3A_236 = tpu.memref_slice %arg6[%dma_start3A_230, %mul3A_229] : memref<32x512xi32, #tpu.memory_space<vmem>> -> memref<1x128xi32, #tpu.memory_space<vmem>>
      %dma_start3A_237 = tpu.memref_squeeze %dma_start3A_236 : memref<1x128xi32, #tpu.memory_space<vmem>> -> memref<128xi32, #tpu.memory_space<vmem>>
      %dma_start3A_238 = arith.constant 0 : i32
      %dma_start3A_239 = tpu.memref_slice %arg2[%dma_start3A_238] : memref<32000000xf32, #tpu.memory_space<hbm>> -> memref<32000000xf32, #tpu.memory_space<hbm>>
      tpu.enqueue_indirect_dma source(%dma_start3A_239 : memref<32000000xf32, #tpu.memory_space<hbm>>) target(%dma_start3A_235 : memref<128xf32, #tpu.memory_space<vmem>>) offsets(%dma_start3A_237 : memref<128xi32, #tpu.memory_space<vmem>>) semaphore(%arg8 : memref<!tpu.dma_semaphore, #tpu.memory_space<semaphore_mem>>)
      %mul3A_240 = arith.constant 128 : i32
      %mul3A_241 = arith.muli %mul3A_240, %mul3A_39 : i32
      %dma_start3A_242 = arith.constant 16 : i32
      %dma_start3A_243 = arith.constant 2 : i32
      %dma_start3A_244 = arith.constant 0 : i32
      %dma_start3A_245 = arith.constant 0 : i32
      %dma_start3A_246 = tpu.memref_slice %arg7[%dma_start3A_243, %mul3A_39, %dma_start3A_244, %dma_start3A_245] : memref<4x4x8x128xf32, #tpu.memory_space<vmem>> -> memref<1x1x1x128xf32, #tpu.memory_space<vmem>>
      %dma_start3A_247 = tpu.memref_squeeze %dma_start3A_246 : memref<1x1x1x128xf32, #tpu.memory_space<vmem>> -> memref<128xf32, #tpu.memory_space<vmem>>
      %dma_start3A_248 = tpu.memref_slice %arg6[%dma_start3A_242, %mul3A_241] : memref<32x512xi32, #tpu.memory_space<vmem>> -> memref<1x128xi32, #tpu.memory_space<vmem>>
      %dma_start3A_249 = tpu.memref_squeeze %dma_start3A_248 : memref<1x128xi32, #tpu.memory_space<vmem>> -> memref<128xi32, #tpu.memory_space<vmem>>
      %dma_start3A_250 = arith.constant 0 : i32
      %dma_start3A_251 = tpu.memref_slice %arg2[%dma_start3A_250] : memref<32000000xf32, #tpu.memory_space<hbm>> -> memref<32000000xf32, #tpu.memory_space<hbm>>
      tpu.enqueue_indirect_dma source(%dma_start3A_251 : memref<32000000xf32, #tpu.memory_space<hbm>>) target(%dma_start3A_247 : memref<128xf32, #tpu.memory_space<vmem>>) offsets(%dma_start3A_249 : memref<128xi32, #tpu.memory_space<vmem>>) semaphore(%arg8 : memref<!tpu.dma_semaphore, #tpu.memory_space<semaphore_mem>>)
      %mul3A_252 = arith.constant 128 : i32
      %mul3A_253 = arith.muli %mul3A_252, %mul3A_39 : i32
      %dma_start3A_254 = arith.constant 17 : i32
      %dma_start3A_255 = arith.constant 2 : i32
      %dma_start3A_256 = arith.constant 1 : i32
      %dma_start3A_257 = arith.constant 0 : i32
      %dma_start3A_258 = tpu.memref_slice %arg7[%dma_start3A_255, %mul3A_39, %dma_start3A_256, %dma_start3A_257] : memref<4x4x8x128xf32, #tpu.memory_space<vmem>> -> memref<1x1x1x128xf32, #tpu.memory_space<vmem>>
      %dma_start3A_259 = tpu.memref_squeeze %dma_start3A_258 : memref<1x1x1x128xf32, #tpu.memory_space<vmem>> -> memref<128xf32, #tpu.memory_space<vmem>>
      %dma_start3A_260 = tpu.memref_slice %arg6[%dma_start3A_254, %mul3A_253] : memref<32x512xi32, #tpu.memory_space<vmem>> -> memref<1x128xi32, #tpu.memory_space<vmem>>
      %dma_start3A_261 = tpu.memref_squeeze %dma_start3A_260 : memref<1x128xi32, #tpu.memory_space<vmem>> -> memref<128xi32, #tpu.memory_space<vmem>>
      %dma_start3A_262 = arith.constant 0 : i32
      %dma_start3A_263 = tpu.memref_slice %arg2[%dma_start3A_262] : memref<32000000xf32, #tpu.memory_space<hbm>> -> memref<32000000xf32, #tpu.memory_space<hbm>>
      tpu.enqueue_indirect_dma source(%dma_start3A_263 : memref<32000000xf32, #tpu.memory_space<hbm>>) target(%dma_start3A_259 : memref<128xf32, #tpu.memory_space<vmem>>) offsets(%dma_start3A_261 : memref<128xi32, #tpu.memory_space<vmem>>) semaphore(%arg8 : memref<!tpu.dma_semaphore, #tpu.memory_space<semaphore_mem>>)
      %mul3A_264 = arith.constant 128 : i32
      %mul3A_265 = arith.muli %mul3A_264, %mul3A_39 : i32
      %dma_start3A_266 = arith.constant 18 : i32
      %dma_start3A_267 = arith.constant 2 : i32
      %dma_start3A_268 = arith.constant 2 : i32
      %dma_start3A_269 = arith.constant 0 : i32
      %dma_start3A_270 = tpu.memref_slice %arg7[%dma_start3A_267, %mul3A_39, %dma_start3A_268, %dma_start3A_269] : memref<4x4x8x128xf32, #tpu.memory_space<vmem>> -> memref<1x1x1x128xf32, #tpu.memory_space<vmem>>
      %dma_start3A_271 = tpu.memref_squeeze %dma_start3A_270 : memref<1x1x1x128xf32, #tpu.memory_space<vmem>> -> memref<128xf32, #tpu.memory_space<vmem>>
      %dma_start3A_272 = tpu.memref_slice %arg6[%dma_start3A_266, %mul3A_265] : memref<32x512xi32, #tpu.memory_space<vmem>> -> memref<1x128xi32, #tpu.memory_space<vmem>>
      %dma_start3A_273 = tpu.memref_squeeze %dma_start3A_272 : memref<1x128xi32, #tpu.memory_space<vmem>> -> memref<128xi32, #tpu.memory_space<vmem>>
      %dma_start3A_274 = arith.constant 0 : i32
      %dma_start3A_275 = tpu.memref_slice %arg2[%dma_start3A_274] : memref<32000000xf32, #tpu.memory_space<hbm>> -> memref<32000000xf32, #tpu.memory_space<hbm>>
      tpu.enqueue_indirect_dma source(%dma_start3A_275 : memref<32000000xf32, #tpu.memory_space<hbm>>) target(%dma_start3A_271 : memref<128xf32, #tpu.memory_space<vmem>>) offsets(%dma_start3A_273 : memref<128xi32, #tpu.memory_space<vmem>>) semaphore(%arg8 : memref<!tpu.dma_semaphore, #tpu.memory_space<semaphore_mem>>)
      %mul3A_276 = arith.constant 128 : i32
      %mul3A_277 = arith.muli %mul3A_276, %mul3A_39 : i32
      %dma_start3A_278 = arith.constant 19 : i32
      %dma_start3A_279 = arith.constant 2 : i32
      %dma_start3A_280 = arith.constant 3 : i32
      %dma_start3A_281 = arith.constant 0 : i32
      %dma_start3A_282 = tpu.memref_slice %arg7[%dma_start3A_279, %mul3A_39, %dma_start3A_280, %dma_start3A_281] : memref<4x4x8x128xf32, #tpu.memory_space<vmem>> -> memref<1x1x1x128xf32, #tpu.memory_space<vmem>>
      %dma_start3A_283 = tpu.memref_squeeze %dma_start3A_282 : memref<1x1x1x128xf32, #tpu.memory_space<vmem>> -> memref<128xf32, #tpu.memory_space<vmem>>
      %dma_start3A_284 = tpu.memref_slice %arg6[%dma_start3A_278, %mul3A_277] : memref<32x512xi32, #tpu.memory_space<vmem>> -> memref<1x128xi32, #tpu.memory_space<vmem>>
      %dma_start3A_285 = tpu.memref_squeeze %dma_start3A_284 : memref<1x128xi32, #tpu.memory_space<vmem>> -> memref<128xi32, #tpu.memory_space<vmem>>
      %dma_start3A_286 = arith.constant 0 : i32
      %dma_start3A_287 = tpu.memref_slice %arg2[%dma_start3A_286] : memref<32000000xf32, #tpu.memory_space<hbm>> -> memref<32000000xf32, #tpu.memory_space<hbm>>
      tpu.enqueue_indirect_dma source(%dma_start3A_287 : memref<32000000xf32, #tpu.memory_space<hbm>>) target(%dma_start3A_283 : memref<128xf32, #tpu.memory_space<vmem>>) offsets(%dma_start3A_285 : memref<128xi32, #tpu.memory_space<vmem>>) semaphore(%arg8 : memref<!tpu.dma_semaphore, #tpu.memory_space<semaphore_mem>>)
      %mul3A_288 = arith.constant 128 : i32
      %mul3A_289 = arith.muli %mul3A_288, %mul3A_39 : i32
      %dma_start3A_290 = arith.constant 20 : i32
      %dma_start3A_291 = arith.constant 2 : i32
      %dma_start3A_292 = arith.constant 4 : i32
      %dma_start3A_293 = arith.constant 0 : i32
      %dma_start3A_294 = tpu.memref_slice %arg7[%dma_start3A_291, %mul3A_39, %dma_start3A_292, %dma_start3A_293] : memref<4x4x8x128xf32, #tpu.memory_space<vmem>> -> memref<1x1x1x128xf32, #tpu.memory_space<vmem>>
      %dma_start3A_295 = tpu.memref_squeeze %dma_start3A_294 : memref<1x1x1x128xf32, #tpu.memory_space<vmem>> -> memref<128xf32, #tpu.memory_space<vmem>>
      %dma_start3A_296 = tpu.memref_slice %arg6[%dma_start3A_290, %mul3A_289] : memref<32x512xi32, #tpu.memory_space<vmem>> -> memref<1x128xi32, #tpu.memory_space<vmem>>
      %dma_start3A_297 = tpu.memref_squeeze %dma_start3A_296 : memref<1x128xi32, #tpu.memory_space<vmem>> -> memref<128xi32, #tpu.memory_space<vmem>>
      %dma_start3A_298 = arith.constant 0 : i32
      %dma_start3A_299 = tpu.memref_slice %arg2[%dma_start3A_298] : memref<32000000xf32, #tpu.memory_space<hbm>> -> memref<32000000xf32, #tpu.memory_space<hbm>>
      tpu.enqueue_indirect_dma source(%dma_start3A_299 : memref<32000000xf32, #tpu.memory_space<hbm>>) target(%dma_start3A_295 : memref<128xf32, #tpu.memory_space<vmem>>) offsets(%dma_start3A_297 : memref<128xi32, #tpu.memory_space<vmem>>) semaphore(%arg8 : memref<!tpu.dma_semaphore, #tpu.memory_space<semaphore_mem>>)
      %mul3A_300 = arith.constant 128 : i32
      %mul3A_301 = arith.muli %mul3A_300, %mul3A_39 : i32
      %dma_start3A_302 = arith.constant 21 : i32
      %dma_start3A_303 = arith.constant 2 : i32
      %dma_start3A_304 = arith.constant 5 : i32
      %dma_start3A_305 = arith.constant 0 : i32
      %dma_start3A_306 = tpu.memref_slice %arg7[%dma_start3A_303, %mul3A_39, %dma_start3A_304, %dma_start3A_305] : memref<4x4x8x128xf32, #tpu.memory_space<vmem>> -> memref<1x1x1x128xf32, #tpu.memory_space<vmem>>
      %dma_start3A_307 = tpu.memref_squeeze %dma_start3A_306 : memref<1x1x1x128xf32, #tpu.memory_space<vmem>> -> memref<128xf32, #tpu.memory_space<vmem>>
      %dma_start3A_308 = tpu.memref_slice %arg6[%dma_start3A_302, %mul3A_301] : memref<32x512xi32, #tpu.memory_space<vmem>> -> memref<1x128xi32, #tpu.memory_space<vmem>>
      %dma_start3A_309 = tpu.memref_squeeze %dma_start3A_308 : memref<1x128xi32, #tpu.memory_space<vmem>> -> memref<128xi32, #tpu.memory_space<vmem>>
      %dma_start3A_310 = arith.constant 0 : i32
      %dma_start3A_311 = tpu.memref_slice %arg2[%dma_start3A_310] : memref<32000000xf32, #tpu.memory_space<hbm>> -> memref<32000000xf32, #tpu.memory_space<hbm>>
      tpu.enqueue_indirect_dma source(%dma_start3A_311 : memref<32000000xf32, #tpu.memory_space<hbm>>) target(%dma_start3A_307 : memref<128xf32, #tpu.memory_space<vmem>>) offsets(%dma_start3A_309 : memref<128xi32, #tpu.memory_space<vmem>>) semaphore(%arg8 : memref<!tpu.dma_semaphore, #tpu.memory_space<semaphore_mem>>)
      %mul3A_312 = arith.constant 128 : i32
      %mul3A_313 = arith.muli %mul3A_312, %mul3A_39 : i32
      %dma_start3A_314 = arith.constant 22 : i32
      %dma_start3A_315 = arith.constant 2 : i32
      %dma_start3A_316 = arith.constant 6 : i32
      %dma_start3A_317 = arith.constant 0 : i32
      %dma_start3A_318 = tpu.memref_slice %arg7[%dma_start3A_315, %mul3A_39, %dma_start3A_316, %dma_start3A_317] : memref<4x4x8x128xf32, #tpu.memory_space<vmem>> -> memref<1x1x1x128xf32, #tpu.memory_space<vmem>>
      %dma_start3A_319 = tpu.memref_squeeze %dma_start3A_318 : memref<1x1x1x128xf32, #tpu.memory_space<vmem>> -> memref<128xf32, #tpu.memory_space<vmem>>
      %dma_start3A_320 = tpu.memref_slice %arg6[%dma_start3A_314, %mul3A_313] : memref<32x512xi32, #tpu.memory_space<vmem>> -> memref<1x128xi32, #tpu.memory_space<vmem>>
      %dma_start3A_321 = tpu.memref_squeeze %dma_start3A_320 : memref<1x128xi32, #tpu.memory_space<vmem>> -> memref<128xi32, #tpu.memory_space<vmem>>
      %dma_start3A_322 = arith.constant 0 : i32
      %dma_start3A_323 = tpu.memref_slice %arg2[%dma_start3A_322] : memref<32000000xf32, #tpu.memory_space<hbm>> -> memref<32000000xf32, #tpu.memory_space<hbm>>
      tpu.enqueue_indirect_dma source(%dma_start3A_323 : memref<32000000xf32, #tpu.memory_space<hbm>>) target(%dma_start3A_319 : memref<128xf32, #tpu.memory_space<vmem>>) offsets(%dma_start3A_321 : memref<128xi32, #tpu.memory_space<vmem>>) semaphore(%arg8 : memref<!tpu.dma_semaphore, #tpu.memory_space<semaphore_mem>>)
      %mul3A_324 = arith.constant 128 : i32
      %mul3A_325 = arith.muli %mul3A_324, %mul3A_39 : i32
      %dma_start3A_326 = arith.constant 23 : i32
      %dma_start3A_327 = arith.constant 2 : i32
      %dma_start3A_328 = arith.constant 7 : i32
      %dma_start3A_329 = arith.constant 0 : i32
      %dma_start3A_330 = tpu.memref_slice %arg7[%dma_start3A_327, %mul3A_39, %dma_start3A_328, %dma_start3A_329] : memref<4x4x8x128xf32, #tpu.memory_space<vmem>> -> memref<1x1x1x128xf32, #tpu.memory_space<vmem>>
      %dma_start3A_331 = tpu.memref_squeeze %dma_start3A_330 : memref<1x1x1x128xf32, #tpu.memory_space<vmem>> -> memref<128xf32, #tpu.memory_space<vmem>>
      %dma_start3A_332 = tpu.memref_slice %arg6[%dma_start3A_326, %mul3A_325] : memref<32x512xi32, #tpu.memory_space<vmem>> -> memref<1x128xi32, #tpu.memory_space<vmem>>
      %dma_start3A_333 = tpu.memref_squeeze %dma_start3A_332 : memref<1x128xi32, #tpu.memory_space<vmem>> -> memref<128xi32, #tpu.memory_space<vmem>>
      %dma_start3A_334 = arith.constant 0 : i32
      %dma_start3A_335 = tpu.memref_slice %arg2[%dma_start3A_334] : memref<32000000xf32, #tpu.memory_space<hbm>> -> memref<32000000xf32, #tpu.memory_space<hbm>>
      tpu.enqueue_indirect_dma source(%dma_start3A_335 : memref<32000000xf32, #tpu.memory_space<hbm>>) target(%dma_start3A_331 : memref<128xf32, #tpu.memory_space<vmem>>) offsets(%dma_start3A_333 : memref<128xi32, #tpu.memory_space<vmem>>) semaphore(%arg8 : memref<!tpu.dma_semaphore, #tpu.memory_space<semaphore_mem>>)
      %mul3A_336 = arith.constant 128 : i32
      %mul3A_337 = arith.muli %mul3A_336, %mul3A_39 : i32
      %dma_start3A_338 = arith.constant 24 : i32
      %dma_start3A_339 = arith.constant 3 : i32
      %dma_start3A_340 = arith.constant 0 : i32
      %dma_start3A_341 = arith.constant 0 : i32
      %dma_start3A_342 = tpu.memref_slice %arg7[%dma_start3A_339, %mul3A_39, %dma_start3A_340, %dma_start3A_341] : memref<4x4x8x128xf32, #tpu.memory_space<vmem>> -> memref<1x1x1x128xf32, #tpu.memory_space<vmem>>
      %dma_start3A_343 = tpu.memref_squeeze %dma_start3A_342 : memref<1x1x1x128xf32, #tpu.memory_space<vmem>> -> memref<128xf32, #tpu.memory_space<vmem>>
      %dma_start3A_344 = tpu.memref_slice %arg6[%dma_start3A_338, %mul3A_337] : memref<32x512xi32, #tpu.memory_space<vmem>> -> memref<1x128xi32, #tpu.memory_space<vmem>>
      %dma_start3A_345 = tpu.memref_squeeze %dma_start3A_344 : memref<1x128xi32, #tpu.memory_space<vmem>> -> memref<128xi32, #tpu.memory_space<vmem>>
      %dma_start3A_346 = arith.constant 0 : i32
      %dma_start3A_347 = tpu.memref_slice %arg2[%dma_start3A_346] : memref<32000000xf32, #tpu.memory_space<hbm>> -> memref<32000000xf32, #tpu.memory_space<hbm>>
      tpu.enqueue_indirect_dma source(%dma_start3A_347 : memref<32000000xf32, #tpu.memory_space<hbm>>) target(%dma_start3A_343 : memref<128xf32, #tpu.memory_space<vmem>>) offsets(%dma_start3A_345 : memref<128xi32, #tpu.memory_space<vmem>>) semaphore(%arg8 : memref<!tpu.dma_semaphore, #tpu.memory_space<semaphore_mem>>)
      %mul3A_348 = arith.constant 128 : i32
      %mul3A_349 = arith.muli %mul3A_348, %mul3A_39 : i32
      %dma_start3A_350 = arith.constant 25 : i32
      %dma_start3A_351 = arith.constant 3 : i32
      %dma_start3A_352 = arith.constant 1 : i32
      %dma_start3A_353 = arith.constant 0 : i32
      %dma_start3A_354 = tpu.memref_slice %arg7[%dma_start3A_351, %mul3A_39, %dma_start3A_352, %dma_start3A_353] : memref<4x4x8x128xf32, #tpu.memory_space<vmem>> -> memref<1x1x1x128xf32, #tpu.memory_space<vmem>>
      %dma_start3A_355 = tpu.memref_squeeze %dma_start3A_354 : memref<1x1x1x128xf32, #tpu.memory_space<vmem>> -> memref<128xf32, #tpu.memory_space<vmem>>
      %dma_start3A_356 = tpu.memref_slice %arg6[%dma_start3A_350, %mul3A_349] : memref<32x512xi32, #tpu.memory_space<vmem>> -> memref<1x128xi32, #tpu.memory_space<vmem>>
      %dma_start3A_357 = tpu.memref_squeeze %dma_start3A_356 : memref<1x128xi32, #tpu.memory_space<vmem>> -> memref<128xi32, #tpu.memory_space<vmem>>
      %dma_start3A_358 = arith.constant 0 : i32
      %dma_start3A_359 = tpu.memref_slice %arg2[%dma_start3A_358] : memref<32000000xf32, #tpu.memory_space<hbm>> -> memref<32000000xf32, #tpu.memory_space<hbm>>
      tpu.enqueue_indirect_dma source(%dma_start3A_359 : memref<32000000xf32, #tpu.memory_space<hbm>>) target(%dma_start3A_355 : memref<128xf32, #tpu.memory_space<vmem>>) offsets(%dma_start3A_357 : memref<128xi32, #tpu.memory_space<vmem>>) semaphore(%arg8 : memref<!tpu.dma_semaphore, #tpu.memory_space<semaphore_mem>>)
      %mul3A_360 = arith.constant 128 : i32
      %mul3A_361 = arith.muli %mul3A_360, %mul3A_39 : i32
      %dma_start3A_362 = arith.constant 26 : i32
      %dma_start3A_363 = arith.constant 3 : i32
      %dma_start3A_364 = arith.constant 2 : i32
      %dma_start3A_365 = arith.constant 0 : i32
      %dma_start3A_366 = tpu.memref_slice %arg7[%dma_start3A_363, %mul3A_39, %dma_start3A_364, %dma_start3A_365] : memref<4x4x8x128xf32, #tpu.memory_space<vmem>> -> memref<1x1x1x128xf32, #tpu.memory_space<vmem>>
      %dma_start3A_367 = tpu.memref_squeeze %dma_start3A_366 : memref<1x1x1x128xf32, #tpu.memory_space<vmem>> -> memref<128xf32, #tpu.memory_space<vmem>>
      %dma_start3A_368 = tpu.memref_slice %arg6[%dma_start3A_362, %mul3A_361] : memref<32x512xi32, #tpu.memory_space<vmem>> -> memref<1x128xi32, #tpu.memory_space<vmem>>
      %dma_start3A_369 = tpu.memref_squeeze %dma_start3A_368 : memref<1x128xi32, #tpu.memory_space<vmem>> -> memref<128xi32, #tpu.memory_space<vmem>>
      %dma_start3A_370 = arith.constant 0 : i32
      %dma_start3A_371 = tpu.memref_slice %arg2[%dma_start3A_370] : memref<32000000xf32, #tpu.memory_space<hbm>> -> memref<32000000xf32, #tpu.memory_space<hbm>>
      tpu.enqueue_indirect_dma source(%dma_start3A_371 : memref<32000000xf32, #tpu.memory_space<hbm>>) target(%dma_start3A_367 : memref<128xf32, #tpu.memory_space<vmem>>) offsets(%dma_start3A_369 : memref<128xi32, #tpu.memory_space<vmem>>) semaphore(%arg8 : memref<!tpu.dma_semaphore, #tpu.memory_space<semaphore_mem>>)
      %mul3A_372 = arith.constant 128 : i32
      %mul3A_373 = arith.muli %mul3A_372, %mul3A_39 : i32
      %dma_start3A_374 = arith.constant 27 : i32
      %dma_start3A_375 = arith.constant 3 : i32
      %dma_start3A_376 = arith.constant 3 : i32
      %dma_start3A_377 = arith.constant 0 : i32
      %dma_start3A_378 = tpu.memref_slice %arg7[%dma_start3A_375, %mul3A_39, %dma_start3A_376, %dma_start3A_377] : memref<4x4x8x128xf32, #tpu.memory_space<vmem>> -> memref<1x1x1x128xf32, #tpu.memory_space<vmem>>
      %dma_start3A_379 = tpu.memref_squeeze %dma_start3A_378 : memref<1x1x1x128xf32, #tpu.memory_space<vmem>> -> memref<128xf32, #tpu.memory_space<vmem>>
      %dma_start3A_380 = tpu.memref_slice %arg6[%dma_start3A_374, %mul3A_373] : memref<32x512xi32, #tpu.memory_space<vmem>> -> memref<1x128xi32, #tpu.memory_space<vmem>>
      %dma_start3A_381 = tpu.memref_squeeze %dma_start3A_380 : memref<1x128xi32, #tpu.memory_space<vmem>> -> memref<128xi32, #tpu.memory_space<vmem>>
      %dma_start3A_382 = arith.constant 0 : i32
      %dma_start3A_383 = tpu.memref_slice %arg2[%dma_start3A_382] : memref<32000000xf32, #tpu.memory_space<hbm>> -> memref<32000000xf32, #tpu.memory_space<hbm>>
      tpu.enqueue_indirect_dma source(%dma_start3A_383 : memref<32000000xf32, #tpu.memory_space<hbm>>) target(%dma_start3A_379 : memref<128xf32, #tpu.memory_space<vmem>>) offsets(%dma_start3A_381 : memref<128xi32, #tpu.memory_space<vmem>>) semaphore(%arg8 : memref<!tpu.dma_semaphore, #tpu.memory_space<semaphore_mem>>)
      %mul3A_384 = arith.constant 128 : i32
      %mul3A_385 = arith.muli %mul3A_384, %mul3A_39 : i32
      %dma_start3A_386 = arith.constant 28 : i32
      %dma_start3A_387 = arith.constant 3 : i32
      %dma_start3A_388 = arith.constant 4 : i32
      %dma_start3A_389 = arith.constant 0 : i32
      %dma_start3A_390 = tpu.memref_slice %arg7[%dma_start3A_387, %mul3A_39, %dma_start3A_388, %dma_start3A_389] : memref<4x4x8x128xf32, #tpu.memory_space<vmem>> -> memref<1x1x1x128xf32, #tpu.memory_space<vmem>>
      %dma_start3A_391 = tpu.memref_squeeze %dma_start3A_390 : memref<1x1x1x128xf32, #tpu.memory_space<vmem>> -> memref<128xf32, #tpu.memory_space<vmem>>
      %dma_start3A_392 = tpu.memref_slice %arg6[%dma_start3A_386, %mul3A_385] : memref<32x512xi32, #tpu.memory_space<vmem>> -> memref<1x128xi32, #tpu.memory_space<vmem>>
      %dma_start3A_393 = tpu.memref_squeeze %dma_start3A_392 : memref<1x128xi32, #tpu.memory_space<vmem>> -> memref<128xi32, #tpu.memory_space<vmem>>
      %dma_start3A_394 = arith.constant 0 : i32
      %dma_start3A_395 = tpu.memref_slice %arg2[%dma_start3A_394] : memref<32000000xf32, #tpu.memory_space<hbm>> -> memref<32000000xf32, #tpu.memory_space<hbm>>
      tpu.enqueue_indirect_dma source(%dma_start3A_395 : memref<32000000xf32, #tpu.memory_space<hbm>>) target(%dma_start3A_391 : memref<128xf32, #tpu.memory_space<vmem>>) offsets(%dma_start3A_393 : memref<128xi32, #tpu.memory_space<vmem>>) semaphore(%arg8 : memref<!tpu.dma_semaphore, #tpu.memory_space<semaphore_mem>>)
      %mul3A_396 = arith.constant 128 : i32
      %mul3A_397 = arith.muli %mul3A_396, %mul3A_39 : i32
      %dma_start3A_398 = arith.constant 29 : i32
      %dma_start3A_399 = arith.constant 3 : i32
      %dma_start3A_400 = arith.constant 5 : i32
      %dma_start3A_401 = arith.constant 0 : i32
      %dma_start3A_402 = tpu.memref_slice %arg7[%dma_start3A_399, %mul3A_39, %dma_start3A_400, %dma_start3A_401] : memref<4x4x8x128xf32, #tpu.memory_space<vmem>> -> memref<1x1x1x128xf32, #tpu.memory_space<vmem>>
      %dma_start3A_403 = tpu.memref_squeeze %dma_start3A_402 : memref<1x1x1x128xf32, #tpu.memory_space<vmem>> -> memref<128xf32, #tpu.memory_space<vmem>>
      %dma_start3A_404 = tpu.memref_slice %arg6[%dma_start3A_398, %mul3A_397] : memref<32x512xi32, #tpu.memory_space<vmem>> -> memref<1x128xi32, #tpu.memory_space<vmem>>
      %dma_start3A_405 = tpu.memref_squeeze %dma_start3A_404 : memref<1x128xi32, #tpu.memory_space<vmem>> -> memref<128xi32, #tpu.memory_space<vmem>>
      %dma_start3A_406 = arith.constant 0 : i32
      %dma_start3A_407 = tpu.memref_slice %arg2[%dma_start3A_406] : memref<32000000xf32, #tpu.memory_space<hbm>> -> memref<32000000xf32, #tpu.memory_space<hbm>>
      tpu.enqueue_indirect_dma source(%dma_start3A_407 : memref<32000000xf32, #tpu.memory_space<hbm>>) target(%dma_start3A_403 : memref<128xf32, #tpu.memory_space<vmem>>) offsets(%dma_start3A_405 : memref<128xi32, #tpu.memory_space<vmem>>) semaphore(%arg8 : memref<!tpu.dma_semaphore, #tpu.memory_space<semaphore_mem>>)
      %mul3A_408 = arith.constant 128 : i32
      %mul3A_409 = arith.muli %mul3A_408, %mul3A_39 : i32
      %dma_start3A_410 = arith.constant 30 : i32
      %dma_start3A_411 = arith.constant 3 : i32
      %dma_start3A_412 = arith.constant 6 : i32
      %dma_start3A_413 = arith.constant 0 : i32
      %dma_start3A_414 = tpu.memref_slice %arg7[%dma_start3A_411, %mul3A_39, %dma_start3A_412, %dma_start3A_413] : memref<4x4x8x128xf32, #tpu.memory_space<vmem>> -> memref<1x1x1x128xf32, #tpu.memory_space<vmem>>
      %dma_start3A_415 = tpu.memref_squeeze %dma_start3A_414 : memref<1x1x1x128xf32, #tpu.memory_space<vmem>> -> memref<128xf32, #tpu.memory_space<vmem>>
      %dma_start3A_416 = tpu.memref_slice %arg6[%dma_start3A_410, %mul3A_409] : memref<32x512xi32, #tpu.memory_space<vmem>> -> memref<1x128xi32, #tpu.memory_space<vmem>>
      %dma_start3A_417 = tpu.memref_squeeze %dma_start3A_416 : memref<1x128xi32, #tpu.memory_space<vmem>> -> memref<128xi32, #tpu.memory_space<vmem>>
      %dma_start3A_418 = arith.constant 0 : i32
      %dma_start3A_419 = tpu.memref_slice %arg2[%dma_start3A_418] : memref<32000000xf32, #tpu.memory_space<hbm>> -> memref<32000000xf32, #tpu.memory_space<hbm>>
      tpu.enqueue_indirect_dma source(%dma_start3A_419 : memref<32000000xf32, #tpu.memory_space<hbm>>) target(%dma_start3A_415 : memref<128xf32, #tpu.memory_space<vmem>>) offsets(%dma_start3A_417 : memref<128xi32, #tpu.memory_space<vmem>>) semaphore(%arg8 : memref<!tpu.dma_semaphore, #tpu.memory_space<semaphore_mem>>)
      %mul3A_420 = arith.constant 128 : i32
      %mul3A_421 = arith.muli %mul3A_420, %mul3A_39 : i32
      %dma_start3A_422 = arith.constant 31 : i32
      %dma_start3A_423 = arith.constant 3 : i32
      %dma_start3A_424 = arith.constant 7 : i32
      %dma_start3A_425 = arith.constant 0 : i32
      %dma_start3A_426 = tpu.memref_slice %arg7[%dma_start3A_423, %mul3A_39, %dma_start3A_424, %dma_start3A_425] : memref<4x4x8x128xf32, #tpu.memory_space<vmem>> -> memref<1x1x1x128xf32, #tpu.memory_space<vmem>>
      %dma_start3A_427 = tpu.memref_squeeze %dma_start3A_426 : memref<1x1x1x128xf32, #tpu.memory_space<vmem>> -> memref<128xf32, #tpu.memory_space<vmem>>
      %dma_start3A_428 = tpu.memref_slice %arg6[%dma_start3A_422, %mul3A_421] : memref<32x512xi32, #tpu.memory_space<vmem>> -> memref<1x128xi32, #tpu.memory_space<vmem>>
      %dma_start3A_429 = tpu.memref_squeeze %dma_start3A_428 : memref<1x128xi32, #tpu.memory_space<vmem>> -> memref<128xi32, #tpu.memory_space<vmem>>
      %dma_start3A_430 = arith.constant 0 : i32
      %dma_start3A_431 = tpu.memref_slice %arg2[%dma_start3A_430] : memref<32000000xf32, #tpu.memory_space<hbm>> -> memref<32000000xf32, #tpu.memory_space<hbm>>
      tpu.enqueue_indirect_dma source(%dma_start3A_431 : memref<32000000xf32, #tpu.memory_space<hbm>>) target(%dma_start3A_427 : memref<128xf32, #tpu.memory_space<vmem>>) offsets(%dma_start3A_429 : memref<128xi32, #tpu.memory_space<vmem>>) semaphore(%arg8 : memref<!tpu.dma_semaphore, #tpu.memory_space<semaphore_mem>>)
      %scan3A_432 = arith.constant 0 : i32
      %scan3A_433 = arith.constant 8 : i32
      %scan3A_434 = arith.addi %scan3A_432, %scan3A_433 : i32
      %scan3A_435 = arith.constant 1 : i32
      scf.for %scan3A_849 = %scan3A_432 to %scan3A_434 step %scan3A_435  : i32 {
        %mul3A_850 = arith.constant 256 : i32
        %mul3A_851 = arith.muli %mul3A_850, %add3A_43 : i32
        %mul3A_852 = arith.constant 16 : i32
        %mul3A_853 = arith.muli %mul3A_852, %scan3A_849 : i32
        %add3A_854 = arith.addi %mul3A_851, %mul3A_853 : i32
        %get3A = arith.index_cast %add3A_854 : i32 to index
        %get3A_855 = tpu.vector_load %arg5[%get3A] {strides = array<i32>} : memref<1024xi32, #tpu.memory_space<vmem>>, vector<16xi32>,
        %get3A_856 = vector.shape_cast %get3A_855 : vector<16xi32> to vector<16xi32>
        %mul3A_857 = arith.constant 256 : i32
        %mul3A_858 = arith.muli %mul3A_857, %add3A_43 : i32
        %add3A_859 = arith.constant 128 : i32
        %add3A_860 = arith.addi %mul3A_858, %add3A_859 : i32
        %mul3A_861 = arith.constant 16 : i32
        %mul3A_862 = arith.muli %mul3A_861, %scan3A_849 : i32
        %add3A_863 = arith.addi %add3A_860, %mul3A_862 : i32
        %get3A_864 = arith.index_cast %add3A_863 : i32 to index
        %get3A_865 = tpu.vector_load %arg5[%get3A_864] {strides = array<i32>} : memref<1024xi32, #tpu.memory_space<vmem>>, vector<16xi32>,
        %get3A_866 = vector.shape_cast %get3A_865 : vector<16xi32> to vector<16xi32>
        %add3A_867 = arith.constant 1000000 : i32
        %add3A_868 = vector.broadcast %add3A_867 : i32 to vector<16xi32>
        %add3A_869 = arith.addi %get3A_866, %add3A_868 : vector<16xi32>
        %shift_right_logical3A = arith.constant 7 : i32
        %shift_right_logical3A_870 = vector.broadcast %shift_right_logical3A : i32 to vector<16xi32>
        %shift_right_logical3A_871 = arith.shrui %get3A_856, %shift_right_logical3A_870 : vector<16xi32>
        %mul3A_872 = arith.constant 1024 : i32
        %mul3A_873 = vector.broadcast %mul3A_872 : i32 to vector<16xi32>
        %mul3A_874 = arith.muli %shift_right_logical3A_871, %mul3A_873 : vector<16xi32>
        %and3A = arith.constant 127 : i32
        %and3A_875 = vector.broadcast %and3A : i32 to vector<16xi32>
        %and3A_876 = arith.andi %get3A_856, %and3A_875 : vector<16xi32>
        %add3A_877 = arith.addi %mul3A_874, %and3A_876 : vector<16xi32>
        %shift_right_logical3A_878 = arith.constant 7 : i32
        %shift_right_logical3A_879 = vector.broadcast %shift_right_logical3A_878 : i32 to vector<16xi32>
        %shift_right_logical3A_880 = arith.shrui %add3A_869, %shift_right_logical3A_879 : vector<16xi32>
        %mul3A_881 = arith.constant 1024 : i32
        %mul3A_882 = vector.broadcast %mul3A_881 : i32 to vector<16xi32>
        %mul3A_883 = arith.muli %shift_right_logical3A_880, %mul3A_882 : vector<16xi32>
        %and3A_884 = arith.constant 127 : i32
        %and3A_885 = vector.broadcast %and3A_884 : i32 to vector<16xi32>
        %and3A_886 = arith.andi %add3A_869, %and3A_885 : vector<16xi32>
        %add3A_887 = arith.addi %mul3A_883, %and3A_886 : vector<16xi32>
        %mul3A_888 = arith.constant 128 : i32
        %mul3A_889 = arith.muli %mul3A_888, %add3A_43 : i32
        %mul3A_890 = arith.constant 16 : i32
        %mul3A_891 = arith.muli %mul3A_890, %scan3A_849 : i32
        %add3A_892 = arith.addi %mul3A_889, %mul3A_891 : i32
        %add3A_893 = arith.constant 0 : i32
        %add3A_894 = vector.broadcast %add3A_893 : i32 to vector<16xi32>
        %add3A_895 = arith.addi %add3A_877, %add3A_894 : vector<16xi32>
        %swap3A = arith.constant 0 : i32
        %swap3A_896 = arith.index_cast %swap3A : i32 to index
        %swap3A_897 = arith.index_cast %add3A_892 : i32 to index
        %swap3A_898 = tpu.vector_load %arg6[%swap3A_896, %swap3A_897] {strides = array<i32>} : memref<32x512xi32, #tpu.memory_space<vmem>>, vector<1x16xi32>,
        %swap3A_899 = vector.shape_cast %swap3A_898 : vector<1x16xi32> to vector<16xi32>
        %swap3A_900 = vector.shape_cast %add3A_895 : vector<16xi32> to vector<1x16xi32>
        tpu.vector_store %arg6[%swap3A_896, %swap3A_897], %swap3A_900 {strides = array<i32>} : memref<32x512xi32, #tpu.memory_space<vmem>>, vector<1x16xi32>,
        %add3A_901 = arith.constant 0 : i32
        %add3A_902 = vector.broadcast %add3A_901 : i32 to vector<16xi32>
        %add3A_903 = arith.addi %add3A_887, %add3A_902 : vector<16xi32>
        %swap3A_904 = arith.constant 16 : i32
        %swap3A_905 = arith.index_cast %swap3A_904 : i32 to index
        %swap3A_906 = arith.index_cast %add3A_892 : i32 to index
        %swap3A_907 = tpu.vector_load %arg6[%swap3A_905, %swap3A_906] {strides = array<i32>} : memref<32x512xi32, #tpu.memory_space<vmem>>, vector<1x16xi32>,
        %swap3A_908 = vector.shape_cast %swap3A_907 : vector<1x16xi32> to vector<16xi32>
        %swap3A_909 = vector.shape_cast %add3A_903 : vector<16xi32> to vector<1x16xi32>
        tpu.vector_store %arg6[%swap3A_905, %swap3A_906], %swap3A_909 {strides = array<i32>} : memref<32x512xi32, #tpu.memory_space<vmem>>, vector<1x16xi32>,
        %add3A_910 = arith.constant 128 : i32
        %add3A_911 = vector.broadcast %add3A_910 : i32 to vector<16xi32>
        %add3A_912 = arith.addi %add3A_877, %add3A_911 : vector<16xi32>
        %swap3A_913 = arith.constant 1 : i32
        %swap3A_914 = arith.index_cast %swap3A_913 : i32 to index
        %swap3A_915 = arith.index_cast %add3A_892 : i32 to index
        %swap3A_916 = tpu.vector_load %arg6[%swap3A_914, %swap3A_915] {strides = array<i32>} : memref<32x512xi32, #tpu.memory_space<vmem>>, vector<1x16xi32>,
        %swap3A_917 = vector.shape_cast %swap3A_916 : vector<1x16xi32> to vector<16xi32>
        %swap3A_918 = vector.shape_cast %add3A_912 : vector<16xi32> to vector<1x16xi32>
        tpu.vector_store %arg6[%swap3A_914, %swap3A_915], %swap3A_918 {strides = array<i32>} : memref<32x512xi32, #tpu.memory_space<vmem>>, vector<1x16xi32>,
        %add3A_919 = arith.constant 128 : i32
        %add3A_920 = vector.broadcast %add3A_919 : i32 to vector<16xi32>
        %add3A_921 = arith.addi %add3A_887, %add3A_920 : vector<16xi32>
        %swap3A_922 = arith.constant 17 : i32
        %swap3A_923 = arith.index_cast %swap3A_922 : i32 to index
        %swap3A_924 = arith.index_cast %add3A_892 : i32 to index
        %swap3A_925 = tpu.vector_load %arg6[%swap3A_923, %swap3A_924] {strides = array<i32>} : memref<32x512xi32, #tpu.memory_space<vmem>>, vector<1x16xi32>,
        %swap3A_926 = vector.shape_cast %swap3A_925 : vector<1x16xi32> to vector<16xi32>
        %swap3A_927 = vector.shape_cast %add3A_921 : vector<16xi32> to vector<1x16xi32>
        tpu.vector_store %arg6[%swap3A_923, %swap3A_924], %swap3A_927 {strides = array<i32>} : memref<32x512xi32, #tpu.memory_space<vmem>>, vector<1x16xi32>,
        %add3A_928 = arith.constant 256 : i32
        %add3A_929 = vector.broadcast %add3A_928 : i32 to vector<16xi32>
        %add3A_930 = arith.addi %add3A_877, %add3A_929 : vector<16xi32>
        %swap3A_931 = arith.constant 2 : i32
        %swap3A_932 = arith.index_cast %swap3A_931 : i32 to index
        %swap3A_933 = arith.index_cast %add3A_892 : i32 to index
        %swap3A_934 = tpu.vector_load %arg6[%swap3A_932, %swap3A_933] {strides = array<i32>} : memref<32x512xi32, #tpu.memory_space<vmem>>, vector<1x16xi32>,
        %swap3A_935 = vector.shape_cast %swap3A_934 : vector<1x16xi32> to vector<16xi32>
        %swap3A_936 = vector.shape_cast %add3A_930 : vector<16xi32> to vector<1x16xi32>
        tpu.vector_store %arg6[%swap3A_932, %swap3A_933], %swap3A_936 {strides = array<i32>} : memref<32x512xi32, #tpu.memory_space<vmem>>, vector<1x16xi32>,
        %add3A_937 = arith.constant 256 : i32
        %add3A_938 = vector.broadcast %add3A_937 : i32 to vector<16xi32>
        %add3A_939 = arith.addi %add3A_887, %add3A_938 : vector<16xi32>
        %swap3A_940 = arith.constant 18 : i32
        %swap3A_941 = arith.index_cast %swap3A_940 : i32 to index
        %swap3A_942 = arith.index_cast %add3A_892 : i32 to index
        %swap3A_943 = tpu.vector_load %arg6[%swap3A_941, %swap3A_942] {strides = array<i32>} : memref<32x512xi32, #tpu.memory_space<vmem>>, vector<1x16xi32>,
        %swap3A_944 = vector.shape_cast %swap3A_943 : vector<1x16xi32> to vector<16xi32>
        %swap3A_945 = vector.shape_cast %add3A_939 : vector<16xi32> to vector<1x16xi32>
        tpu.vector_store %arg6[%swap3A_941, %swap3A_942], %swap3A_945 {strides = array<i32>} : memref<32x512xi32, #tpu.memory_space<vmem>>, vector<1x16xi32>,
        %add3A_946 = arith.constant 384 : i32
        %add3A_947 = vector.broadcast %add3A_946 : i32 to vector<16xi32>
        %add3A_948 = arith.addi %add3A_877, %add3A_947 : vector<16xi32>
        %swap3A_949 = arith.constant 3 : i32
        %swap3A_950 = arith.index_cast %swap3A_949 : i32 to index
        %swap3A_951 = arith.index_cast %add3A_892 : i32 to index
        %swap3A_952 = tpu.vector_load %arg6[%swap3A_950, %swap3A_951] {strides = array<i32>} : memref<32x512xi32, #tpu.memory_space<vmem>>, vector<1x16xi32>,
        %swap3A_953 = vector.shape_cast %swap3A_952 : vector<1x16xi32> to vector<16xi32>
        %swap3A_954 = vector.shape_cast %add3A_948 : vector<16xi32> to vector<1x16xi32>
        tpu.vector_store %arg6[%swap3A_950, %swap3A_951], %swap3A_954 {strides = array<i32>} : memref<32x512xi32, #tpu.memory_space<vmem>>, vector<1x16xi32>,
        %add3A_955 = arith.constant 384 : i32
        %add3A_956 = vector.broadcast %add3A_955 : i32 to vector<16xi32>
        %add3A_957 = arith.addi %add3A_887, %add3A_956 : vector<16xi32>
        %swap3A_958 = arith.constant 19 : i32
        %swap3A_959 = arith.index_cast %swap3A_958 : i32 to index
        %swap3A_960 = arith.index_cast %add3A_892 : i32 to index
        %swap3A_961 = tpu.vector_load %arg6[%swap3A_959, %swap3A_960] {strides = array<i32>} : memref<32x512xi32, #tpu.memory_space<vmem>>, vector<1x16xi32>,
        %swap3A_962 = vector.shape_cast %swap3A_961 : vector<1x16xi32> to vector<16xi32>
        %swap3A_963 = vector.shape_cast %add3A_957 : vector<16xi32> to vector<1x16xi32>
        tpu.vector_store %arg6[%swap3A_959, %swap3A_960], %swap3A_963 {strides = array<i32>} : memref<32x512xi32, #tpu.memory_space<vmem>>, vector<1x16xi32>,
        %add3A_964 = arith.constant 512 : i32
        %add3A_965 = vector.broadcast %add3A_964 : i32 to vector<16xi32>
        %add3A_966 = arith.addi %add3A_877, %add3A_965 : vector<16xi32>
        %swap3A_967 = arith.constant 4 : i32
        %swap3A_968 = arith.index_cast %swap3A_967 : i32 to index
        %swap3A_969 = arith.index_cast %add3A_892 : i32 to index
        %swap3A_970 = tpu.vector_load %arg6[%swap3A_968, %swap3A_969] {strides = array<i32>} : memref<32x512xi32, #tpu.memory_space<vmem>>, vector<1x16xi32>,
        %swap3A_971 = vector.shape_cast %swap3A_970 : vector<1x16xi32> to vector<16xi32>
        %swap3A_972 = vector.shape_cast %add3A_966 : vector<16xi32> to vector<1x16xi32>
        tpu.vector_store %arg6[%swap3A_968, %swap3A_969], %swap3A_972 {strides = array<i32>} : memref<32x512xi32, #tpu.memory_space<vmem>>, vector<1x16xi32>,
        %add3A_973 = arith.constant 512 : i32
        %add3A_974 = vector.broadcast %add3A_973 : i32 to vector<16xi32>
        %add3A_975 = arith.addi %add3A_887, %add3A_974 : vector<16xi32>
        %swap3A_976 = arith.constant 20 : i32
        %swap3A_977 = arith.index_cast %swap3A_976 : i32 to index
        %swap3A_978 = arith.index_cast %add3A_892 : i32 to index
        %swap3A_979 = tpu.vector_load %arg6[%swap3A_977, %swap3A_978] {strides = array<i32>} : memref<32x512xi32, #tpu.memory_space<vmem>>, vector<1x16xi32>,
        %swap3A_980 = vector.shape_cast %swap3A_979 : vector<1x16xi32> to vector<16xi32>
        %swap3A_981 = vector.shape_cast %add3A_975 : vector<16xi32> to vector<1x16xi32>
        tpu.vector_store %arg6[%swap3A_977, %swap3A_978], %swap3A_981 {strides = array<i32>} : memref<32x512xi32, #tpu.memory_space<vmem>>, vector<1x16xi32>,
        %add3A_982 = arith.constant 640 : i32
        %add3A_983 = vector.broadcast %add3A_982 : i32 to vector<16xi32>
        %add3A_984 = arith.addi %add3A_877, %add3A_983 : vector<16xi32>
        %swap3A_985 = arith.constant 5 : i32
        %swap3A_986 = arith.index_cast %swap3A_985 : i32 to index
        %swap3A_987 = arith.index_cast %add3A_892 : i32 to index
        %swap3A_988 = tpu.vector_load %arg6[%swap3A_986, %swap3A_987] {strides = array<i32>} : memref<32x512xi32, #tpu.memory_space<vmem>>, vector<1x16xi32>,
        %swap3A_989 = vector.shape_cast %swap3A_988 : vector<1x16xi32> to vector<16xi32>
        %swap3A_990 = vector.shape_cast %add3A_984 : vector<16xi32> to vector<1x16xi32>
        tpu.vector_store %arg6[%swap3A_986, %swap3A_987], %swap3A_990 {strides = array<i32>} : memref<32x512xi32, #tpu.memory_space<vmem>>, vector<1x16xi32>,
        %add3A_991 = arith.constant 640 : i32
        %add3A_992 = vector.broadcast %add3A_991 : i32 to vector<16xi32>
        %add3A_993 = arith.addi %add3A_887, %add3A_992 : vector<16xi32>
        %swap3A_994 = arith.constant 21 : i32
        %swap3A_995 = arith.index_cast %swap3A_994 : i32 to index
        %swap3A_996 = arith.index_cast %add3A_892 : i32 to index
        %swap3A_997 = tpu.vector_load %arg6[%swap3A_995, %swap3A_996] {strides = array<i32>} : memref<32x512xi32, #tpu.memory_space<vmem>>, vector<1x16xi32>,
        %swap3A_998 = vector.shape_cast %swap3A_997 : vector<1x16xi32> to vector<16xi32>
        %swap3A_999 = vector.shape_cast %add3A_993 : vector<16xi32> to vector<1x16xi32>
        tpu.vector_store %arg6[%swap3A_995, %swap3A_996], %swap3A_999 {strides = array<i32>} : memref<32x512xi32, #tpu.memory_space<vmem>>, vector<1x16xi32>,
        %add3A_1000 = arith.constant 768 : i32
        %add3A_1001 = vector.broadcast %add3A_1000 : i32 to vector<16xi32>
        %add3A_1002 = arith.addi %add3A_877, %add3A_1001 : vector<16xi32>
        %swap3A_1003 = arith.constant 6 : i32
        %swap3A_1004 = arith.index_cast %swap3A_1003 : i32 to index
        %swap3A_1005 = arith.index_cast %add3A_892 : i32 to index
        %swap3A_1006 = tpu.vector_load %arg6[%swap3A_1004, %swap3A_1005] {strides = array<i32>} : memref<32x512xi32, #tpu.memory_space<vmem>>, vector<1x16xi32>,
        %swap3A_1007 = vector.shape_cast %swap3A_1006 : vector<1x16xi32> to vector<16xi32>
        %swap3A_1008 = vector.shape_cast %add3A_1002 : vector<16xi32> to vector<1x16xi32>
        tpu.vector_store %arg6[%swap3A_1004, %swap3A_1005], %swap3A_1008 {strides = array<i32>} : memref<32x512xi32, #tpu.memory_space<vmem>>, vector<1x16xi32>,
        %add3A_1009 = arith.constant 768 : i32
        %add3A_1010 = vector.broadcast %add3A_1009 : i32 to vector<16xi32>
        %add3A_1011 = arith.addi %add3A_887, %add3A_1010 : vector<16xi32>
        %swap3A_1012 = arith.constant 22 : i32
        %swap3A_1013 = arith.index_cast %swap3A_1012 : i32 to index
        %swap3A_1014 = arith.index_cast %add3A_892 : i32 to index
        %swap3A_1015 = tpu.vector_load %arg6[%swap3A_1013, %swap3A_1014] {strides = array<i32>} : memref<32x512xi32, #tpu.memory_space<vmem>>, vector<1x16xi32>,
        %swap3A_1016 = vector.shape_cast %swap3A_1015 : vector<1x16xi32> to vector<16xi32>
        %swap3A_1017 = vector.shape_cast %add3A_1011 : vector<16xi32> to vector<1x16xi32>
        tpu.vector_store %arg6[%swap3A_1013, %swap3A_1014], %swap3A_1017 {strides = array<i32>} : memref<32x512xi32, #tpu.memory_space<vmem>>, vector<1x16xi32>,
        %add3A_1018 = arith.constant 896 : i32
        %add3A_1019 = vector.broadcast %add3A_1018 : i32 to vector<16xi32>
        %add3A_1020 = arith.addi %add3A_877, %add3A_1019 : vector<16xi32>
        %swap3A_1021 = arith.constant 7 : i32
        %swap3A_1022 = arith.index_cast %swap3A_1021 : i32 to index
        %swap3A_1023 = arith.index_cast %add3A_892 : i32 to index
        %swap3A_1024 = tpu.vector_load %arg6[%swap3A_1022, %swap3A_1023] {strides = array<i32>} : memref<32x512xi32, #tpu.memory_space<vmem>>, vector<1x16xi32>,
        %swap3A_1025 = vector.shape_cast %swap3A_1024 : vector<1x16xi32> to vector<16xi32>
        %swap3A_1026 = vector.shape_cast %add3A_1020 : vector<16xi32> to vector<1x16xi32>
        tpu.vector_store %arg6[%swap3A_1022, %swap3A_1023], %swap3A_1026 {strides = array<i32>} : memref<32x512xi32, #tpu.memory_space<vmem>>, vector<1x16xi32>,
        %add3A_1027 = arith.constant 896 : i32
        %add3A_1028 = vector.broadcast %add3A_1027 : i32 to vector<16xi32>
        %add3A_1029 = arith.addi %add3A_887, %add3A_1028 : vector<16xi32>
        %swap3A_1030 = arith.constant 23 : i32
        %swap3A_1031 = arith.index_cast %swap3A_1030 : i32 to index
        %swap3A_1032 = arith.index_cast %add3A_892 : i32 to index
        %swap3A_1033 = tpu.vector_load %arg6[%swap3A_1031, %swap3A_1032] {strides = array<i32>} : memref<32x512xi32, #tpu.memory_space<vmem>>, vector<1x16xi32>,
        %swap3A_1034 = vector.shape_cast %swap3A_1033 : vector<1x16xi32> to vector<16xi32>
        %swap3A_1035 = vector.shape_cast %add3A_1029 : vector<16xi32> to vector<1x16xi32>
        tpu.vector_store %arg6[%swap3A_1031, %swap3A_1032], %swap3A_1035 {strides = array<i32>} : memref<32x512xi32, #tpu.memory_space<vmem>>, vector<1x16xi32>,
        %add3A_1036 = arith.constant 16000000 : i32
        %add3A_1037 = vector.broadcast %add3A_1036 : i32 to vector<16xi32>
        %add3A_1038 = arith.addi %add3A_877, %add3A_1037 : vector<16xi32>
        %swap3A_1039 = arith.constant 8 : i32
        %swap3A_1040 = arith.index_cast %swap3A_1039 : i32 to index
        %swap3A_1041 = arith.index_cast %add3A_892 : i32 to index
        %swap3A_1042 = tpu.vector_load %arg6[%swap3A_1040, %swap3A_1041] {strides = array<i32>} : memref<32x512xi32, #tpu.memory_space<vmem>>, vector<1x16xi32>,
        %swap3A_1043 = vector.shape_cast %swap3A_1042 : vector<1x16xi32> to vector<16xi32>
        %swap3A_1044 = vector.shape_cast %add3A_1038 : vector<16xi32> to vector<1x16xi32>
        tpu.vector_store %arg6[%swap3A_1040, %swap3A_1041], %swap3A_1044 {strides = array<i32>} : memref<32x512xi32, #tpu.memory_space<vmem>>, vector<1x16xi32>,
        %add3A_1045 = arith.constant 16000000 : i32
        %add3A_1046 = vector.broadcast %add3A_1045 : i32 to vector<16xi32>
        %add3A_1047 = arith.addi %add3A_887, %add3A_1046 : vector<16xi32>
        %swap3A_1048 = arith.constant 24 : i32
        %swap3A_1049 = arith.index_cast %swap3A_1048 : i32 to index
        %swap3A_1050 = arith.index_cast %add3A_892 : i32 to index
        %swap3A_1051 = tpu.vector_load %arg6[%swap3A_1049, %swap3A_1050] {strides = array<i32>} : memref<32x512xi32, #tpu.memory_space<vmem>>, vector<1x16xi32>,
        %swap3A_1052 = vector.shape_cast %swap3A_1051 : vector<1x16xi32> to vector<16xi32>
        %swap3A_1053 = vector.shape_cast %add3A_1047 : vector<16xi32> to vector<1x16xi32>
        tpu.vector_store %arg6[%swap3A_1049, %swap3A_1050], %swap3A_1053 {strides = array<i32>} : memref<32x512xi32, #tpu.memory_space<vmem>>, vector<1x16xi32>,
        %add3A_1054 = arith.constant 16000128 : i32
        %add3A_1055 = vector.broadcast %add3A_1054 : i32 to vector<16xi32>
        %add3A_1056 = arith.addi %add3A_877, %add3A_1055 : vector<16xi32>
        %swap3A_1057 = arith.constant 9 : i32
        %swap3A_1058 = arith.index_cast %swap3A_1057 : i32 to index
        %swap3A_1059 = arith.index_cast %add3A_892 : i32 to index
        %swap3A_1060 = tpu.vector_load %arg6[%swap3A_1058, %swap3A_1059] {strides = array<i32>} : memref<32x512xi32, #tpu.memory_space<vmem>>, vector<1x16xi32>,
        %swap3A_1061 = vector.shape_cast %swap3A_1060 : vector<1x16xi32> to vector<16xi32>
        %swap3A_1062 = vector.shape_cast %add3A_1056 : vector<16xi32> to vector<1x16xi32>
        tpu.vector_store %arg6[%swap3A_1058, %swap3A_1059], %swap3A_1062 {strides = array<i32>} : memref<32x512xi32, #tpu.memory_space<vmem>>, vector<1x16xi32>,
        %add3A_1063 = arith.constant 16000128 : i32
        %add3A_1064 = vector.broadcast %add3A_1063 : i32 to vector<16xi32>
        %add3A_1065 = arith.addi %add3A_887, %add3A_1064 : vector<16xi32>
        %swap3A_1066 = arith.constant 25 : i32
        %swap3A_1067 = arith.index_cast %swap3A_1066 : i32 to index
        %swap3A_1068 = arith.index_cast %add3A_892 : i32 to index
        %swap3A_1069 = tpu.vector_load %arg6[%swap3A_1067, %swap3A_1068] {strides = array<i32>} : memref<32x512xi32, #tpu.memory_space<vmem>>, vector<1x16xi32>,
        %swap3A_1070 = vector.shape_cast %swap3A_1069 : vector<1x16xi32> to vector<16xi32>
        %swap3A_1071 = vector.shape_cast %add3A_1065 : vector<16xi32> to vector<1x16xi32>
        tpu.vector_store %arg6[%swap3A_1067, %swap3A_1068], %swap3A_1071 {strides = array<i32>} : memref<32x512xi32, #tpu.memory_space<vmem>>, vector<1x16xi32>,
        %add3A_1072 = arith.constant 16000256 : i32
        %add3A_1073 = vector.broadcast %add3A_1072 : i32 to vector<16xi32>
        %add3A_1074 = arith.addi %add3A_877, %add3A_1073 : vector<16xi32>
        %swap3A_1075 = arith.constant 10 : i32
        %swap3A_1076 = arith.index_cast %swap3A_1075 : i32 to index
        %swap3A_1077 = arith.index_cast %add3A_892 : i32 to index
        %swap3A_1078 = tpu.vector_load %arg6[%swap3A_1076, %swap3A_1077] {strides = array<i32>} : memref<32x512xi32, #tpu.memory_space<vmem>>, vector<1x16xi32>,
        %swap3A_1079 = vector.shape_cast %swap3A_1078 : vector<1x16xi32> to vector<16xi32>
        %swap3A_1080 = vector.shape_cast %add3A_1074 : vector<16xi32> to vector<1x16xi32>
        tpu.vector_store %arg6[%swap3A_1076, %swap3A_1077], %swap3A_1080 {strides = array<i32>} : memref<32x512xi32, #tpu.memory_space<vmem>>, vector<1x16xi32>,
        %add3A_1081 = arith.constant 16000256 : i32
        %add3A_1082 = vector.broadcast %add3A_1081 : i32 to vector<16xi32>
        %add3A_1083 = arith.addi %add3A_887, %add3A_1082 : vector<16xi32>
        %swap3A_1084 = arith.constant 26 : i32
        %swap3A_1085 = arith.index_cast %swap3A_1084 : i32 to index
        %swap3A_1086 = arith.index_cast %add3A_892 : i32 to index
        %swap3A_1087 = tpu.vector_load %arg6[%swap3A_1085, %swap3A_1086] {strides = array<i32>} : memref<32x512xi32, #tpu.memory_space<vmem>>, vector<1x16xi32>,
        %swap3A_1088 = vector.shape_cast %swap3A_1087 : vector<1x16xi32> to vector<16xi32>
        %swap3A_1089 = vector.shape_cast %add3A_1083 : vector<16xi32> to vector<1x16xi32>
        tpu.vector_store %arg6[%swap3A_1085, %swap3A_1086], %swap3A_1089 {strides = array<i32>} : memref<32x512xi32, #tpu.memory_space<vmem>>, vector<1x16xi32>,
        %add3A_1090 = arith.constant 16000384 : i32
        %add3A_1091 = vector.broadcast %add3A_1090 : i32 to vector<16xi32>
        %add3A_1092 = arith.addi %add3A_877, %add3A_1091 : vector<16xi32>
        %swap3A_1093 = arith.constant 11 : i32
        %swap3A_1094 = arith.index_cast %swap3A_1093 : i32 to index
        %swap3A_1095 = arith.index_cast %add3A_892 : i32 to index
        %swap3A_1096 = tpu.vector_load %arg6[%swap3A_1094, %swap3A_1095] {strides = array<i32>} : memref<32x512xi32, #tpu.memory_space<vmem>>, vector<1x16xi32>,
        %swap3A_1097 = vector.shape_cast %swap3A_1096 : vector<1x16xi32> to vector<16xi32>
        %swap3A_1098 = vector.shape_cast %add3A_1092 : vector<16xi32> to vector<1x16xi32>
        tpu.vector_store %arg6[%swap3A_1094, %swap3A_1095], %swap3A_1098 {strides = array<i32>} : memref<32x512xi32, #tpu.memory_space<vmem>>, vector<1x16xi32>,
        %add3A_1099 = arith.constant 16000384 : i32
        %add3A_1100 = vector.broadcast %add3A_1099 : i32 to vector<16xi32>
        %add3A_1101 = arith.addi %add3A_887, %add3A_1100 : vector<16xi32>
        %swap3A_1102 = arith.constant 27 : i32
        %swap3A_1103 = arith.index_cast %swap3A_1102 : i32 to index
        %swap3A_1104 = arith.index_cast %add3A_892 : i32 to index
        %swap3A_1105 = tpu.vector_load %arg6[%swap3A_1103, %swap3A_1104] {strides = array<i32>} : memref<32x512xi32, #tpu.memory_space<vmem>>, vector<1x16xi32>,
        %swap3A_1106 = vector.shape_cast %swap3A_1105 : vector<1x16xi32> to vector<16xi32>
        %swap3A_1107 = vector.shape_cast %add3A_1101 : vector<16xi32> to vector<1x16xi32>
        tpu.vector_store %arg6[%swap3A_1103, %swap3A_1104], %swap3A_1107 {strides = array<i32>} : memref<32x512xi32, #tpu.memory_space<vmem>>, vector<1x16xi32>,
        %add3A_1108 = arith.constant 16000512 : i32
        %add3A_1109 = vector.broadcast %add3A_1108 : i32 to vector<16xi32>
        %add3A_1110 = arith.addi %add3A_877, %add3A_1109 : vector<16xi32>
        %swap3A_1111 = arith.constant 12 : i32
        %swap3A_1112 = arith.index_cast %swap3A_1111 : i32 to index
        %swap3A_1113 = arith.index_cast %add3A_892 : i32 to index
        %swap3A_1114 = tpu.vector_load %arg6[%swap3A_1112, %swap3A_1113] {strides = array<i32>} : memref<32x512xi32, #tpu.memory_space<vmem>>, vector<1x16xi32>,
        %swap3A_1115 = vector.shape_cast %swap3A_1114 : vector<1x16xi32> to vector<16xi32>
        %swap3A_1116 = vector.shape_cast %add3A_1110 : vector<16xi32> to vector<1x16xi32>
        tpu.vector_store %arg6[%swap3A_1112, %swap3A_1113], %swap3A_1116 {strides = array<i32>} : memref<32x512xi32, #tpu.memory_space<vmem>>, vector<1x16xi32>,
        %add3A_1117 = arith.constant 16000512 : i32
        %add3A_1118 = vector.broadcast %add3A_1117 : i32 to vector<16xi32>
        %add3A_1119 = arith.addi %add3A_887, %add3A_1118 : vector<16xi32>
        %swap3A_1120 = arith.constant 28 : i32
        %swap3A_1121 = arith.index_cast %swap3A_1120 : i32 to index
        %swap3A_1122 = arith.index_cast %add3A_892 : i32 to index
        %swap3A_1123 = tpu.vector_load %arg6[%swap3A_1121, %swap3A_1122] {strides = array<i32>} : memref<32x512xi32, #tpu.memory_space<vmem>>, vector<1x16xi32>,
        %swap3A_1124 = vector.shape_cast %swap3A_1123 : vector<1x16xi32> to vector<16xi32>
        %swap3A_1125 = vector.shape_cast %add3A_1119 : vector<16xi32> to vector<1x16xi32>
        tpu.vector_store %arg6[%swap3A_1121, %swap3A_1122], %swap3A_1125 {strides = array<i32>} : memref<32x512xi32, #tpu.memory_space<vmem>>, vector<1x16xi32>,
        %add3A_1126 = arith.constant 16000640 : i32
        %add3A_1127 = vector.broadcast %add3A_1126 : i32 to vector<16xi32>
        %add3A_1128 = arith.addi %add3A_877, %add3A_1127 : vector<16xi32>
        %swap3A_1129 = arith.constant 13 : i32
        %swap3A_1130 = arith.index_cast %swap3A_1129 : i32 to index
        %swap3A_1131 = arith.index_cast %add3A_892 : i32 to index
        %swap3A_1132 = tpu.vector_load %arg6[%swap3A_1130, %swap3A_1131] {strides = array<i32>} : memref<32x512xi32, #tpu.memory_space<vmem>>, vector<1x16xi32>,
        %swap3A_1133 = vector.shape_cast %swap3A_1132 : vector<1x16xi32> to vector<16xi32>
        %swap3A_1134 = vector.shape_cast %add3A_1128 : vector<16xi32> to vector<1x16xi32>
        tpu.vector_store %arg6[%swap3A_1130, %swap3A_1131], %swap3A_1134 {strides = array<i32>} : memref<32x512xi32, #tpu.memory_space<vmem>>, vector<1x16xi32>,
        %add3A_1135 = arith.constant 16000640 : i32
        %add3A_1136 = vector.broadcast %add3A_1135 : i32 to vector<16xi32>
        %add3A_1137 = arith.addi %add3A_887, %add3A_1136 : vector<16xi32>
        %swap3A_1138 = arith.constant 29 : i32
        %swap3A_1139 = arith.index_cast %swap3A_1138 : i32 to index
        %swap3A_1140 = arith.index_cast %add3A_892 : i32 to index
        %swap3A_1141 = tpu.vector_load %arg6[%swap3A_1139, %swap3A_1140] {strides = array<i32>} : memref<32x512xi32, #tpu.memory_space<vmem>>, vector<1x16xi32>,
        %swap3A_1142 = vector.shape_cast %swap3A_1141 : vector<1x16xi32> to vector<16xi32>
        %swap3A_1143 = vector.shape_cast %add3A_1137 : vector<16xi32> to vector<1x16xi32>
        tpu.vector_store %arg6[%swap3A_1139, %swap3A_1140], %swap3A_1143 {strides = array<i32>} : memref<32x512xi32, #tpu.memory_space<vmem>>, vector<1x16xi32>,
        %add3A_1144 = arith.constant 16000768 : i32
        %add3A_1145 = vector.broadcast %add3A_1144 : i32 to vector<16xi32>
        %add3A_1146 = arith.addi %add3A_877, %add3A_1145 : vector<16xi32>
        %swap3A_1147 = arith.constant 14 : i32
        %swap3A_1148 = arith.index_cast %swap3A_1147 : i32 to index
        %swap3A_1149 = arith.index_cast %add3A_892 : i32 to index
        %swap3A_1150 = tpu.vector_load %arg6[%swap3A_1148, %swap3A_1149] {strides = array<i32>} : memref<32x512xi32, #tpu.memory_space<vmem>>, vector<1x16xi32>,
        %swap3A_1151 = vector.shape_cast %swap3A_1150 : vector<1x16xi32> to vector<16xi32>
        %swap3A_1152 = vector.shape_cast %add3A_1146 : vector<16xi32> to vector<1x16xi32>
        tpu.vector_store %arg6[%swap3A_1148, %swap3A_1149], %swap3A_1152 {strides = array<i32>} : memref<32x512xi32, #tpu.memory_space<vmem>>, vector<1x16xi32>,
        %add3A_1153 = arith.constant 16000768 : i32
        %add3A_1154 = vector.broadcast %add3A_1153 : i32 to vector<16xi32>
        %add3A_1155 = arith.addi %add3A_887, %add3A_1154 : vector<16xi32>
        %swap3A_1156 = arith.constant 30 : i32
        %swap3A_1157 = arith.index_cast %swap3A_1156 : i32 to index
        %swap3A_1158 = arith.index_cast %add3A_892 : i32 to index
        %swap3A_1159 = tpu.vector_load %arg6[%swap3A_1157, %swap3A_1158] {strides = array<i32>} : memref<32x512xi32, #tpu.memory_space<vmem>>, vector<1x16xi32>,
        %swap3A_1160 = vector.shape_cast %swap3A_1159 : vector<1x16xi32> to vector<16xi32>
        %swap3A_1161 = vector.shape_cast %add3A_1155 : vector<16xi32> to vector<1x16xi32>
        tpu.vector_store %arg6[%swap3A_1157, %swap3A_1158], %swap3A_1161 {strides = array<i32>} : memref<32x512xi32, #tpu.memory_space<vmem>>, vector<1x16xi32>,
        %add3A_1162 = arith.constant 16000896 : i32
        %add3A_1163 = vector.broadcast %add3A_1162 : i32 to vector<16xi32>
        %add3A_1164 = arith.addi %add3A_877, %add3A_1163 : vector<16xi32>
        %swap3A_1165 = arith.constant 15 : i32
        %swap3A_1166 = arith.index_cast %swap3A_1165 : i32 to index
        %swap3A_1167 = arith.index_cast %add3A_892 : i32 to index
        %swap3A_1168 = tpu.vector_load %arg6[%swap3A_1166, %swap3A_1167] {strides = array<i32>} : memref<32x512xi32, #tpu.memory_space<vmem>>, vector<1x16xi32>,
        %swap3A_1169 = vector.shape_cast %swap3A_1168 : vector<1x16xi32> to vector<16xi32>
        %swap3A_1170 = vector.shape_cast %add3A_1164 : vector<16xi32> to vector<1x16xi32>
        tpu.vector_store %arg6[%swap3A_1166, %swap3A_1167], %swap3A_1170 {strides = array<i32>} : memref<32x512xi32, #tpu.memory_space<vmem>>, vector<1x16xi32>,
        %add3A_1171 = arith.constant 16000896 : i32
        %add3A_1172 = vector.broadcast %add3A_1171 : i32 to vector<16xi32>
        %add3A_1173 = arith.addi %add3A_887, %add3A_1172 : vector<16xi32>
        %swap3A_1174 = arith.constant 31 : i32
        %swap3A_1175 = arith.index_cast %swap3A_1174 : i32 to index
        %swap3A_1176 = arith.index_cast %add3A_892 : i32 to index
        %swap3A_1177 = tpu.vector_load %arg6[%swap3A_1175, %swap3A_1176] {strides = array<i32>} : memref<32x512xi32, #tpu.memory_space<vmem>>, vector<1x16xi32>,
        %swap3A_1178 = vector.shape_cast %swap3A_1177 : vector<1x16xi32> to vector<16xi32>
        %swap3A_1179 = vector.shape_cast %add3A_1173 : vector<16xi32> to vector<1x16xi32>
        tpu.vector_store %arg6[%swap3A_1175, %swap3A_1176], %swap3A_1179 {strides = array<i32>} : memref<32x512xi32, #tpu.memory_space<vmem>>, vector<1x16xi32>,
      }
      %scan3A_436 = arith.constant 8 : i32
      %ge3A = arith.constant 1 : i32
      %ge3A_437 = arith.cmpi sge, %scan3A_37, %ge3A : i32
      %convert_element_type3A = arith.extui %ge3A_437 : i1 to i32
      %cond3A = arith.constant 0 : i32
      %cond3A_438 = arith.cmpi ne, %convert_element_type3A, %cond3A : i32
      scf.if %cond3A_438 {
        %sub3A = arith.constant 2 : i32
        %sub3A_849 = arith.subi %add3A_43, %sub3A : i32
        %mul3A_850 = arith.constant 4 : i32
        %mul3A_851 = arith.muli %mul3A_850, %add3A : i32
        %add3A_852 = arith.addi %mul3A_851, %sub3A_849 : i32
        %dma_wait3A_853 = arith.constant 0 : i32
        %dma_wait3A_854 = arith.constant 0 : i32
        %dma_wait3A_855 = arith.constant 0 : i32
        %dma_wait3A_856 = tpu.memref_slice %arg7[%dma_wait3A_853, %sub3A_849, %dma_wait3A_854, %dma_wait3A_855] : memref<4x4x8x128xf32, #tpu.memory_space<vmem>> -> memref<4x1x8x128xf32, #tpu.memory_space<vmem>>
        %dma_wait3A_857 = tpu.memref_squeeze %dma_wait3A_856 : memref<4x1x8x128xf32, #tpu.memory_space<vmem>> -> memref<4x8x128xf32, #tpu.memory_space<vmem>>
        %dma_wait3A_858 = arith.constant 0 : i32
        %dma_wait3A_859 = arith.constant 0 : i32
        %dma_wait3A_860 = arith.constant 0 : i32
        %dma_wait3A_861 = tpu.memref_slice %arg4[%dma_wait3A_858, %add3A_852, %dma_wait3A_859, %dma_wait3A_860] : memref<4x128x8x128xf32, #tpu.memory_space<hbm>> -> memref<4x1x8x128xf32, #tpu.memory_space<hbm>>
        %dma_wait3A_862 = tpu.memref_squeeze %dma_wait3A_861 : memref<4x1x8x128xf32, #tpu.memory_space<hbm>> -> memref<4x8x128xf32, #tpu.memory_space<hbm>>
        %dma_wait3A_863 = arith.constant 0 : i32
        %dma_wait3A_864 = arith.constant 0 : i32
        %dma_wait3A_865 = arith.constant 0 : i32
        %dma_wait3A_866 = tpu.memref_slice %arg7[%dma_wait3A_863, %sub3A_849, %dma_wait3A_864, %dma_wait3A_865] : memref<4x4x8x128xf32, #tpu.memory_space<vmem>> -> memref<4x1x8x128xf32, #tpu.memory_space<vmem>>
        %dma_wait3A_867 = tpu.memref_squeeze %dma_wait3A_866 : memref<4x1x8x128xf32, #tpu.memory_space<vmem>> -> memref<4x8x128xf32, #tpu.memory_space<vmem>>
        %dma_wait3A_868 = arith.constant 0 : i32
        %dma_wait3A_869 = arith.constant 0 : i32
        %dma_wait3A_870 = arith.constant 0 : i32
        %dma_wait3A_871 = tpu.memref_slice %arg4[%dma_wait3A_868, %add3A_852, %dma_wait3A_869, %dma_wait3A_870] : memref<4x128x8x128xf32, #tpu.memory_space<hbm>> -> memref<4x1x8x128xf32, #tpu.memory_space<hbm>>
        %dma_wait3A_872 = tpu.memref_squeeze %dma_wait3A_871 : memref<4x1x8x128xf32, #tpu.memory_space<hbm>> -> memref<4x8x128xf32, #tpu.memory_space<hbm>>
        tpu.wait_dma2 semaphore(%arg9 : memref<!tpu.dma_semaphore, #tpu.memory_space<semaphore_mem>>) src(%dma_wait3A_872 : memref<4x8x128xf32, #tpu.memory_space<hbm>>) dst(%dma_wait3A_867 : memref<4x8x128xf32, #tpu.memory_space<vmem>>)
        %mul3A_873 = arith.constant 4 : i32
        %mul3A_874 = arith.muli %mul3A_873, %add3A : i32
        %add3A_875 = arith.addi %mul3A_874, %sub3A_849 : i32
        "tpu.region"() ({
          %run_scoped3A_876 = tpu.sem_alloc : memref<!tpu.dma_semaphore, #tpu.memory_space<semaphore_mem>>
          %dma_start3A_877 = arith.constant 0 : i32
          %dma_start3A_878 = arith.constant 0 : i32
          %dma_start3A_879 = arith.constant 0 : i32
          %dma_start3A_880 = tpu.memref_slice %arg7[%dma_start3A_877, %sub3A_849, %dma_start3A_878, %dma_start3A_879] : memref<4x4x8x128xf32, #tpu.memory_space<vmem>> -> memref<4x1x8x128xf32, #tpu.memory_space<vmem>>
          %dma_start3A_881 = tpu.memref_squeeze %dma_start3A_880 : memref<4x1x8x128xf32, #tpu.memory_space<vmem>> -> memref<4x8x128xf32, #tpu.memory_space<vmem>>
          %dma_start3A_882 = arith.constant 0 : i32
          %dma_start3A_883 = arith.constant 0 : i32
          %dma_start3A_884 = arith.constant 0 : i32
          %dma_start3A_885 = tpu.memref_slice %arg4[%dma_start3A_882, %add3A_875, %dma_start3A_883, %dma_start3A_884] : memref<4x128x8x128xf32, #tpu.memory_space<hbm>> -> memref<4x1x8x128xf32, #tpu.memory_space<hbm>>
          %dma_start3A_886 = tpu.memref_squeeze %dma_start3A_885 : memref<4x1x8x128xf32, #tpu.memory_space<hbm>> -> memref<4x8x128xf32, #tpu.memory_space<hbm>>
          %dma_start3A_887 = arith.constant 0 : i32
          %dma_start3A_888 = arith.constant 0 : i32
          %dma_start3A_889 = arith.constant 0 : i32
          %dma_start3A_890 = tpu.memref_slice %arg4[%dma_start3A_887, %add3A_875, %dma_start3A_888, %dma_start3A_889] : memref<4x128x8x128xf32, #tpu.memory_space<hbm>> -> memref<4x1x8x128xf32, #tpu.memory_space<hbm>>
          %dma_start3A_891 = tpu.memref_squeeze %dma_start3A_890 : memref<4x1x8x128xf32, #tpu.memory_space<hbm>> -> memref<4x8x128xf32, #tpu.memory_space<hbm>>
          %dma_start3A_892 = arith.constant 0 : i32
          %dma_start3A_893 = arith.constant 0 : i32
          %dma_start3A_894 = arith.constant 0 : i32
          %dma_start3A_895 = tpu.memref_slice %arg7[%dma_start3A_892, %sub3A_849, %dma_start3A_893, %dma_start3A_894] : memref<4x4x8x128xf32, #tpu.memory_space<vmem>> -> memref<4x1x8x128xf32, #tpu.memory_space<vmem>>
          %dma_start3A_896 = tpu.memref_squeeze %dma_start3A_895 : memref<4x1x8x128xf32, #tpu.memory_space<vmem>> -> memref<4x8x128xf32, #tpu.memory_space<vmem>>
          tpu.enqueue_dma source(%dma_start3A_896 : memref<4x8x128xf32, #tpu.memory_space<vmem>>) target(%dma_start3A_891 : memref<4x8x128xf32, #tpu.memory_space<hbm>>) target_semaphore(%run_scoped3A_876 : memref<!tpu.dma_semaphore, #tpu.memory_space<semaphore_mem>>)
          %dma_wait3A_897 = arith.constant 0 : i32
          %dma_wait3A_898 = arith.constant 0 : i32
          %dma_wait3A_899 = arith.constant 0 : i32
          %dma_wait3A_900 = tpu.memref_slice %arg7[%dma_wait3A_897, %sub3A_849, %dma_wait3A_898, %dma_wait3A_899] : memref<4x4x8x128xf32, #tpu.memory_space<vmem>> -> memref<4x1x8x128xf32, #tpu.memory_space<vmem>>
          %dma_wait3A_901 = tpu.memref_squeeze %dma_wait3A_900 : memref<4x1x8x128xf32, #tpu.memory_space<vmem>> -> memref<4x8x128xf32, #tpu.memory_space<vmem>>
          %dma_wait3A_902 = arith.constant 0 : i32
          %dma_wait3A_903 = arith.constant 0 : i32
          %dma_wait3A_904 = arith.constant 0 : i32
          %dma_wait3A_905 = tpu.memref_slice %arg4[%dma_wait3A_902, %add3A_875, %dma_wait3A_903, %dma_wait3A_904] : memref<4x128x8x128xf32, #tpu.memory_space<hbm>> -> memref<4x1x8x128xf32, #tpu.memory_space<hbm>>
          %dma_wait3A_906 = tpu.memref_squeeze %dma_wait3A_905 : memref<4x1x8x128xf32, #tpu.memory_space<hbm>> -> memref<4x8x128xf32, #tpu.memory_space<hbm>>
          %dma_wait3A_907 = arith.constant 0 : i32
          %dma_wait3A_908 = arith.constant 0 : i32
          %dma_wait3A_909 = arith.constant 0 : i32
          %dma_wait3A_910 = tpu.memref_slice %arg4[%dma_wait3A_907, %add3A_875, %dma_wait3A_908, %dma_wait3A_909] : memref<4x128x8x128xf32, #tpu.memory_space<hbm>> -> memref<4x1x8x128xf32, #tpu.memory_space<hbm>>
          %dma_wait3A_911 = tpu.memref_squeeze %dma_wait3A_910 : memref<4x1x8x128xf32, #tpu.memory_space<hbm>> -> memref<4x8x128xf32, #tpu.memory_space<hbm>>
          %dma_wait3A_912 = arith.constant 0 : i32
          %dma_wait3A_913 = arith.constant 0 : i32
          %dma_wait3A_914 = arith.constant 0 : i32
          %dma_wait3A_915 = tpu.memref_slice %arg7[%dma_wait3A_912, %sub3A_849, %dma_wait3A_913, %dma_wait3A_914] : memref<4x4x8x128xf32, #tpu.memory_space<vmem>> -> memref<4x1x8x128xf32, #tpu.memory_space<vmem>>
          %dma_wait3A_916 = tpu.memref_squeeze %dma_wait3A_915 : memref<4x1x8x128xf32, #tpu.memory_space<vmem>> -> memref<4x8x128xf32, #tpu.memory_space<vmem>>
          tpu.wait_dma2 semaphore(%run_scoped3A_876 : memref<!tpu.dma_semaphore, #tpu.memory_space<semaphore_mem>>) src(%dma_wait3A_916 : memref<4x8x128xf32, #tpu.memory_space<vmem>>) dst(%dma_wait3A_911 : memref<4x8x128xf32, #tpu.memory_space<hbm>>)
          tpu.yield
        }) : () -> ()
      } else {
      }
      %mul3A_439 = arith.constant 128 : i32
      %mul3A_440 = arith.muli %mul3A_439, %add3A_43 : i32
      %dma_start3A_441 = arith.constant 0 : i32
      %dma_start3A_442 = arith.constant 0 : i32
      %dma_start3A_443 = arith.constant 0 : i32
      %dma_start3A_444 = arith.constant 0 : i32
      %dma_start3A_445 = tpu.memref_slice %arg7[%dma_start3A_442, %add3A_43, %dma_start3A_443, %dma_start3A_444] : memref<4x4x8x128xf32, #tpu.memory_space<vmem>> -> memref<1x1x1x128xf32, #tpu.memory_space<vmem>>
      %dma_start3A_446 = tpu.memref_squeeze %dma_start3A_445 : memref<1x1x1x128xf32, #tpu.memory_space<vmem>> -> memref<128xf32, #tpu.memory_space<vmem>>
      %dma_start3A_447 = tpu.memref_slice %arg6[%dma_start3A_441, %mul3A_440] : memref<32x512xi32, #tpu.memory_space<vmem>> -> memref<1x128xi32, #tpu.memory_space<vmem>>
      %dma_start3A_448 = tpu.memref_squeeze %dma_start3A_447 : memref<1x128xi32, #tpu.memory_space<vmem>> -> memref<128xi32, #tpu.memory_space<vmem>>
      %dma_start3A_449 = arith.constant 0 : i32
      %dma_start3A_450 = tpu.memref_slice %arg2[%dma_start3A_449] : memref<32000000xf32, #tpu.memory_space<hbm>> -> memref<32000000xf32, #tpu.memory_space<hbm>>
      tpu.enqueue_indirect_dma source(%dma_start3A_450 : memref<32000000xf32, #tpu.memory_space<hbm>>) target(%dma_start3A_446 : memref<128xf32, #tpu.memory_space<vmem>>) offsets(%dma_start3A_448 : memref<128xi32, #tpu.memory_space<vmem>>) semaphore(%arg9 : memref<!tpu.dma_semaphore, #tpu.memory_space<semaphore_mem>>)
      %mul3A_451 = arith.constant 128 : i32
      %mul3A_452 = arith.muli %mul3A_451, %add3A_43 : i32
      %dma_start3A_453 = arith.constant 1 : i32
      %dma_start3A_454 = arith.constant 0 : i32
      %dma_start3A_455 = arith.constant 1 : i32
      %dma_start3A_456 = arith.constant 0 : i32
      %dma_start3A_457 = tpu.memref_slice %arg7[%dma_start3A_454, %add3A_43, %dma_start3A_455, %dma_start3A_456] : memref<4x4x8x128xf32, #tpu.memory_space<vmem>> -> memref<1x1x1x128xf32, #tpu.memory_space<vmem>>
      %dma_start3A_458 = tpu.memref_squeeze %dma_start3A_457 : memref<1x1x1x128xf32, #tpu.memory_space<vmem>> -> memref<128xf32, #tpu.memory_space<vmem>>
      %dma_start3A_459 = tpu.memref_slice %arg6[%dma_start3A_453, %mul3A_452] : memref<32x512xi32, #tpu.memory_space<vmem>> -> memref<1x128xi32, #tpu.memory_space<vmem>>
      %dma_start3A_460 = tpu.memref_squeeze %dma_start3A_459 : memref<1x128xi32, #tpu.memory_space<vmem>> -> memref<128xi32, #tpu.memory_space<vmem>>
      %dma_start3A_461 = arith.constant 0 : i32
      %dma_start3A_462 = tpu.memref_slice %arg2[%dma_start3A_461] : memref<32000000xf32, #tpu.memory_space<hbm>> -> memref<32000000xf32, #tpu.memory_space<hbm>>
      tpu.enqueue_indirect_dma source(%dma_start3A_462 : memref<32000000xf32, #tpu.memory_space<hbm>>) target(%dma_start3A_458 : memref<128xf32, #tpu.memory_space<vmem>>) offsets(%dma_start3A_460 : memref<128xi32, #tpu.memory_space<vmem>>) semaphore(%arg9 : memref<!tpu.dma_semaphore, #tpu.memory_space<semaphore_mem>>)
      %mul3A_463 = arith.constant 128 : i32
      %mul3A_464 = arith.muli %mul3A_463, %add3A_43 : i32
      %dma_start3A_465 = arith.constant 2 : i32
      %dma_start3A_466 = arith.constant 0 : i32
      %dma_start3A_467 = arith.constant 2 : i32
      %dma_start3A_468 = arith.constant 0 : i32
      %dma_start3A_469 = tpu.memref_slice %arg7[%dma_start3A_466, %add3A_43, %dma_start3A_467, %dma_start3A_468] : memref<4x4x8x128xf32, #tpu.memory_space<vmem>> -> memref<1x1x1x128xf32, #tpu.memory_space<vmem>>
      %dma_start3A_470 = tpu.memref_squeeze %dma_start3A_469 : memref<1x1x1x128xf32, #tpu.memory_space<vmem>> -> memref<128xf32, #tpu.memory_space<vmem>>
      %dma_start3A_471 = tpu.memref_slice %arg6[%dma_start3A_465, %mul3A_464] : memref<32x512xi32, #tpu.memory_space<vmem>> -> memref<1x128xi32, #tpu.memory_space<vmem>>
      %dma_start3A_472 = tpu.memref_squeeze %dma_start3A_471 : memref<1x128xi32, #tpu.memory_space<vmem>> -> memref<128xi32, #tpu.memory_space<vmem>>
      %dma_start3A_473 = arith.constant 0 : i32
      %dma_start3A_474 = tpu.memref_slice %arg2[%dma_start3A_473] : memref<32000000xf32, #tpu.memory_space<hbm>> -> memref<32000000xf32, #tpu.memory_space<hbm>>
      tpu.enqueue_indirect_dma source(%dma_start3A_474 : memref<32000000xf32, #tpu.memory_space<hbm>>) target(%dma_start3A_470 : memref<128xf32, #tpu.memory_space<vmem>>) offsets(%dma_start3A_472 : memref<128xi32, #tpu.memory_space<vmem>>) semaphore(%arg9 : memref<!tpu.dma_semaphore, #tpu.memory_space<semaphore_mem>>)
      %mul3A_475 = arith.constant 128 : i32
      %mul3A_476 = arith.muli %mul3A_475, %add3A_43 : i32
      %dma_start3A_477 = arith.constant 3 : i32
      %dma_start3A_478 = arith.constant 0 : i32
      %dma_start3A_479 = arith.constant 3 : i32
      %dma_start3A_480 = arith.constant 0 : i32
      %dma_start3A_481 = tpu.memref_slice %arg7[%dma_start3A_478, %add3A_43, %dma_start3A_479, %dma_start3A_480] : memref<4x4x8x128xf32, #tpu.memory_space<vmem>> -> memref<1x1x1x128xf32, #tpu.memory_space<vmem>>
      %dma_start3A_482 = tpu.memref_squeeze %dma_start3A_481 : memref<1x1x1x128xf32, #tpu.memory_space<vmem>> -> memref<128xf32, #tpu.memory_space<vmem>>
      %dma_start3A_483 = tpu.memref_slice %arg6[%dma_start3A_477, %mul3A_476] : memref<32x512xi32, #tpu.memory_space<vmem>> -> memref<1x128xi32, #tpu.memory_space<vmem>>
      %dma_start3A_484 = tpu.memref_squeeze %dma_start3A_483 : memref<1x128xi32, #tpu.memory_space<vmem>> -> memref<128xi32, #tpu.memory_space<vmem>>
      %dma_start3A_485 = arith.constant 0 : i32
      %dma_start3A_486 = tpu.memref_slice %arg2[%dma_start3A_485] : memref<32000000xf32, #tpu.memory_space<hbm>> -> memref<32000000xf32, #tpu.memory_space<hbm>>
      tpu.enqueue_indirect_dma source(%dma_start3A_486 : memref<32000000xf32, #tpu.memory_space<hbm>>) target(%dma_start3A_482 : memref<128xf32, #tpu.memory_space<vmem>>) offsets(%dma_start3A_484 : memref<128xi32, #tpu.memory_space<vmem>>) semaphore(%arg9 : memref<!tpu.dma_semaphore, #tpu.memory_space<semaphore_mem>>)
      %mul3A_487 = arith.constant 128 : i32
      %mul3A_488 = arith.muli %mul3A_487, %add3A_43 : i32
      %dma_start3A_489 = arith.constant 4 : i32
      %dma_start3A_490 = arith.constant 0 : i32
      %dma_start3A_491 = arith.constant 4 : i32
      %dma_start3A_492 = arith.constant 0 : i32
      %dma_start3A_493 = tpu.memref_slice %arg7[%dma_start3A_490, %add3A_43, %dma_start3A_491, %dma_start3A_492] : memref<4x4x8x128xf32, #tpu.memory_space<vmem>> -> memref<1x1x1x128xf32, #tpu.memory_space<vmem>>
      %dma_start3A_494 = tpu.memref_squeeze %dma_start3A_493 : memref<1x1x1x128xf32, #tpu.memory_space<vmem>> -> memref<128xf32, #tpu.memory_space<vmem>>
      %dma_start3A_495 = tpu.memref_slice %arg6[%dma_start3A_489, %mul3A_488] : memref<32x512xi32, #tpu.memory_space<vmem>> -> memref<1x128xi32, #tpu.memory_space<vmem>>
      %dma_start3A_496 = tpu.memref_squeeze %dma_start3A_495 : memref<1x128xi32, #tpu.memory_space<vmem>> -> memref<128xi32, #tpu.memory_space<vmem>>
      %dma_start3A_497 = arith.constant 0 : i32
      %dma_start3A_498 = tpu.memref_slice %arg2[%dma_start3A_497] : memref<32000000xf32, #tpu.memory_space<hbm>> -> memref<32000000xf32, #tpu.memory_space<hbm>>
      tpu.enqueue_indirect_dma source(%dma_start3A_498 : memref<32000000xf32, #tpu.memory_space<hbm>>) target(%dma_start3A_494 : memref<128xf32, #tpu.memory_space<vmem>>) offsets(%dma_start3A_496 : memref<128xi32, #tpu.memory_space<vmem>>) semaphore(%arg9 : memref<!tpu.dma_semaphore, #tpu.memory_space<semaphore_mem>>)
      %mul3A_499 = arith.constant 128 : i32
      %mul3A_500 = arith.muli %mul3A_499, %add3A_43 : i32
      %dma_start3A_501 = arith.constant 5 : i32
      %dma_start3A_502 = arith.constant 0 : i32
      %dma_start3A_503 = arith.constant 5 : i32
      %dma_start3A_504 = arith.constant 0 : i32
      %dma_start3A_505 = tpu.memref_slice %arg7[%dma_start3A_502, %add3A_43, %dma_start3A_503, %dma_start3A_504] : memref<4x4x8x128xf32, #tpu.memory_space<vmem>> -> memref<1x1x1x128xf32, #tpu.memory_space<vmem>>
      %dma_start3A_506 = tpu.memref_squeeze %dma_start3A_505 : memref<1x1x1x128xf32, #tpu.memory_space<vmem>> -> memref<128xf32, #tpu.memory_space<vmem>>
      %dma_start3A_507 = tpu.memref_slice %arg6[%dma_start3A_501, %mul3A_500] : memref<32x512xi32, #tpu.memory_space<vmem>> -> memref<1x128xi32, #tpu.memory_space<vmem>>
      %dma_start3A_508 = tpu.memref_squeeze %dma_start3A_507 : memref<1x128xi32, #tpu.memory_space<vmem>> -> memref<128xi32, #tpu.memory_space<vmem>>
      %dma_start3A_509 = arith.constant 0 : i32
      %dma_start3A_510 = tpu.memref_slice %arg2[%dma_start3A_509] : memref<32000000xf32, #tpu.memory_space<hbm>> -> memref<32000000xf32, #tpu.memory_space<hbm>>
      tpu.enqueue_indirect_dma source(%dma_start3A_510 : memref<32000000xf32, #tpu.memory_space<hbm>>) target(%dma_start3A_506 : memref<128xf32, #tpu.memory_space<vmem>>) offsets(%dma_start3A_508 : memref<128xi32, #tpu.memory_space<vmem>>) semaphore(%arg9 : memref<!tpu.dma_semaphore, #tpu.memory_space<semaphore_mem>>)
      %mul3A_511 = arith.constant 128 : i32
      %mul3A_512 = arith.muli %mul3A_511, %add3A_43 : i32
      %dma_start3A_513 = arith.constant 6 : i32
      %dma_start3A_514 = arith.constant 0 : i32
      %dma_start3A_515 = arith.constant 6 : i32
      %dma_start3A_516 = arith.constant 0 : i32
      %dma_start3A_517 = tpu.memref_slice %arg7[%dma_start3A_514, %add3A_43, %dma_start3A_515, %dma_start3A_516] : memref<4x4x8x128xf32, #tpu.memory_space<vmem>> -> memref<1x1x1x128xf32, #tpu.memory_space<vmem>>
      %dma_start3A_518 = tpu.memref_squeeze %dma_start3A_517 : memref<1x1x1x128xf32, #tpu.memory_space<vmem>> -> memref<128xf32, #tpu.memory_space<vmem>>
      %dma_start3A_519 = tpu.memref_slice %arg6[%dma_start3A_513, %mul3A_512] : memref<32x512xi32, #tpu.memory_space<vmem>> -> memref<1x128xi32, #tpu.memory_space<vmem>>
      %dma_start3A_520 = tpu.memref_squeeze %dma_start3A_519 : memref<1x128xi32, #tpu.memory_space<vmem>> -> memref<128xi32, #tpu.memory_space<vmem>>
      %dma_start3A_521 = arith.constant 0 : i32
      %dma_start3A_522 = tpu.memref_slice %arg2[%dma_start3A_521] : memref<32000000xf32, #tpu.memory_space<hbm>> -> memref<32000000xf32, #tpu.memory_space<hbm>>
      tpu.enqueue_indirect_dma source(%dma_start3A_522 : memref<32000000xf32, #tpu.memory_space<hbm>>) target(%dma_start3A_518 : memref<128xf32, #tpu.memory_space<vmem>>) offsets(%dma_start3A_520 : memref<128xi32, #tpu.memory_space<vmem>>) semaphore(%arg9 : memref<!tpu.dma_semaphore, #tpu.memory_space<semaphore_mem>>)
      %mul3A_523 = arith.constant 128 : i32
      %mul3A_524 = arith.muli %mul3A_523, %add3A_43 : i32
      %dma_start3A_525 = arith.constant 7 : i32
      %dma_start3A_526 = arith.constant 0 : i32
      %dma_start3A_527 = arith.constant 7 : i32
      %dma_start3A_528 = arith.constant 0 : i32
      %dma_start3A_529 = tpu.memref_slice %arg7[%dma_start3A_526, %add3A_43, %dma_start3A_527, %dma_start3A_528] : memref<4x4x8x128xf32, #tpu.memory_space<vmem>> -> memref<1x1x1x128xf32, #tpu.memory_space<vmem>>
      %dma_start3A_530 = tpu.memref_squeeze %dma_start3A_529 : memref<1x1x1x128xf32, #tpu.memory_space<vmem>> -> memref<128xf32, #tpu.memory_space<vmem>>
      %dma_start3A_531 = tpu.memref_slice %arg6[%dma_start3A_525, %mul3A_524] : memref<32x512xi32, #tpu.memory_space<vmem>> -> memref<1x128xi32, #tpu.memory_space<vmem>>
      %dma_start3A_532 = tpu.memref_squeeze %dma_start3A_531 : memref<1x128xi32, #tpu.memory_space<vmem>> -> memref<128xi32, #tpu.memory_space<vmem>>
      %dma_start3A_533 = arith.constant 0 : i32
      %dma_start3A_534 = tpu.memref_slice %arg2[%dma_start3A_533] : memref<32000000xf32, #tpu.memory_space<hbm>> -> memref<32000000xf32, #tpu.memory_space<hbm>>
      tpu.enqueue_indirect_dma source(%dma_start3A_534 : memref<32000000xf32, #tpu.memory_space<hbm>>) target(%dma_start3A_530 : memref<128xf32, #tpu.memory_space<vmem>>) offsets(%dma_start3A_532 : memref<128xi32, #tpu.memory_space<vmem>>) semaphore(%arg9 : memref<!tpu.dma_semaphore, #tpu.memory_space<semaphore_mem>>)
      %mul3A_535 = arith.constant 128 : i32
      %mul3A_536 = arith.muli %mul3A_535, %add3A_43 : i32
      %dma_start3A_537 = arith.constant 8 : i32
      %dma_start3A_538 = arith.constant 1 : i32
      %dma_start3A_539 = arith.constant 0 : i32
      %dma_start3A_540 = arith.constant 0 : i32
      %dma_start3A_541 = tpu.memref_slice %arg7[%dma_start3A_538, %add3A_43, %dma_start3A_539, %dma_start3A_540] : memref<4x4x8x128xf32, #tpu.memory_space<vmem>> -> memref<1x1x1x128xf32, #tpu.memory_space<vmem>>
      %dma_start3A_542 = tpu.memref_squeeze %dma_start3A_541 : memref<1x1x1x128xf32, #tpu.memory_space<vmem>> -> memref<128xf32, #tpu.memory_space<vmem>>
      %dma_start3A_543 = tpu.memref_slice %arg6[%dma_start3A_537, %mul3A_536] : memref<32x512xi32, #tpu.memory_space<vmem>> -> memref<1x128xi32, #tpu.memory_space<vmem>>
      %dma_start3A_544 = tpu.memref_squeeze %dma_start3A_543 : memref<1x128xi32, #tpu.memory_space<vmem>> -> memref<128xi32, #tpu.memory_space<vmem>>
      %dma_start3A_545 = arith.constant 0 : i32
      %dma_start3A_546 = tpu.memref_slice %arg2[%dma_start3A_545] : memref<32000000xf32, #tpu.memory_space<hbm>> -> memref<32000000xf32, #tpu.memory_space<hbm>>
      tpu.enqueue_indirect_dma source(%dma_start3A_546 : memref<32000000xf32, #tpu.memory_space<hbm>>) target(%dma_start3A_542 : memref<128xf32, #tpu.memory_space<vmem>>) offsets(%dma_start3A_544 : memref<128xi32, #tpu.memory_space<vmem>>) semaphore(%arg9 : memref<!tpu.dma_semaphore, #tpu.memory_space<semaphore_mem>>)
      %mul3A_547 = arith.constant 128 : i32
      %mul3A_548 = arith.muli %mul3A_547, %add3A_43 : i32
      %dma_start3A_549 = arith.constant 9 : i32
      %dma_start3A_550 = arith.constant 1 : i32
      %dma_start3A_551 = arith.constant 1 : i32
      %dma_start3A_552 = arith.constant 0 : i32
      %dma_start3A_553 = tpu.memref_slice %arg7[%dma_start3A_550, %add3A_43, %dma_start3A_551, %dma_start3A_552] : memref<4x4x8x128xf32, #tpu.memory_space<vmem>> -> memref<1x1x1x128xf32, #tpu.memory_space<vmem>>
      %dma_start3A_554 = tpu.memref_squeeze %dma_start3A_553 : memref<1x1x1x128xf32, #tpu.memory_space<vmem>> -> memref<128xf32, #tpu.memory_space<vmem>>
      %dma_start3A_555 = tpu.memref_slice %arg6[%dma_start3A_549, %mul3A_548] : memref<32x512xi32, #tpu.memory_space<vmem>> -> memref<1x128xi32, #tpu.memory_space<vmem>>
      %dma_start3A_556 = tpu.memref_squeeze %dma_start3A_555 : memref<1x128xi32, #tpu.memory_space<vmem>> -> memref<128xi32, #tpu.memory_space<vmem>>
      %dma_start3A_557 = arith.constant 0 : i32
      %dma_start3A_558 = tpu.memref_slice %arg2[%dma_start3A_557] : memref<32000000xf32, #tpu.memory_space<hbm>> -> memref<32000000xf32, #tpu.memory_space<hbm>>
      tpu.enqueue_indirect_dma source(%dma_start3A_558 : memref<32000000xf32, #tpu.memory_space<hbm>>) target(%dma_start3A_554 : memref<128xf32, #tpu.memory_space<vmem>>) offsets(%dma_start3A_556 : memref<128xi32, #tpu.memory_space<vmem>>) semaphore(%arg9 : memref<!tpu.dma_semaphore, #tpu.memory_space<semaphore_mem>>)
      %mul3A_559 = arith.constant 128 : i32
      %mul3A_560 = arith.muli %mul3A_559, %add3A_43 : i32
      %dma_start3A_561 = arith.constant 10 : i32
      %dma_start3A_562 = arith.constant 1 : i32
      %dma_start3A_563 = arith.constant 2 : i32
      %dma_start3A_564 = arith.constant 0 : i32
      %dma_start3A_565 = tpu.memref_slice %arg7[%dma_start3A_562, %add3A_43, %dma_start3A_563, %dma_start3A_564] : memref<4x4x8x128xf32, #tpu.memory_space<vmem>> -> memref<1x1x1x128xf32, #tpu.memory_space<vmem>>
      %dma_start3A_566 = tpu.memref_squeeze %dma_start3A_565 : memref<1x1x1x128xf32, #tpu.memory_space<vmem>> -> memref<128xf32, #tpu.memory_space<vmem>>
      %dma_start3A_567 = tpu.memref_slice %arg6[%dma_start3A_561, %mul3A_560] : memref<32x512xi32, #tpu.memory_space<vmem>> -> memref<1x128xi32, #tpu.memory_space<vmem>>
      %dma_start3A_568 = tpu.memref_squeeze %dma_start3A_567 : memref<1x128xi32, #tpu.memory_space<vmem>> -> memref<128xi32, #tpu.memory_space<vmem>>
      %dma_start3A_569 = arith.constant 0 : i32
      %dma_start3A_570 = tpu.memref_slice %arg2[%dma_start3A_569] : memref<32000000xf32, #tpu.memory_space<hbm>> -> memref<32000000xf32, #tpu.memory_space<hbm>>
      tpu.enqueue_indirect_dma source(%dma_start3A_570 : memref<32000000xf32, #tpu.memory_space<hbm>>) target(%dma_start3A_566 : memref<128xf32, #tpu.memory_space<vmem>>) offsets(%dma_start3A_568 : memref<128xi32, #tpu.memory_space<vmem>>) semaphore(%arg9 : memref<!tpu.dma_semaphore, #tpu.memory_space<semaphore_mem>>)
      %mul3A_571 = arith.constant 128 : i32
      %mul3A_572 = arith.muli %mul3A_571, %add3A_43 : i32
      %dma_start3A_573 = arith.constant 11 : i32
      %dma_start3A_574 = arith.constant 1 : i32
      %dma_start3A_575 = arith.constant 3 : i32
      %dma_start3A_576 = arith.constant 0 : i32
      %dma_start3A_577 = tpu.memref_slice %arg7[%dma_start3A_574, %add3A_43, %dma_start3A_575, %dma_start3A_576] : memref<4x4x8x128xf32, #tpu.memory_space<vmem>> -> memref<1x1x1x128xf32, #tpu.memory_space<vmem>>
      %dma_start3A_578 = tpu.memref_squeeze %dma_start3A_577 : memref<1x1x1x128xf32, #tpu.memory_space<vmem>> -> memref<128xf32, #tpu.memory_space<vmem>>
      %dma_start3A_579 = tpu.memref_slice %arg6[%dma_start3A_573, %mul3A_572] : memref<32x512xi32, #tpu.memory_space<vmem>> -> memref<1x128xi32, #tpu.memory_space<vmem>>
      %dma_start3A_580 = tpu.memref_squeeze %dma_start3A_579 : memref<1x128xi32, #tpu.memory_space<vmem>> -> memref<128xi32, #tpu.memory_space<vmem>>
      %dma_start3A_581 = arith.constant 0 : i32
      %dma_start3A_582 = tpu.memref_slice %arg2[%dma_start3A_581] : memref<32000000xf32, #tpu.memory_space<hbm>> -> memref<32000000xf32, #tpu.memory_space<hbm>>
      tpu.enqueue_indirect_dma source(%dma_start3A_582 : memref<32000000xf32, #tpu.memory_space<hbm>>) target(%dma_start3A_578 : memref<128xf32, #tpu.memory_space<vmem>>) offsets(%dma_start3A_580 : memref<128xi32, #tpu.memory_space<vmem>>) semaphore(%arg9 : memref<!tpu.dma_semaphore, #tpu.memory_space<semaphore_mem>>)
      %mul3A_583 = arith.constant 128 : i32
      %mul3A_584 = arith.muli %mul3A_583, %add3A_43 : i32
      %dma_start3A_585 = arith.constant 12 : i32
      %dma_start3A_586 = arith.constant 1 : i32
      %dma_start3A_587 = arith.constant 4 : i32
      %dma_start3A_588 = arith.constant 0 : i32
      %dma_start3A_589 = tpu.memref_slice %arg7[%dma_start3A_586, %add3A_43, %dma_start3A_587, %dma_start3A_588] : memref<4x4x8x128xf32, #tpu.memory_space<vmem>> -> memref<1x1x1x128xf32, #tpu.memory_space<vmem>>
      %dma_start3A_590 = tpu.memref_squeeze %dma_start3A_589 : memref<1x1x1x128xf32, #tpu.memory_space<vmem>> -> memref<128xf32, #tpu.memory_space<vmem>>
      %dma_start3A_591 = tpu.memref_slice %arg6[%dma_start3A_585, %mul3A_584] : memref<32x512xi32, #tpu.memory_space<vmem>> -> memref<1x128xi32, #tpu.memory_space<vmem>>
      %dma_start3A_592 = tpu.memref_squeeze %dma_start3A_591 : memref<1x128xi32, #tpu.memory_space<vmem>> -> memref<128xi32, #tpu.memory_space<vmem>>
      %dma_start3A_593 = arith.constant 0 : i32
      %dma_start3A_594 = tpu.memref_slice %arg2[%dma_start3A_593] : memref<32000000xf32, #tpu.memory_space<hbm>> -> memref<32000000xf32, #tpu.memory_space<hbm>>
      tpu.enqueue_indirect_dma source(%dma_start3A_594 : memref<32000000xf32, #tpu.memory_space<hbm>>) target(%dma_start3A_590 : memref<128xf32, #tpu.memory_space<vmem>>) offsets(%dma_start3A_592 : memref<128xi32, #tpu.memory_space<vmem>>) semaphore(%arg9 : memref<!tpu.dma_semaphore, #tpu.memory_space<semaphore_mem>>)
      %mul3A_595 = arith.constant 128 : i32
      %mul3A_596 = arith.muli %mul3A_595, %add3A_43 : i32
      %dma_start3A_597 = arith.constant 13 : i32
      %dma_start3A_598 = arith.constant 1 : i32
      %dma_start3A_599 = arith.constant 5 : i32
      %dma_start3A_600 = arith.constant 0 : i32
      %dma_start3A_601 = tpu.memref_slice %arg7[%dma_start3A_598, %add3A_43, %dma_start3A_599, %dma_start3A_600] : memref<4x4x8x128xf32, #tpu.memory_space<vmem>> -> memref<1x1x1x128xf32, #tpu.memory_space<vmem>>
      %dma_start3A_602 = tpu.memref_squeeze %dma_start3A_601 : memref<1x1x1x128xf32, #tpu.memory_space<vmem>> -> memref<128xf32, #tpu.memory_space<vmem>>
      %dma_start3A_603 = tpu.memref_slice %arg6[%dma_start3A_597, %mul3A_596] : memref<32x512xi32, #tpu.memory_space<vmem>> -> memref<1x128xi32, #tpu.memory_space<vmem>>
      %dma_start3A_604 = tpu.memref_squeeze %dma_start3A_603 : memref<1x128xi32, #tpu.memory_space<vmem>> -> memref<128xi32, #tpu.memory_space<vmem>>
      %dma_start3A_605 = arith.constant 0 : i32
      %dma_start3A_606 = tpu.memref_slice %arg2[%dma_start3A_605] : memref<32000000xf32, #tpu.memory_space<hbm>> -> memref<32000000xf32, #tpu.memory_space<hbm>>
      tpu.enqueue_indirect_dma source(%dma_start3A_606 : memref<32000000xf32, #tpu.memory_space<hbm>>) target(%dma_start3A_602 : memref<128xf32, #tpu.memory_space<vmem>>) offsets(%dma_start3A_604 : memref<128xi32, #tpu.memory_space<vmem>>) semaphore(%arg9 : memref<!tpu.dma_semaphore, #tpu.memory_space<semaphore_mem>>)
      %mul3A_607 = arith.constant 128 : i32
      %mul3A_608 = arith.muli %mul3A_607, %add3A_43 : i32
      %dma_start3A_609 = arith.constant 14 : i32
      %dma_start3A_610 = arith.constant 1 : i32
      %dma_start3A_611 = arith.constant 6 : i32
      %dma_start3A_612 = arith.constant 0 : i32
      %dma_start3A_613 = tpu.memref_slice %arg7[%dma_start3A_610, %add3A_43, %dma_start3A_611, %dma_start3A_612] : memref<4x4x8x128xf32, #tpu.memory_space<vmem>> -> memref<1x1x1x128xf32, #tpu.memory_space<vmem>>
      %dma_start3A_614 = tpu.memref_squeeze %dma_start3A_613 : memref<1x1x1x128xf32, #tpu.memory_space<vmem>> -> memref<128xf32, #tpu.memory_space<vmem>>
      %dma_start3A_615 = tpu.memref_slice %arg6[%dma_start3A_609, %mul3A_608] : memref<32x512xi32, #tpu.memory_space<vmem>> -> memref<1x128xi32, #tpu.memory_space<vmem>>
      %dma_start3A_616 = tpu.memref_squeeze %dma_start3A_615 : memref<1x128xi32, #tpu.memory_space<vmem>> -> memref<128xi32, #tpu.memory_space<vmem>>
      %dma_start3A_617 = arith.constant 0 : i32
      %dma_start3A_618 = tpu.memref_slice %arg2[%dma_start3A_617] : memref<32000000xf32, #tpu.memory_space<hbm>> -> memref<32000000xf32, #tpu.memory_space<hbm>>
      tpu.enqueue_indirect_dma source(%dma_start3A_618 : memref<32000000xf32, #tpu.memory_space<hbm>>) target(%dma_start3A_614 : memref<128xf32, #tpu.memory_space<vmem>>) offsets(%dma_start3A_616 : memref<128xi32, #tpu.memory_space<vmem>>) semaphore(%arg9 : memref<!tpu.dma_semaphore, #tpu.memory_space<semaphore_mem>>)
      %mul3A_619 = arith.constant 128 : i32
      %mul3A_620 = arith.muli %mul3A_619, %add3A_43 : i32
      %dma_start3A_621 = arith.constant 15 : i32
      %dma_start3A_622 = arith.constant 1 : i32
      %dma_start3A_623 = arith.constant 7 : i32
      %dma_start3A_624 = arith.constant 0 : i32
      %dma_start3A_625 = tpu.memref_slice %arg7[%dma_start3A_622, %add3A_43, %dma_start3A_623, %dma_start3A_624] : memref<4x4x8x128xf32, #tpu.memory_space<vmem>> -> memref<1x1x1x128xf32, #tpu.memory_space<vmem>>
      %dma_start3A_626 = tpu.memref_squeeze %dma_start3A_625 : memref<1x1x1x128xf32, #tpu.memory_space<vmem>> -> memref<128xf32, #tpu.memory_space<vmem>>
      %dma_start3A_627 = tpu.memref_slice %arg6[%dma_start3A_621, %mul3A_620] : memref<32x512xi32, #tpu.memory_space<vmem>> -> memref<1x128xi32, #tpu.memory_space<vmem>>
      %dma_start3A_628 = tpu.memref_squeeze %dma_start3A_627 : memref<1x128xi32, #tpu.memory_space<vmem>> -> memref<128xi32, #tpu.memory_space<vmem>>
      %dma_start3A_629 = arith.constant 0 : i32
      %dma_start3A_630 = tpu.memref_slice %arg2[%dma_start3A_629] : memref<32000000xf32, #tpu.memory_space<hbm>> -> memref<32000000xf32, #tpu.memory_space<hbm>>
      tpu.enqueue_indirect_dma source(%dma_start3A_630 : memref<32000000xf32, #tpu.memory_space<hbm>>) target(%dma_start3A_626 : memref<128xf32, #tpu.memory_space<vmem>>) offsets(%dma_start3A_628 : memref<128xi32, #tpu.memory_space<vmem>>) semaphore(%arg9 : memref<!tpu.dma_semaphore, #tpu.memory_space<semaphore_mem>>)
      %mul3A_631 = arith.constant 128 : i32
      %mul3A_632 = arith.muli %mul3A_631, %add3A_43 : i32
      %dma_start3A_633 = arith.constant 16 : i32
      %dma_start3A_634 = arith.constant 2 : i32
      %dma_start3A_635 = arith.constant 0 : i32
      %dma_start3A_636 = arith.constant 0 : i32
      %dma_start3A_637 = tpu.memref_slice %arg7[%dma_start3A_634, %add3A_43, %dma_start3A_635, %dma_start3A_636] : memref<4x4x8x128xf32, #tpu.memory_space<vmem>> -> memref<1x1x1x128xf32, #tpu.memory_space<vmem>>
      %dma_start3A_638 = tpu.memref_squeeze %dma_start3A_637 : memref<1x1x1x128xf32, #tpu.memory_space<vmem>> -> memref<128xf32, #tpu.memory_space<vmem>>
      %dma_start3A_639 = tpu.memref_slice %arg6[%dma_start3A_633, %mul3A_632] : memref<32x512xi32, #tpu.memory_space<vmem>> -> memref<1x128xi32, #tpu.memory_space<vmem>>
      %dma_start3A_640 = tpu.memref_squeeze %dma_start3A_639 : memref<1x128xi32, #tpu.memory_space<vmem>> -> memref<128xi32, #tpu.memory_space<vmem>>
      %dma_start3A_641 = arith.constant 0 : i32
      %dma_start3A_642 = tpu.memref_slice %arg2[%dma_start3A_641] : memref<32000000xf32, #tpu.memory_space<hbm>> -> memref<32000000xf32, #tpu.memory_space<hbm>>
      tpu.enqueue_indirect_dma source(%dma_start3A_642 : memref<32000000xf32, #tpu.memory_space<hbm>>) target(%dma_start3A_638 : memref<128xf32, #tpu.memory_space<vmem>>) offsets(%dma_start3A_640 : memref<128xi32, #tpu.memory_space<vmem>>) semaphore(%arg9 : memref<!tpu.dma_semaphore, #tpu.memory_space<semaphore_mem>>)
      %mul3A_643 = arith.constant 128 : i32
      %mul3A_644 = arith.muli %mul3A_643, %add3A_43 : i32
      %dma_start3A_645 = arith.constant 17 : i32
      %dma_start3A_646 = arith.constant 2 : i32
      %dma_start3A_647 = arith.constant 1 : i32
      %dma_start3A_648 = arith.constant 0 : i32
      %dma_start3A_649 = tpu.memref_slice %arg7[%dma_start3A_646, %add3A_43, %dma_start3A_647, %dma_start3A_648] : memref<4x4x8x128xf32, #tpu.memory_space<vmem>> -> memref<1x1x1x128xf32, #tpu.memory_space<vmem>>
      %dma_start3A_650 = tpu.memref_squeeze %dma_start3A_649 : memref<1x1x1x128xf32, #tpu.memory_space<vmem>> -> memref<128xf32, #tpu.memory_space<vmem>>
      %dma_start3A_651 = tpu.memref_slice %arg6[%dma_start3A_645, %mul3A_644] : memref<32x512xi32, #tpu.memory_space<vmem>> -> memref<1x128xi32, #tpu.memory_space<vmem>>
      %dma_start3A_652 = tpu.memref_squeeze %dma_start3A_651 : memref<1x128xi32, #tpu.memory_space<vmem>> -> memref<128xi32, #tpu.memory_space<vmem>>
      %dma_start3A_653 = arith.constant 0 : i32
      %dma_start3A_654 = tpu.memref_slice %arg2[%dma_start3A_653] : memref<32000000xf32, #tpu.memory_space<hbm>> -> memref<32000000xf32, #tpu.memory_space<hbm>>
      tpu.enqueue_indirect_dma source(%dma_start3A_654 : memref<32000000xf32, #tpu.memory_space<hbm>>) target(%dma_start3A_650 : memref<128xf32, #tpu.memory_space<vmem>>) offsets(%dma_start3A_652 : memref<128xi32, #tpu.memory_space<vmem>>) semaphore(%arg9 : memref<!tpu.dma_semaphore, #tpu.memory_space<semaphore_mem>>)
      %mul3A_655 = arith.constant 128 : i32
      %mul3A_656 = arith.muli %mul3A_655, %add3A_43 : i32
      %dma_start3A_657 = arith.constant 18 : i32
      %dma_start3A_658 = arith.constant 2 : i32
      %dma_start3A_659 = arith.constant 2 : i32
      %dma_start3A_660 = arith.constant 0 : i32
      %dma_start3A_661 = tpu.memref_slice %arg7[%dma_start3A_658, %add3A_43, %dma_start3A_659, %dma_start3A_660] : memref<4x4x8x128xf32, #tpu.memory_space<vmem>> -> memref<1x1x1x128xf32, #tpu.memory_space<vmem>>
      %dma_start3A_662 = tpu.memref_squeeze %dma_start3A_661 : memref<1x1x1x128xf32, #tpu.memory_space<vmem>> -> memref<128xf32, #tpu.memory_space<vmem>>
      %dma_start3A_663 = tpu.memref_slice %arg6[%dma_start3A_657, %mul3A_656] : memref<32x512xi32, #tpu.memory_space<vmem>> -> memref<1x128xi32, #tpu.memory_space<vmem>>
      %dma_start3A_664 = tpu.memref_squeeze %dma_start3A_663 : memref<1x128xi32, #tpu.memory_space<vmem>> -> memref<128xi32, #tpu.memory_space<vmem>>
      %dma_start3A_665 = arith.constant 0 : i32
      %dma_start3A_666 = tpu.memref_slice %arg2[%dma_start3A_665] : memref<32000000xf32, #tpu.memory_space<hbm>> -> memref<32000000xf32, #tpu.memory_space<hbm>>
      tpu.enqueue_indirect_dma source(%dma_start3A_666 : memref<32000000xf32, #tpu.memory_space<hbm>>) target(%dma_start3A_662 : memref<128xf32, #tpu.memory_space<vmem>>) offsets(%dma_start3A_664 : memref<128xi32, #tpu.memory_space<vmem>>) semaphore(%arg9 : memref<!tpu.dma_semaphore, #tpu.memory_space<semaphore_mem>>)
      %mul3A_667 = arith.constant 128 : i32
      %mul3A_668 = arith.muli %mul3A_667, %add3A_43 : i32
      %dma_start3A_669 = arith.constant 19 : i32
      %dma_start3A_670 = arith.constant 2 : i32
      %dma_start3A_671 = arith.constant 3 : i32
      %dma_start3A_672 = arith.constant 0 : i32
      %dma_start3A_673 = tpu.memref_slice %arg7[%dma_start3A_670, %add3A_43, %dma_start3A_671, %dma_start3A_672] : memref<4x4x8x128xf32, #tpu.memory_space<vmem>> -> memref<1x1x1x128xf32, #tpu.memory_space<vmem>>
      %dma_start3A_674 = tpu.memref_squeeze %dma_start3A_673 : memref<1x1x1x128xf32, #tpu.memory_space<vmem>> -> memref<128xf32, #tpu.memory_space<vmem>>
      %dma_start3A_675 = tpu.memref_slice %arg6[%dma_start3A_669, %mul3A_668] : memref<32x512xi32, #tpu.memory_space<vmem>> -> memref<1x128xi32, #tpu.memory_space<vmem>>
      %dma_start3A_676 = tpu.memref_squeeze %dma_start3A_675 : memref<1x128xi32, #tpu.memory_space<vmem>> -> memref<128xi32, #tpu.memory_space<vmem>>
      %dma_start3A_677 = arith.constant 0 : i32
      %dma_start3A_678 = tpu.memref_slice %arg2[%dma_start3A_677] : memref<32000000xf32, #tpu.memory_space<hbm>> -> memref<32000000xf32, #tpu.memory_space<hbm>>
      tpu.enqueue_indirect_dma source(%dma_start3A_678 : memref<32000000xf32, #tpu.memory_space<hbm>>) target(%dma_start3A_674 : memref<128xf32, #tpu.memory_space<vmem>>) offsets(%dma_start3A_676 : memref<128xi32, #tpu.memory_space<vmem>>) semaphore(%arg9 : memref<!tpu.dma_semaphore, #tpu.memory_space<semaphore_mem>>)
      %mul3A_679 = arith.constant 128 : i32
      %mul3A_680 = arith.muli %mul3A_679, %add3A_43 : i32
      %dma_start3A_681 = arith.constant 20 : i32
      %dma_start3A_682 = arith.constant 2 : i32
      %dma_start3A_683 = arith.constant 4 : i32
      %dma_start3A_684 = arith.constant 0 : i32
      %dma_start3A_685 = tpu.memref_slice %arg7[%dma_start3A_682, %add3A_43, %dma_start3A_683, %dma_start3A_684] : memref<4x4x8x128xf32, #tpu.memory_space<vmem>> -> memref<1x1x1x128xf32, #tpu.memory_space<vmem>>
      %dma_start3A_686 = tpu.memref_squeeze %dma_start3A_685 : memref<1x1x1x128xf32, #tpu.memory_space<vmem>> -> memref<128xf32, #tpu.memory_space<vmem>>
      %dma_start3A_687 = tpu.memref_slice %arg6[%dma_start3A_681, %mul3A_680] : memref<32x512xi32, #tpu.memory_space<vmem>> -> memref<1x128xi32, #tpu.memory_space<vmem>>
      %dma_start3A_688 = tpu.memref_squeeze %dma_start3A_687 : memref<1x128xi32, #tpu.memory_space<vmem>> -> memref<128xi32, #tpu.memory_space<vmem>>
      %dma_start3A_689 = arith.constant 0 : i32
      %dma_start3A_690 = tpu.memref_slice %arg2[%dma_start3A_689] : memref<32000000xf32, #tpu.memory_space<hbm>> -> memref<32000000xf32, #tpu.memory_space<hbm>>
      tpu.enqueue_indirect_dma source(%dma_start3A_690 : memref<32000000xf32, #tpu.memory_space<hbm>>) target(%dma_start3A_686 : memref<128xf32, #tpu.memory_space<vmem>>) offsets(%dma_start3A_688 : memref<128xi32, #tpu.memory_space<vmem>>) semaphore(%arg9 : memref<!tpu.dma_semaphore, #tpu.memory_space<semaphore_mem>>)
      %mul3A_691 = arith.constant 128 : i32
      %mul3A_692 = arith.muli %mul3A_691, %add3A_43 : i32
      %dma_start3A_693 = arith.constant 21 : i32
      %dma_start3A_694 = arith.constant 2 : i32
      %dma_start3A_695 = arith.constant 5 : i32
      %dma_start3A_696 = arith.constant 0 : i32
      %dma_start3A_697 = tpu.memref_slice %arg7[%dma_start3A_694, %add3A_43, %dma_start3A_695, %dma_start3A_696] : memref<4x4x8x128xf32, #tpu.memory_space<vmem>> -> memref<1x1x1x128xf32, #tpu.memory_space<vmem>>
      %dma_start3A_698 = tpu.memref_squeeze %dma_start3A_697 : memref<1x1x1x128xf32, #tpu.memory_space<vmem>> -> memref<128xf32, #tpu.memory_space<vmem>>
      %dma_start3A_699 = tpu.memref_slice %arg6[%dma_start3A_693, %mul3A_692] : memref<32x512xi32, #tpu.memory_space<vmem>> -> memref<1x128xi32, #tpu.memory_space<vmem>>
      %dma_start3A_700 = tpu.memref_squeeze %dma_start3A_699 : memref<1x128xi32, #tpu.memory_space<vmem>> -> memref<128xi32, #tpu.memory_space<vmem>>
      %dma_start3A_701 = arith.constant 0 : i32
      %dma_start3A_702 = tpu.memref_slice %arg2[%dma_start3A_701] : memref<32000000xf32, #tpu.memory_space<hbm>> -> memref<32000000xf32, #tpu.memory_space<hbm>>
      tpu.enqueue_indirect_dma source(%dma_start3A_702 : memref<32000000xf32, #tpu.memory_space<hbm>>) target(%dma_start3A_698 : memref<128xf32, #tpu.memory_space<vmem>>) offsets(%dma_start3A_700 : memref<128xi32, #tpu.memory_space<vmem>>) semaphore(%arg9 : memref<!tpu.dma_semaphore, #tpu.memory_space<semaphore_mem>>)
      %mul3A_703 = arith.constant 128 : i32
      %mul3A_704 = arith.muli %mul3A_703, %add3A_43 : i32
      %dma_start3A_705 = arith.constant 22 : i32
      %dma_start3A_706 = arith.constant 2 : i32
      %dma_start3A_707 = arith.constant 6 : i32
      %dma_start3A_708 = arith.constant 0 : i32
      %dma_start3A_709 = tpu.memref_slice %arg7[%dma_start3A_706, %add3A_43, %dma_start3A_707, %dma_start3A_708] : memref<4x4x8x128xf32, #tpu.memory_space<vmem>> -> memref<1x1x1x128xf32, #tpu.memory_space<vmem>>
      %dma_start3A_710 = tpu.memref_squeeze %dma_start3A_709 : memref<1x1x1x128xf32, #tpu.memory_space<vmem>> -> memref<128xf32, #tpu.memory_space<vmem>>
      %dma_start3A_711 = tpu.memref_slice %arg6[%dma_start3A_705, %mul3A_704] : memref<32x512xi32, #tpu.memory_space<vmem>> -> memref<1x128xi32, #tpu.memory_space<vmem>>
      %dma_start3A_712 = tpu.memref_squeeze %dma_start3A_711 : memref<1x128xi32, #tpu.memory_space<vmem>> -> memref<128xi32, #tpu.memory_space<vmem>>
      %dma_start3A_713 = arith.constant 0 : i32
      %dma_start3A_714 = tpu.memref_slice %arg2[%dma_start3A_713] : memref<32000000xf32, #tpu.memory_space<hbm>> -> memref<32000000xf32, #tpu.memory_space<hbm>>
      tpu.enqueue_indirect_dma source(%dma_start3A_714 : memref<32000000xf32, #tpu.memory_space<hbm>>) target(%dma_start3A_710 : memref<128xf32, #tpu.memory_space<vmem>>) offsets(%dma_start3A_712 : memref<128xi32, #tpu.memory_space<vmem>>) semaphore(%arg9 : memref<!tpu.dma_semaphore, #tpu.memory_space<semaphore_mem>>)
      %mul3A_715 = arith.constant 128 : i32
      %mul3A_716 = arith.muli %mul3A_715, %add3A_43 : i32
      %dma_start3A_717 = arith.constant 23 : i32
      %dma_start3A_718 = arith.constant 2 : i32
      %dma_start3A_719 = arith.constant 7 : i32
      %dma_start3A_720 = arith.constant 0 : i32
      %dma_start3A_721 = tpu.memref_slice %arg7[%dma_start3A_718, %add3A_43, %dma_start3A_719, %dma_start3A_720] : memref<4x4x8x128xf32, #tpu.memory_space<vmem>> -> memref<1x1x1x128xf32, #tpu.memory_space<vmem>>
      %dma_start3A_722 = tpu.memref_squeeze %dma_start3A_721 : memref<1x1x1x128xf32, #tpu.memory_space<vmem>> -> memref<128xf32, #tpu.memory_space<vmem>>
      %dma_start3A_723 = tpu.memref_slice %arg6[%dma_start3A_717, %mul3A_716] : memref<32x512xi32, #tpu.memory_space<vmem>> -> memref<1x128xi32, #tpu.memory_space<vmem>>
      %dma_start3A_724 = tpu.memref_squeeze %dma_start3A_723 : memref<1x128xi32, #tpu.memory_space<vmem>> -> memref<128xi32, #tpu.memory_space<vmem>>
      %dma_start3A_725 = arith.constant 0 : i32
      %dma_start3A_726 = tpu.memref_slice %arg2[%dma_start3A_725] : memref<32000000xf32, #tpu.memory_space<hbm>> -> memref<32000000xf32, #tpu.memory_space<hbm>>
      tpu.enqueue_indirect_dma source(%dma_start3A_726 : memref<32000000xf32, #tpu.memory_space<hbm>>) target(%dma_start3A_722 : memref<128xf32, #tpu.memory_space<vmem>>) offsets(%dma_start3A_724 : memref<128xi32, #tpu.memory_space<vmem>>) semaphore(%arg9 : memref<!tpu.dma_semaphore, #tpu.memory_space<semaphore_mem>>)
      %mul3A_727 = arith.constant 128 : i32
      %mul3A_728 = arith.muli %mul3A_727, %add3A_43 : i32
      %dma_start3A_729 = arith.constant 24 : i32
      %dma_start3A_730 = arith.constant 3 : i32
      %dma_start3A_731 = arith.constant 0 : i32
      %dma_start3A_732 = arith.constant 0 : i32
      %dma_start3A_733 = tpu.memref_slice %arg7[%dma_start3A_730, %add3A_43, %dma_start3A_731, %dma_start3A_732] : memref<4x4x8x128xf32, #tpu.memory_space<vmem>> -> memref<1x1x1x128xf32, #tpu.memory_space<vmem>>
      %dma_start3A_734 = tpu.memref_squeeze %dma_start3A_733 : memref<1x1x1x128xf32, #tpu.memory_space<vmem>> -> memref<128xf32, #tpu.memory_space<vmem>>
      %dma_start3A_735 = tpu.memref_slice %arg6[%dma_start3A_729, %mul3A_728] : memref<32x512xi32, #tpu.memory_space<vmem>> -> memref<1x128xi32, #tpu.memory_space<vmem>>
      %dma_start3A_736 = tpu.memref_squeeze %dma_start3A_735 : memref<1x128xi32, #tpu.memory_space<vmem>> -> memref<128xi32, #tpu.memory_space<vmem>>
      %dma_start3A_737 = arith.constant 0 : i32
      %dma_start3A_738 = tpu.memref_slice %arg2[%dma_start3A_737] : memref<32000000xf32, #tpu.memory_space<hbm>> -> memref<32000000xf32, #tpu.memory_space<hbm>>
      tpu.enqueue_indirect_dma source(%dma_start3A_738 : memref<32000000xf32, #tpu.memory_space<hbm>>) target(%dma_start3A_734 : memref<128xf32, #tpu.memory_space<vmem>>) offsets(%dma_start3A_736 : memref<128xi32, #tpu.memory_space<vmem>>) semaphore(%arg9 : memref<!tpu.dma_semaphore, #tpu.memory_space<semaphore_mem>>)
      %mul3A_739 = arith.constant 128 : i32
      %mul3A_740 = arith.muli %mul3A_739, %add3A_43 : i32
      %dma_start3A_741 = arith.constant 25 : i32
      %dma_start3A_742 = arith.constant 3 : i32
      %dma_start3A_743 = arith.constant 1 : i32
      %dma_start3A_744 = arith.constant 0 : i32
      %dma_start3A_745 = tpu.memref_slice %arg7[%dma_start3A_742, %add3A_43, %dma_start3A_743, %dma_start3A_744] : memref<4x4x8x128xf32, #tpu.memory_space<vmem>> -> memref<1x1x1x128xf32, #tpu.memory_space<vmem>>
      %dma_start3A_746 = tpu.memref_squeeze %dma_start3A_745 : memref<1x1x1x128xf32, #tpu.memory_space<vmem>> -> memref<128xf32, #tpu.memory_space<vmem>>
      %dma_start3A_747 = tpu.memref_slice %arg6[%dma_start3A_741, %mul3A_740] : memref<32x512xi32, #tpu.memory_space<vmem>> -> memref<1x128xi32, #tpu.memory_space<vmem>>
      %dma_start3A_748 = tpu.memref_squeeze %dma_start3A_747 : memref<1x128xi32, #tpu.memory_space<vmem>> -> memref<128xi32, #tpu.memory_space<vmem>>
      %dma_start3A_749 = arith.constant 0 : i32
      %dma_start3A_750 = tpu.memref_slice %arg2[%dma_start3A_749] : memref<32000000xf32, #tpu.memory_space<hbm>> -> memref<32000000xf32, #tpu.memory_space<hbm>>
      tpu.enqueue_indirect_dma source(%dma_start3A_750 : memref<32000000xf32, #tpu.memory_space<hbm>>) target(%dma_start3A_746 : memref<128xf32, #tpu.memory_space<vmem>>) offsets(%dma_start3A_748 : memref<128xi32, #tpu.memory_space<vmem>>) semaphore(%arg9 : memref<!tpu.dma_semaphore, #tpu.memory_space<semaphore_mem>>)
      %mul3A_751 = arith.constant 128 : i32
      %mul3A_752 = arith.muli %mul3A_751, %add3A_43 : i32
      %dma_start3A_753 = arith.constant 26 : i32
      %dma_start3A_754 = arith.constant 3 : i32
      %dma_start3A_755 = arith.constant 2 : i32
      %dma_start3A_756 = arith.constant 0 : i32
      %dma_start3A_757 = tpu.memref_slice %arg7[%dma_start3A_754, %add3A_43, %dma_start3A_755, %dma_start3A_756] : memref<4x4x8x128xf32, #tpu.memory_space<vmem>> -> memref<1x1x1x128xf32, #tpu.memory_space<vmem>>
      %dma_start3A_758 = tpu.memref_squeeze %dma_start3A_757 : memref<1x1x1x128xf32, #tpu.memory_space<vmem>> -> memref<128xf32, #tpu.memory_space<vmem>>
      %dma_start3A_759 = tpu.memref_slice %arg6[%dma_start3A_753, %mul3A_752] : memref<32x512xi32, #tpu.memory_space<vmem>> -> memref<1x128xi32, #tpu.memory_space<vmem>>
      %dma_start3A_760 = tpu.memref_squeeze %dma_start3A_759 : memref<1x128xi32, #tpu.memory_space<vmem>> -> memref<128xi32, #tpu.memory_space<vmem>>
      %dma_start3A_761 = arith.constant 0 : i32
      %dma_start3A_762 = tpu.memref_slice %arg2[%dma_start3A_761] : memref<32000000xf32, #tpu.memory_space<hbm>> -> memref<32000000xf32, #tpu.memory_space<hbm>>
      tpu.enqueue_indirect_dma source(%dma_start3A_762 : memref<32000000xf32, #tpu.memory_space<hbm>>) target(%dma_start3A_758 : memref<128xf32, #tpu.memory_space<vmem>>) offsets(%dma_start3A_760 : memref<128xi32, #tpu.memory_space<vmem>>) semaphore(%arg9 : memref<!tpu.dma_semaphore, #tpu.memory_space<semaphore_mem>>)
      %mul3A_763 = arith.constant 128 : i32
      %mul3A_764 = arith.muli %mul3A_763, %add3A_43 : i32
      %dma_start3A_765 = arith.constant 27 : i32
      %dma_start3A_766 = arith.constant 3 : i32
      %dma_start3A_767 = arith.constant 3 : i32
      %dma_start3A_768 = arith.constant 0 : i32
      %dma_start3A_769 = tpu.memref_slice %arg7[%dma_start3A_766, %add3A_43, %dma_start3A_767, %dma_start3A_768] : memref<4x4x8x128xf32, #tpu.memory_space<vmem>> -> memref<1x1x1x128xf32, #tpu.memory_space<vmem>>
      %dma_start3A_770 = tpu.memref_squeeze %dma_start3A_769 : memref<1x1x1x128xf32, #tpu.memory_space<vmem>> -> memref<128xf32, #tpu.memory_space<vmem>>
      %dma_start3A_771 = tpu.memref_slice %arg6[%dma_start3A_765, %mul3A_764] : memref<32x512xi32, #tpu.memory_space<vmem>> -> memref<1x128xi32, #tpu.memory_space<vmem>>
      %dma_start3A_772 = tpu.memref_squeeze %dma_start3A_771 : memref<1x128xi32, #tpu.memory_space<vmem>> -> memref<128xi32, #tpu.memory_space<vmem>>
      %dma_start3A_773 = arith.constant 0 : i32
      %dma_start3A_774 = tpu.memref_slice %arg2[%dma_start3A_773] : memref<32000000xf32, #tpu.memory_space<hbm>> -> memref<32000000xf32, #tpu.memory_space<hbm>>
      tpu.enqueue_indirect_dma source(%dma_start3A_774 : memref<32000000xf32, #tpu.memory_space<hbm>>) target(%dma_start3A_770 : memref<128xf32, #tpu.memory_space<vmem>>) offsets(%dma_start3A_772 : memref<128xi32, #tpu.memory_space<vmem>>) semaphore(%arg9 : memref<!tpu.dma_semaphore, #tpu.memory_space<semaphore_mem>>)
      %mul3A_775 = arith.constant 128 : i32
      %mul3A_776 = arith.muli %mul3A_775, %add3A_43 : i32
      %dma_start3A_777 = arith.constant 28 : i32
      %dma_start3A_778 = arith.constant 3 : i32
      %dma_start3A_779 = arith.constant 4 : i32
      %dma_start3A_780 = arith.constant 0 : i32
      %dma_start3A_781 = tpu.memref_slice %arg7[%dma_start3A_778, %add3A_43, %dma_start3A_779, %dma_start3A_780] : memref<4x4x8x128xf32, #tpu.memory_space<vmem>> -> memref<1x1x1x128xf32, #tpu.memory_space<vmem>>
      %dma_start3A_782 = tpu.memref_squeeze %dma_start3A_781 : memref<1x1x1x128xf32, #tpu.memory_space<vmem>> -> memref<128xf32, #tpu.memory_space<vmem>>
      %dma_start3A_783 = tpu.memref_slice %arg6[%dma_start3A_777, %mul3A_776] : memref<32x512xi32, #tpu.memory_space<vmem>> -> memref<1x128xi32, #tpu.memory_space<vmem>>
      %dma_start3A_784 = tpu.memref_squeeze %dma_start3A_783 : memref<1x128xi32, #tpu.memory_space<vmem>> -> memref<128xi32, #tpu.memory_space<vmem>>
      %dma_start3A_785 = arith.constant 0 : i32
      %dma_start3A_786 = tpu.memref_slice %arg2[%dma_start3A_785] : memref<32000000xf32, #tpu.memory_space<hbm>> -> memref<32000000xf32, #tpu.memory_space<hbm>>
      tpu.enqueue_indirect_dma source(%dma_start3A_786 : memref<32000000xf32, #tpu.memory_space<hbm>>) target(%dma_start3A_782 : memref<128xf32, #tpu.memory_space<vmem>>) offsets(%dma_start3A_784 : memref<128xi32, #tpu.memory_space<vmem>>) semaphore(%arg9 : memref<!tpu.dma_semaphore, #tpu.memory_space<semaphore_mem>>)
      %mul3A_787 = arith.constant 128 : i32
      %mul3A_788 = arith.muli %mul3A_787, %add3A_43 : i32
      %dma_start3A_789 = arith.constant 29 : i32
      %dma_start3A_790 = arith.constant 3 : i32
      %dma_start3A_791 = arith.constant 5 : i32
      %dma_start3A_792 = arith.constant 0 : i32
      %dma_start3A_793 = tpu.memref_slice %arg7[%dma_start3A_790, %add3A_43, %dma_start3A_791, %dma_start3A_792] : memref<4x4x8x128xf32, #tpu.memory_space<vmem>> -> memref<1x1x1x128xf32, #tpu.memory_space<vmem>>
      %dma_start3A_794 = tpu.memref_squeeze %dma_start3A_793 : memref<1x1x1x128xf32, #tpu.memory_space<vmem>> -> memref<128xf32, #tpu.memory_space<vmem>>
      %dma_start3A_795 = tpu.memref_slice %arg6[%dma_start3A_789, %mul3A_788] : memref<32x512xi32, #tpu.memory_space<vmem>> -> memref<1x128xi32, #tpu.memory_space<vmem>>
      %dma_start3A_796 = tpu.memref_squeeze %dma_start3A_795 : memref<1x128xi32, #tpu.memory_space<vmem>> -> memref<128xi32, #tpu.memory_space<vmem>>
      %dma_start3A_797 = arith.constant 0 : i32
      %dma_start3A_798 = tpu.memref_slice %arg2[%dma_start3A_797] : memref<32000000xf32, #tpu.memory_space<hbm>> -> memref<32000000xf32, #tpu.memory_space<hbm>>
      tpu.enqueue_indirect_dma source(%dma_start3A_798 : memref<32000000xf32, #tpu.memory_space<hbm>>) target(%dma_start3A_794 : memref<128xf32, #tpu.memory_space<vmem>>) offsets(%dma_start3A_796 : memref<128xi32, #tpu.memory_space<vmem>>) semaphore(%arg9 : memref<!tpu.dma_semaphore, #tpu.memory_space<semaphore_mem>>)
      %mul3A_799 = arith.constant 128 : i32
      %mul3A_800 = arith.muli %mul3A_799, %add3A_43 : i32
      %dma_start3A_801 = arith.constant 30 : i32
      %dma_start3A_802 = arith.constant 3 : i32
      %dma_start3A_803 = arith.constant 6 : i32
      %dma_start3A_804 = arith.constant 0 : i32
      %dma_start3A_805 = tpu.memref_slice %arg7[%dma_start3A_802, %add3A_43, %dma_start3A_803, %dma_start3A_804] : memref<4x4x8x128xf32, #tpu.memory_space<vmem>> -> memref<1x1x1x128xf32, #tpu.memory_space<vmem>>
      %dma_start3A_806 = tpu.memref_squeeze %dma_start3A_805 : memref<1x1x1x128xf32, #tpu.memory_space<vmem>> -> memref<128xf32, #tpu.memory_space<vmem>>
      %dma_start3A_807 = tpu.memref_slice %arg6[%dma_start3A_801, %mul3A_800] : memref<32x512xi32, #tpu.memory_space<vmem>> -> memref<1x128xi32, #tpu.memory_space<vmem>>
      %dma_start3A_808 = tpu.memref_squeeze %dma_start3A_807 : memref<1x128xi32, #tpu.memory_space<vmem>> -> memref<128xi32, #tpu.memory_space<vmem>>
      %dma_start3A_809 = arith.constant 0 : i32
      %dma_start3A_810 = tpu.memref_slice %arg2[%dma_start3A_809] : memref<32000000xf32, #tpu.memory_space<hbm>> -> memref<32000000xf32, #tpu.memory_space<hbm>>
      tpu.enqueue_indirect_dma source(%dma_start3A_810 : memref<32000000xf32, #tpu.memory_space<hbm>>) target(%dma_start3A_806 : memref<128xf32, #tpu.memory_space<vmem>>) offsets(%dma_start3A_808 : memref<128xi32, #tpu.memory_space<vmem>>) semaphore(%arg9 : memref<!tpu.dma_semaphore, #tpu.memory_space<semaphore_mem>>)
      %mul3A_811 = arith.constant 128 : i32
      %mul3A_812 = arith.muli %mul3A_811, %add3A_43 : i32
      %dma_start3A_813 = arith.constant 31 : i32
      %dma_start3A_814 = arith.constant 3 : i32
      %dma_start3A_815 = arith.constant 7 : i32
      %dma_start3A_816 = arith.constant 0 : i32
      %dma_start3A_817 = tpu.memref_slice %arg7[%dma_start3A_814, %add3A_43, %dma_start3A_815, %dma_start3A_816] : memref<4x4x8x128xf32, #tpu.memory_space<vmem>> -> memref<1x1x1x128xf32, #tpu.memory_space<vmem>>
      %dma_start3A_818 = tpu.memref_squeeze %dma_start3A_817 : memref<1x1x1x128xf32, #tpu.memory_space<vmem>> -> memref<128xf32, #tpu.memory_space<vmem>>
      %dma_start3A_819 = tpu.memref_slice %arg6[%dma_start3A_813, %mul3A_812] : memref<32x512xi32, #tpu.memory_space<vmem>> -> memref<1x128xi32, #tpu.memory_space<vmem>>
      %dma_start3A_820 = tpu.memref_squeeze %dma_start3A_819 : memref<1x128xi32, #tpu.memory_space<vmem>> -> memref<128xi32, #tpu.memory_space<vmem>>
      %dma_start3A_821 = arith.constant 0 : i32
      %dma_start3A_822 = tpu.memref_slice %arg2[%dma_start3A_821] : memref<32000000xf32, #tpu.memory_space<hbm>> -> memref<32000000xf32, #tpu.memory_space<hbm>>
      tpu.enqueue_indirect_dma source(%dma_start3A_822 : memref<32000000xf32, #tpu.memory_space<hbm>>) target(%dma_start3A_818 : memref<128xf32, #tpu.memory_space<vmem>>) offsets(%dma_start3A_820 : memref<128xi32, #tpu.memory_space<vmem>>) semaphore(%arg9 : memref<!tpu.dma_semaphore, #tpu.memory_space<semaphore_mem>>)
      %mul3A_823 = arith.constant 4 : i32
      %mul3A_824 = arith.muli %mul3A_823, %add3A : i32
      %add3A_825 = arith.addi %mul3A_824, %mul3A_39 : i32
      %dma_wait3A_826 = arith.constant 0 : i32
      %dma_wait3A_827 = arith.constant 0 : i32
      %dma_wait3A_828 = arith.constant 0 : i32
      %dma_wait3A_829 = tpu.memref_slice %arg7[%dma_wait3A_826, %mul3A_39, %dma_wait3A_827, %dma_wait3A_828] : memref<4x4x8x128xf32, #tpu.memory_space<vmem>> -> memref<4x1x8x128xf32, #tpu.memory_space<vmem>>
      %dma_wait3A_830 = tpu.memref_squeeze %dma_wait3A_829 : memref<4x1x8x128xf32, #tpu.memory_space<vmem>> -> memref<4x8x128xf32, #tpu.memory_space<vmem>>
      %dma_wait3A_831 = arith.constant 0 : i32
      %dma_wait3A_832 = arith.constant 0 : i32
      %dma_wait3A_833 = arith.constant 0 : i32
      %dma_wait3A_834 = tpu.memref_slice %arg4[%dma_wait3A_831, %add3A_825, %dma_wait3A_832, %dma_wait3A_833] : memref<4x128x8x128xf32, #tpu.memory_space<hbm>> -> memref<4x1x8x128xf32, #tpu.memory_space<hbm>>
      %dma_wait3A_835 = tpu.memref_squeeze %dma_wait3A_834 : memref<4x1x8x128xf32, #tpu.memory_space<hbm>> -> memref<4x8x128xf32, #tpu.memory_space<hbm>>
      %dma_wait3A_836 = arith.constant 0 : i32
      %dma_wait3A_837 = arith.constant 0 : i32
      %dma_wait3A_838 = arith.constant 0 : i32
      %dma_wait3A_839 = tpu.memref_slice %arg7[%dma_wait3A_836, %mul3A_39, %dma_wait3A_837, %dma_wait3A_838] : memref<4x4x8x128xf32, #tpu.memory_space<vmem>> -> memref<4x1x8x128xf32, #tpu.memory_space<vmem>>
      %dma_wait3A_840 = tpu.memref_squeeze %dma_wait3A_839 : memref<4x1x8x128xf32, #tpu.memory_space<vmem>> -> memref<4x8x128xf32, #tpu.memory_space<vmem>>
      %dma_wait3A_841 = arith.constant 0 : i32
      %dma_wait3A_842 = arith.constant 0 : i32
      %dma_wait3A_843 = arith.constant 0 : i32
      %dma_wait3A_844 = tpu.memref_slice %arg4[%dma_wait3A_841, %add3A_825, %dma_wait3A_842, %dma_wait3A_843] : memref<4x128x8x128xf32, #tpu.memory_space<hbm>> -> memref<4x1x8x128xf32, #tpu.memory_space<hbm>>
      %dma_wait3A_845 = tpu.memref_squeeze %dma_wait3A_844 : memref<4x1x8x128xf32, #tpu.memory_space<hbm>> -> memref<4x8x128xf32, #tpu.memory_space<hbm>>
      tpu.wait_dma2 semaphore(%arg8 : memref<!tpu.dma_semaphore, #tpu.memory_space<semaphore_mem>>) src(%dma_wait3A_845 : memref<4x8x128xf32, #tpu.memory_space<hbm>>) dst(%dma_wait3A_840 : memref<4x8x128xf32, #tpu.memory_space<vmem>>)
      %mul3A_846 = arith.constant 4 : i32
      %mul3A_847 = arith.muli %mul3A_846, %add3A : i32
      %add3A_848 = arith.addi %mul3A_847, %mul3A_39 : i32
      "tpu.region"() ({
        %run_scoped3A_849 = tpu.sem_alloc : memref<!tpu.dma_semaphore, #tpu.memory_space<semaphore_mem>>
        %dma_start3A_850 = arith.constant 0 : i32
        %dma_start3A_851 = arith.constant 0 : i32
        %dma_start3A_852 = arith.constant 0 : i32
        %dma_start3A_853 = tpu.memref_slice %arg7[%dma_start3A_850, %mul3A_39, %dma_start3A_851, %dma_start3A_852] : memref<4x4x8x128xf32, #tpu.memory_space<vmem>> -> memref<4x1x8x128xf32, #tpu.memory_space<vmem>>
        %dma_start3A_854 = tpu.memref_squeeze %dma_start3A_853 : memref<4x1x8x128xf32, #tpu.memory_space<vmem>> -> memref<4x8x128xf32, #tpu.memory_space<vmem>>
        %dma_start3A_855 = arith.constant 0 : i32
        %dma_start3A_856 = arith.constant 0 : i32
        %dma_start3A_857 = arith.constant 0 : i32
        %dma_start3A_858 = tpu.memref_slice %arg4[%dma_start3A_855, %add3A_848, %dma_start3A_856, %dma_start3A_857] : memref<4x128x8x128xf32, #tpu.memory_space<hbm>> -> memref<4x1x8x128xf32, #tpu.memory_space<hbm>>
        %dma_start3A_859 = tpu.memref_squeeze %dma_start3A_858 : memref<4x1x8x128xf32, #tpu.memory_space<hbm>> -> memref<4x8x128xf32, #tpu.memory_space<hbm>>
        %dma_start3A_860 = arith.constant 0 : i32
        %dma_start3A_861 = arith.constant 0 : i32
        %dma_start3A_862 = arith.constant 0 : i32
        %dma_start3A_863 = tpu.memref_slice %arg4[%dma_start3A_860, %add3A_848, %dma_start3A_861, %dma_start3A_862] : memref<4x128x8x128xf32, #tpu.memory_space<hbm>> -> memref<4x1x8x128xf32, #tpu.memory_space<hbm>>
        %dma_start3A_864 = tpu.memref_squeeze %dma_start3A_863 : memref<4x1x8x128xf32, #tpu.memory_space<hbm>> -> memref<4x8x128xf32, #tpu.memory_space<hbm>>
        %dma_start3A_865 = arith.constant 0 : i32
        %dma_start3A_866 = arith.constant 0 : i32
        %dma_start3A_867 = arith.constant 0 : i32
        %dma_start3A_868 = tpu.memref_slice %arg7[%dma_start3A_865, %mul3A_39, %dma_start3A_866, %dma_start3A_867] : memref<4x4x8x128xf32, #tpu.memory_space<vmem>> -> memref<4x1x8x128xf32, #tpu.memory_space<vmem>>
        %dma_start3A_869 = tpu.memref_squeeze %dma_start3A_868 : memref<4x1x8x128xf32, #tpu.memory_space<vmem>> -> memref<4x8x128xf32, #tpu.memory_space<vmem>>
        tpu.enqueue_dma source(%dma_start3A_869 : memref<4x8x128xf32, #tpu.memory_space<vmem>>) target(%dma_start3A_864 : memref<4x8x128xf32, #tpu.memory_space<hbm>>) target_semaphore(%run_scoped3A_849 : memref<!tpu.dma_semaphore, #tpu.memory_space<semaphore_mem>>)
        %dma_wait3A_870 = arith.constant 0 : i32
        %dma_wait3A_871 = arith.constant 0 : i32
        %dma_wait3A_872 = arith.constant 0 : i32
        %dma_wait3A_873 = tpu.memref_slice %arg7[%dma_wait3A_870, %mul3A_39, %dma_wait3A_871, %dma_wait3A_872] : memref<4x4x8x128xf32, #tpu.memory_space<vmem>> -> memref<4x1x8x128xf32, #tpu.memory_space<vmem>>
        %dma_wait3A_874 = tpu.memref_squeeze %dma_wait3A_873 : memref<4x1x8x128xf32, #tpu.memory_space<vmem>> -> memref<4x8x128xf32, #tpu.memory_space<vmem>>
        %dma_wait3A_875 = arith.constant 0 : i32
        %dma_wait3A_876 = arith.constant 0 : i32
        %dma_wait3A_877 = arith.constant 0 : i32
        %dma_wait3A_878 = tpu.memref_slice %arg4[%dma_wait3A_875, %add3A_848, %dma_wait3A_876, %dma_wait3A_877] : memref<4x128x8x128xf32, #tpu.memory_space<hbm>> -> memref<4x1x8x128xf32, #tpu.memory_space<hbm>>
        %dma_wait3A_879 = tpu.memref_squeeze %dma_wait3A_878 : memref<4x1x8x128xf32, #tpu.memory_space<hbm>> -> memref<4x8x128xf32, #tpu.memory_space<hbm>>
        %dma_wait3A_880 = arith.constant 0 : i32
        %dma_wait3A_881 = arith.constant 0 : i32
        %dma_wait3A_882 = arith.constant 0 : i32
        %dma_wait3A_883 = tpu.memref_slice %arg4[%dma_wait3A_880, %add3A_848, %dma_wait3A_881, %dma_wait3A_882] : memref<4x128x8x128xf32, #tpu.memory_space<hbm>> -> memref<4x1x8x128xf32, #tpu.memory_space<hbm>>
        %dma_wait3A_884 = tpu.memref_squeeze %dma_wait3A_883 : memref<4x1x8x128xf32, #tpu.memory_space<hbm>> -> memref<4x8x128xf32, #tpu.memory_space<hbm>>
        %dma_wait3A_885 = arith.constant 0 : i32
        %dma_wait3A_886 = arith.constant 0 : i32
        %dma_wait3A_887 = arith.constant 0 : i32
        %dma_wait3A_888 = tpu.memref_slice %arg7[%dma_wait3A_885, %mul3A_39, %dma_wait3A_886, %dma_wait3A_887] : memref<4x4x8x128xf32, #tpu.memory_space<vmem>> -> memref<4x1x8x128xf32, #tpu.memory_space<vmem>>
        %dma_wait3A_889 = tpu.memref_squeeze %dma_wait3A_888 : memref<4x1x8x128xf32, #tpu.memory_space<vmem>> -> memref<4x8x128xf32, #tpu.memory_space<vmem>>
        tpu.wait_dma2 semaphore(%run_scoped3A_849 : memref<!tpu.dma_semaphore, #tpu.memory_space<semaphore_mem>>) src(%dma_wait3A_889 : memref<4x8x128xf32, #tpu.memory_space<vmem>>) dst(%dma_wait3A_884 : memref<4x8x128xf32, #tpu.memory_space<hbm>>)
        tpu.yield
      }) : () -> ()
    }
    %scan3A_8 = arith.constant 2 : i32
    %mul3A_9 = arith.constant 4 : i32
    %mul3A_10 = arith.muli %mul3A_9, %add3A : i32
    %add3A_11 = arith.constant 3 : i32
    %add3A_12 = arith.addi %mul3A_10, %add3A_11 : i32
    %dma_wait3A = arith.constant 3 : i32
    %dma_wait3A_13 = arith.constant 0 : i32
    %dma_wait3A_14 = arith.constant 0 : i32
    %dma_wait3A_15 = arith.constant 0 : i32
    %dma_wait3A_16 = tpu.memref_slice %arg7[%dma_wait3A_13, %dma_wait3A, %dma_wait3A_14, %dma_wait3A_15] : memref<4x4x8x128xf32, #tpu.memory_space<vmem>> -> memref<4x1x8x128xf32, #tpu.memory_space<vmem>>
    %dma_wait3A_17 = tpu.memref_squeeze %dma_wait3A_16 : memref<4x1x8x128xf32, #tpu.memory_space<vmem>> -> memref<4x8x128xf32, #tpu.memory_space<vmem>>
    %dma_wait3A_18 = arith.constant 0 : i32
    %dma_wait3A_19 = arith.constant 0 : i32
    %dma_wait3A_20 = arith.constant 0 : i32
    %dma_wait3A_21 = tpu.memref_slice %arg4[%dma_wait3A_18, %add3A_12, %dma_wait3A_19, %dma_wait3A_20] : memref<4x128x8x128xf32, #tpu.memory_space<hbm>> -> memref<4x1x8x128xf32, #tpu.memory_space<hbm>>
    %dma_wait3A_22 = tpu.memref_squeeze %dma_wait3A_21 : memref<4x1x8x128xf32, #tpu.memory_space<hbm>> -> memref<4x8x128xf32, #tpu.memory_space<hbm>>
    %dma_wait3A_23 = arith.constant 0 : i32
    %dma_wait3A_24 = arith.constant 0 : i32
    %dma_wait3A_25 = arith.constant 0 : i32
    %dma_wait3A_26 = tpu.memref_slice %arg7[%dma_wait3A_23, %dma_wait3A, %dma_wait3A_24, %dma_wait3A_25] : memref<4x4x8x128xf32, #tpu.memory_space<vmem>> -> memref<4x1x8x128xf32, #tpu.memory_space<vmem>>
    %dma_wait3A_27 = tpu.memref_squeeze %dma_wait3A_26 : memref<4x1x8x128xf32, #tpu.memory_space<vmem>> -> memref<4x8x128xf32, #tpu.memory_space<vmem>>
    %dma_wait3A_28 = arith.constant 0 : i32
    %dma_wait3A_29 = arith.constant 0 : i32
    %dma_wait3A_30 = arith.constant 0 : i32
    %dma_wait3A_31 = tpu.memref_slice %arg4[%dma_wait3A_28, %add3A_12, %dma_wait3A_29, %dma_wait3A_30] : memref<4x128x8x128xf32, #tpu.memory_space<hbm>> -> memref<4x1x8x128xf32, #tpu.memory_space<hbm>>
    %dma_wait3A_32 = tpu.memref_squeeze %dma_wait3A_31 : memref<4x1x8x128xf32, #tpu.memory_space<hbm>> -> memref<4x8x128xf32, #tpu.memory_space<hbm>>
    tpu.wait_dma2 semaphore(%arg9 : memref<!tpu.dma_semaphore, #tpu.memory_space<semaphore_mem>>) src(%dma_wait3A_32 : memref<4x8x128xf32, #tpu.memory_space<hbm>>) dst(%dma_wait3A_27 : memref<4x8x128xf32, #tpu.memory_space<vmem>>)
    %mul3A_33 = arith.constant 4 : i32
    %mul3A_34 = arith.muli %mul3A_33, %add3A : i32
    %add3A_35 = arith.constant 3 : i32
    %add3A_36 = arith.addi %mul3A_34, %add3A_35 : i32
    %run_scoped3A = arith.constant 3 : i32
    "tpu.region"() ({
      %run_scoped3A_37 = tpu.sem_alloc : memref<!tpu.dma_semaphore, #tpu.memory_space<semaphore_mem>>
      %dma_start3A = arith.constant 0 : i32
      %dma_start3A_38 = arith.constant 0 : i32
      %dma_start3A_39 = arith.constant 0 : i32
      %dma_start3A_40 = tpu.memref_slice %arg7[%dma_start3A, %run_scoped3A, %dma_start3A_38, %dma_start3A_39] : memref<4x4x8x128xf32, #tpu.memory_space<vmem>> -> memref<4x1x8x128xf32, #tpu.memory_space<vmem>>
      %dma_start3A_41 = tpu.memref_squeeze %dma_start3A_40 : memref<4x1x8x128xf32, #tpu.memory_space<vmem>> -> memref<4x8x128xf32, #tpu.memory_space<vmem>>
      %dma_start3A_42 = arith.constant 0 : i32
      %dma_start3A_43 = arith.constant 0 : i32
      %dma_start3A_44 = arith.constant 0 : i32
      %dma_start3A_45 = tpu.memref_slice %arg4[%dma_start3A_42, %add3A_36, %dma_start3A_43, %dma_start3A_44] : memref<4x128x8x128xf32, #tpu.memory_space<hbm>> -> memref<4x1x8x128xf32, #tpu.memory_space<hbm>>
      %dma_start3A_46 = tpu.memref_squeeze %dma_start3A_45 : memref<4x1x8x128xf32, #tpu.memory_space<hbm>> -> memref<4x8x128xf32, #tpu.memory_space<hbm>>
      %dma_start3A_47 = arith.constant 0 : i32
      %dma_start3A_48 = arith.constant 0 : i32
      %dma_start3A_49 = arith.constant 0 : i32
      %dma_start3A_50 = tpu.memref_slice %arg4[%dma_start3A_47, %add3A_36, %dma_start3A_48, %dma_start3A_49] : memref<4x128x8x128xf32, #tpu.memory_space<hbm>> -> memref<4x1x8x128xf32, #tpu.memory_space<hbm>>
      %dma_start3A_51 = tpu.memref_squeeze %dma_start3A_50 : memref<4x1x8x128xf32, #tpu.memory_space<hbm>> -> memref<4x8x128xf32, #tpu.memory_space<hbm>>
      %dma_start3A_52 = arith.constant 0 : i32
      %dma_start3A_53 = arith.constant 0 : i32
      %dma_start3A_54 = arith.constant 0 : i32
      %dma_start3A_55 = tpu.memref_slice %arg7[%dma_start3A_52, %run_scoped3A, %dma_start3A_53, %dma_start3A_54] : memref<4x4x8x128xf32, #tpu.memory_space<vmem>> -> memref<4x1x8x128xf32, #tpu.memory_space<vmem>>
      %dma_start3A_56 = tpu.memref_squeeze %dma_start3A_55 : memref<4x1x8x128xf32, #tpu.memory_space<vmem>> -> memref<4x8x128xf32, #tpu.memory_space<vmem>>
      tpu.enqueue_dma source(%dma_start3A_56 : memref<4x8x128xf32, #tpu.memory_space<vmem>>) target(%dma_start3A_51 : memref<4x8x128xf32, #tpu.memory_space<hbm>>) target_semaphore(%run_scoped3A_37 : memref<!tpu.dma_semaphore, #tpu.memory_space<semaphore_mem>>)
      %dma_wait3A_57 = arith.constant 0 : i32
      %dma_wait3A_58 = arith.constant 0 : i32
      %dma_wait3A_59 = arith.constant 0 : i32
      %dma_wait3A_60 = tpu.memref_slice %arg7[%dma_wait3A_57, %run_scoped3A, %dma_wait3A_58, %dma_wait3A_59] : memref<4x4x8x128xf32, #tpu.memory_space<vmem>> -> memref<4x1x8x128xf32, #tpu.memory_space<vmem>>
      %dma_wait3A_61 = tpu.memref_squeeze %dma_wait3A_60 : memref<4x1x8x128xf32, #tpu.memory_space<vmem>> -> memref<4x8x128xf32, #tpu.memory_space<vmem>>
      %dma_wait3A_62 = arith.constant 0 : i32
      %dma_wait3A_63 = arith.constant 0 : i32
      %dma_wait3A_64 = arith.constant 0 : i32
      %dma_wait3A_65 = tpu.memref_slice %arg4[%dma_wait3A_62, %add3A_36, %dma_wait3A_63, %dma_wait3A_64] : memref<4x128x8x128xf32, #tpu.memory_space<hbm>> -> memref<4x1x8x128xf32, #tpu.memory_space<hbm>>
      %dma_wait3A_66 = tpu.memref_squeeze %dma_wait3A_65 : memref<4x1x8x128xf32, #tpu.memory_space<hbm>> -> memref<4x8x128xf32, #tpu.memory_space<hbm>>
      %dma_wait3A_67 = arith.constant 0 : i32
      %dma_wait3A_68 = arith.constant 0 : i32
      %dma_wait3A_69 = arith.constant 0 : i32
      %dma_wait3A_70 = tpu.memref_slice %arg4[%dma_wait3A_67, %add3A_36, %dma_wait3A_68, %dma_wait3A_69] : memref<4x128x8x128xf32, #tpu.memory_space<hbm>> -> memref<4x1x8x128xf32, #tpu.memory_space<hbm>>
      %dma_wait3A_71 = tpu.memref_squeeze %dma_wait3A_70 : memref<4x1x8x128xf32, #tpu.memory_space<hbm>> -> memref<4x8x128xf32, #tpu.memory_space<hbm>>
      %dma_wait3A_72 = arith.constant 0 : i32
      %dma_wait3A_73 = arith.constant 0 : i32
      %dma_wait3A_74 = arith.constant 0 : i32
      %dma_wait3A_75 = tpu.memref_slice %arg7[%dma_wait3A_72, %run_scoped3A, %dma_wait3A_73, %dma_wait3A_74] : memref<4x4x8x128xf32, #tpu.memory_space<vmem>> -> memref<4x1x8x128xf32, #tpu.memory_space<vmem>>
      %dma_wait3A_76 = tpu.memref_squeeze %dma_wait3A_75 : memref<4x1x8x128xf32, #tpu.memory_space<vmem>> -> memref<4x8x128xf32, #tpu.memory_space<vmem>>
      tpu.wait_dma2 semaphore(%run_scoped3A_37 : memref<!tpu.dma_semaphore, #tpu.memory_space<semaphore_mem>>) src(%dma_wait3A_76 : memref<4x8x128xf32, #tpu.memory_space<vmem>>) dst(%dma_wait3A_71 : memref<4x8x128xf32, #tpu.memory_space<hbm>>)
      tpu.yield
    }) : () -> ()
    return
  }
}

module attributes {stable_mosaic.version = 14 : i64} {
  func.func @_mlp_body(%arg0: memref<32x16384xf32, #tpu.memory_space<vmem>>, %arg1: memref<32x64xf32, #tpu.memory_space<vmem>>, %arg2: memref<64xf32, #tpu.memory_space<vmem>>, %arg3: memref<64xf32, #tpu.memory_space<vmem>>, %arg4: memref<64xf32, #tpu.memory_space<vmem>>, %arg5: memref<64x32xf32, #tpu.memory_space<vmem>>, %arg6: memref<32xf32, #tpu.memory_space<vmem>>, %arg7: memref<32xf32, #tpu.memory_space<vmem>>, %arg8: memref<32xf32, #tpu.memory_space<vmem>>, %arg9: memref<32x16xf32, #tpu.memory_space<vmem>>, %arg10: memref<16xf32, #tpu.memory_space<vmem>>, %arg11: memref<16xf32, #tpu.memory_space<vmem>>, %arg12: memref<16xf32, #tpu.memory_space<vmem>>, %arg13: memref<32x1xf32, #tpu.memory_space<vmem>>, %arg14: memref<1xf32, #tpu.memory_space<vmem>>, %arg15: memref<1x16384xf32, #tpu.memory_space<vmem>>) attributes {dimension_semantics = [], scalar_prefetch = 0 : i64, scratch_operands = 0 : i64, tpu.core_type = #tpu.core_type<tc>} {
    %get3A = arith.constant 0 : index
    %get3A_0 = arith.constant 0 : index
    %get3A_1 = vector.load %arg0[%get3A, %get3A_0] : memref<32x16384xf32, #tpu.memory_space<vmem>>, vector<32x16384xf32>
    %slice3A = vector.extract_strided_slice %get3A_1 {offsets = [0, 0], sizes = [16, 16384], strides = [1, 1]} : vector<32x16384xf32> to vector<16x16384xf32>
    %slice3A_2 = vector.extract_strided_slice %get3A_1 {offsets = [16, 0], sizes = [16, 16384], strides = [1, 1]} : vector<32x16384xf32> to vector<16x16384xf32>
    %mul3A = arith.mulf %slice3A, %slice3A_2 : vector<16x16384xf32>
    %get3A_3 = arith.constant 0 : index
    %get3A_4 = arith.constant 0 : index
    %get3A_5 = vector.load %arg1[%get3A_3, %get3A_4] : memref<32x64xf32, #tpu.memory_space<vmem>>, vector<32x64xf32>
    %dot_general3A = arith.constant dense<0.000000e+00> : vector<64x16384xf32>
    %dot_general3A_6 = tpu.matmul %get3A_5, %get3A_1, %dot_general3A {dimension_numbers = #tpu.dot_dimension_numbers<[0], [0], [1], [1], [0, 1, 1, 1], [], []>, transpose_lhs_hint = false} : vector<32x64xf32>, vector<32x16384xf32>, vector<64x16384xf32> -> vector<64x16384xf32>
    %reduce_sum3A = arith.constant dense<0.000000e+00> : vector<64xf32>
    %reduce_sum3A_7 = vector.multi_reduction <add>, %dot_general3A_6, %reduce_sum3A [1] : vector<64x16384xf32> to vector<64xf32>
    %broadcast_in_dim3A = vector.shape_cast %reduce_sum3A_7 : vector<64xf32> to vector<64x1xf32>
    %div3A = arith.constant 1.638400e+04 : f32
    %div3A_8 = vector.broadcast %div3A : f32 to vector<64x1xf32>
    %div3A_9 = arith.divf %broadcast_in_dim3A, %div3A_8 : vector<64x1xf32>
    %mul3A_10 = arith.mulf %dot_general3A_6, %dot_general3A_6 : vector<64x16384xf32>
    %reduce_sum3A_11 = arith.constant dense<0.000000e+00> : vector<64xf32>
    %reduce_sum3A_12 = vector.multi_reduction <add>, %mul3A_10, %reduce_sum3A_11 [1] : vector<64x16384xf32> to vector<64xf32>
    %broadcast_in_dim3A_13 = vector.shape_cast %reduce_sum3A_12 : vector<64xf32> to vector<64x1xf32>
    %div3A_14 = arith.constant 1.638400e+04 : f32
    %div3A_15 = vector.broadcast %div3A_14 : f32 to vector<64x1xf32>
    %div3A_16 = arith.divf %broadcast_in_dim3A_13, %div3A_15 : vector<64x1xf32>
    %mul3A_17 = arith.mulf %div3A_9, %div3A_9 : vector<64x1xf32>
    %sub3A = arith.subf %div3A_16, %mul3A_17 : vector<64x1xf32>
    %get3A_18 = arith.constant 0 : index
    %get3A_19 = vector.load %arg3[%get3A_18] : memref<64xf32, #tpu.memory_space<vmem>>, vector<64xf32>
    %broadcast_in_dim3A_20 = vector.shape_cast %get3A_19 : vector<64xf32> to vector<64x1xf32>
    %add3A = arith.constant 9.99999974E-6 : f32
    %add3A_21 = vector.broadcast %add3A : f32 to vector<64x1xf32>
    %add3A_22 = arith.addf %sub3A, %add3A_21 : vector<64x1xf32>
    %rsqrt3A = math.rsqrt %add3A_22 : vector<64x1xf32>
    %mul3A_23 = arith.mulf %broadcast_in_dim3A_20, %rsqrt3A : vector<64x1xf32>
    %sub3A_24 = vector.broadcast %div3A_9 : vector<64x1xf32> to vector<64x16384xf32>
    %sub3A_25 = arith.subf %dot_general3A_6, %sub3A_24 : vector<64x16384xf32>
    %mul3A_26 = vector.broadcast %mul3A_23 : vector<64x1xf32> to vector<64x16384xf32>
    %mul3A_27 = arith.mulf %sub3A_25, %mul3A_26 : vector<64x16384xf32>
    %get3A_28 = arith.constant 0 : index
    %get3A_29 = vector.load %arg4[%get3A_28] : memref<64xf32, #tpu.memory_space<vmem>>, vector<64xf32>
    %broadcast_in_dim3A_30 = vector.shape_cast %get3A_29 : vector<64xf32> to vector<64x1xf32>
    %add3A_31 = vector.broadcast %broadcast_in_dim3A_30 : vector<64x1xf32> to vector<64x16384xf32>
    %add3A_32 = arith.addf %mul3A_27, %add3A_31 : vector<64x16384xf32>
    %max3A = arith.constant 0.000000e+00 : f32
    %max3A_33 = vector.broadcast %max3A : f32 to vector<64x16384xf32>
    %max3A_34 = arith.maximumf %add3A_32, %max3A_33 : vector<64x16384xf32>
    %get3A_35 = arith.constant 0 : index
    %get3A_36 = arith.constant 0 : index
    %get3A_37 = vector.load %arg5[%get3A_35, %get3A_36] : memref<64x32xf32, #tpu.memory_space<vmem>>, vector<64x32xf32>
    %dot_general3A_38 = arith.constant dense<0.000000e+00> : vector<32x16384xf32>
    %dot_general3A_39 = tpu.matmul %get3A_37, %max3A_34, %dot_general3A_38 {dimension_numbers = #tpu.dot_dimension_numbers<[0], [0], [1], [1], [0, 1, 1, 1], [], []>, transpose_lhs_hint = false} : vector<64x32xf32>, vector<64x16384xf32>, vector<32x16384xf32> -> vector<32x16384xf32>
    %reduce_sum3A_40 = arith.constant dense<0.000000e+00> : vector<32xf32>
    %reduce_sum3A_41 = vector.multi_reduction <add>, %dot_general3A_39, %reduce_sum3A_40 [1] : vector<32x16384xf32> to vector<32xf32>
    %broadcast_in_dim3A_42 = vector.shape_cast %reduce_sum3A_41 : vector<32xf32> to vector<32x1xf32>
    %div3A_43 = arith.constant 1.638400e+04 : f32
    %div3A_44 = vector.broadcast %div3A_43 : f32 to vector<32x1xf32>
    %div3A_45 = arith.divf %broadcast_in_dim3A_42, %div3A_44 : vector<32x1xf32>
    %mul3A_46 = arith.mulf %dot_general3A_39, %dot_general3A_39 : vector<32x16384xf32>
    %reduce_sum3A_47 = arith.constant dense<0.000000e+00> : vector<32xf32>
    %reduce_sum3A_48 = vector.multi_reduction <add>, %mul3A_46, %reduce_sum3A_47 [1] : vector<32x16384xf32> to vector<32xf32>
    %broadcast_in_dim3A_49 = vector.shape_cast %reduce_sum3A_48 : vector<32xf32> to vector<32x1xf32>
    %div3A_50 = arith.constant 1.638400e+04 : f32
    %div3A_51 = vector.broadcast %div3A_50 : f32 to vector<32x1xf32>
    %div3A_52 = arith.divf %broadcast_in_dim3A_49, %div3A_51 : vector<32x1xf32>
    %mul3A_53 = arith.mulf %div3A_45, %div3A_45 : vector<32x1xf32>
    %sub3A_54 = arith.subf %div3A_52, %mul3A_53 : vector<32x1xf32>
    %get3A_55 = arith.constant 0 : index
    %get3A_56 = vector.load %arg7[%get3A_55] : memref<32xf32, #tpu.memory_space<vmem>>, vector<32xf32>
    %broadcast_in_dim3A_57 = vector.shape_cast %get3A_56 : vector<32xf32> to vector<32x1xf32>
    %add3A_58 = arith.constant 9.99999974E-6 : f32
    %add3A_59 = vector.broadcast %add3A_58 : f32 to vector<32x1xf32>
    %add3A_60 = arith.addf %sub3A_54, %add3A_59 : vector<32x1xf32>
    %rsqrt3A_61 = math.rsqrt %add3A_60 : vector<32x1xf32>
    %mul3A_62 = arith.mulf %broadcast_in_dim3A_57, %rsqrt3A_61 : vector<32x1xf32>
    %sub3A_63 = vector.broadcast %div3A_45 : vector<32x1xf32> to vector<32x16384xf32>
    %sub3A_64 = arith.subf %dot_general3A_39, %sub3A_63 : vector<32x16384xf32>
    %mul3A_65 = vector.broadcast %mul3A_62 : vector<32x1xf32> to vector<32x16384xf32>
    %mul3A_66 = arith.mulf %sub3A_64, %mul3A_65 : vector<32x16384xf32>
    %get3A_67 = arith.constant 0 : index
    %get3A_68 = vector.load %arg8[%get3A_67] : memref<32xf32, #tpu.memory_space<vmem>>, vector<32xf32>
    %broadcast_in_dim3A_69 = vector.shape_cast %get3A_68 : vector<32xf32> to vector<32x1xf32>
    %add3A_70 = vector.broadcast %broadcast_in_dim3A_69 : vector<32x1xf32> to vector<32x16384xf32>
    %add3A_71 = arith.addf %mul3A_66, %add3A_70 : vector<32x16384xf32>
    %max3A_72 = arith.constant 0.000000e+00 : f32
    %max3A_73 = vector.broadcast %max3A_72 : f32 to vector<32x16384xf32>
    %max3A_74 = arith.maximumf %add3A_71, %max3A_73 : vector<32x16384xf32>
    %get3A_75 = arith.constant 0 : index
    %get3A_76 = arith.constant 0 : index
    %get3A_77 = vector.load %arg9[%get3A_75, %get3A_76] : memref<32x16xf32, #tpu.memory_space<vmem>>, vector<32x16xf32>
    %dot_general3A_78 = arith.constant dense<0.000000e+00> : vector<16x16384xf32>
    %dot_general3A_79 = tpu.matmul %get3A_77, %max3A_74, %dot_general3A_78 {dimension_numbers = #tpu.dot_dimension_numbers<[0], [0], [1], [1], [0, 1, 1, 1], [], []>, transpose_lhs_hint = false} : vector<32x16xf32>, vector<32x16384xf32>, vector<16x16384xf32> -> vector<16x16384xf32>
    %reduce_sum3A_80 = arith.constant dense<0.000000e+00> : vector<16xf32>
    %reduce_sum3A_81 = vector.multi_reduction <add>, %dot_general3A_79, %reduce_sum3A_80 [1] : vector<16x16384xf32> to vector<16xf32>
    %broadcast_in_dim3A_82 = vector.shape_cast %reduce_sum3A_81 : vector<16xf32> to vector<16x1xf32>
    %div3A_83 = arith.constant 1.638400e+04 : f32
    %div3A_84 = vector.broadcast %div3A_83 : f32 to vector<16x1xf32>
    %div3A_85 = arith.divf %broadcast_in_dim3A_82, %div3A_84 : vector<16x1xf32>
    %mul3A_86 = arith.mulf %dot_general3A_79, %dot_general3A_79 : vector<16x16384xf32>
    %reduce_sum3A_87 = arith.constant dense<0.000000e+00> : vector<16xf32>
    %reduce_sum3A_88 = vector.multi_reduction <add>, %mul3A_86, %reduce_sum3A_87 [1] : vector<16x16384xf32> to vector<16xf32>
    %broadcast_in_dim3A_89 = vector.shape_cast %reduce_sum3A_88 : vector<16xf32> to vector<16x1xf32>
    %div3A_90 = arith.constant 1.638400e+04 : f32
    %div3A_91 = vector.broadcast %div3A_90 : f32 to vector<16x1xf32>
    %div3A_92 = arith.divf %broadcast_in_dim3A_89, %div3A_91 : vector<16x1xf32>
    %mul3A_93 = arith.mulf %div3A_85, %div3A_85 : vector<16x1xf32>
    %sub3A_94 = arith.subf %div3A_92, %mul3A_93 : vector<16x1xf32>
    %get3A_95 = arith.constant 0 : index
    %get3A_96 = vector.load %arg11[%get3A_95] : memref<16xf32, #tpu.memory_space<vmem>>, vector<16xf32>
    %broadcast_in_dim3A_97 = vector.shape_cast %get3A_96 : vector<16xf32> to vector<16x1xf32>
    %add3A_98 = arith.constant 9.99999974E-6 : f32
    %add3A_99 = vector.broadcast %add3A_98 : f32 to vector<16x1xf32>
    %add3A_100 = arith.addf %sub3A_94, %add3A_99 : vector<16x1xf32>
    %rsqrt3A_101 = math.rsqrt %add3A_100 : vector<16x1xf32>
    %mul3A_102 = arith.mulf %broadcast_in_dim3A_97, %rsqrt3A_101 : vector<16x1xf32>
    %sub3A_103 = vector.broadcast %div3A_85 : vector<16x1xf32> to vector<16x16384xf32>
    %sub3A_104 = arith.subf %dot_general3A_79, %sub3A_103 : vector<16x16384xf32>
    %mul3A_105 = vector.broadcast %mul3A_102 : vector<16x1xf32> to vector<16x16384xf32>
    %mul3A_106 = arith.mulf %sub3A_104, %mul3A_105 : vector<16x16384xf32>
    %get3A_107 = arith.constant 0 : index
    %get3A_108 = vector.load %arg12[%get3A_107] : memref<16xf32, #tpu.memory_space<vmem>>, vector<16xf32>
    %broadcast_in_dim3A_109 = vector.shape_cast %get3A_108 : vector<16xf32> to vector<16x1xf32>
    %add3A_110 = vector.broadcast %broadcast_in_dim3A_109 : vector<16x1xf32> to vector<16x16384xf32>
    %add3A_111 = arith.addf %mul3A_106, %add3A_110 : vector<16x16384xf32>
    %max3A_112 = arith.constant 0.000000e+00 : f32
    %max3A_113 = vector.broadcast %max3A_112 : f32 to vector<16x16384xf32>
    %max3A_114 = arith.maximumf %add3A_111, %max3A_113 : vector<16x16384xf32>
    %get3A_115 = arith.constant 0 : index
    %get3A_116 = arith.constant 0 : index
    %get3A_117 = vector.load %arg13[%get3A_115, %get3A_116] : memref<32x1xf32, #tpu.memory_space<vmem>>, vector<32x1xf32>
    %slice3A_118 = vector.extract_strided_slice %get3A_117 {offsets = [0, 0], sizes = [16, 1], strides = [1, 1]} : vector<32x1xf32> to vector<16x1xf32>
    %dot_general3A_119 = arith.constant dense<0.000000e+00> : vector<1x16384xf32>
    %dot_general3A_120 = tpu.matmul %slice3A_118, %mul3A, %dot_general3A_119 {dimension_numbers = #tpu.dot_dimension_numbers<[0], [0], [1], [1], [0, 1, 1, 1], [], []>, transpose_lhs_hint = false} : vector<16x1xf32>, vector<16x16384xf32>, vector<1x16384xf32> -> vector<1x16384xf32>
    %get3A_121 = arith.constant 0 : index
    %get3A_122 = arith.constant 0 : index
    %get3A_123 = vector.load %arg13[%get3A_121, %get3A_122] : memref<32x1xf32, #tpu.memory_space<vmem>>, vector<32x1xf32>
    %slice3A_124 = vector.extract_strided_slice %get3A_123 {offsets = [16, 0], sizes = [16, 1], strides = [1, 1]} : vector<32x1xf32> to vector<16x1xf32>
    %dot_general3A_125 = arith.constant dense<0.000000e+00> : vector<1x16384xf32>
    %dot_general3A_126 = tpu.matmul %slice3A_124, %max3A_114, %dot_general3A_125 {dimension_numbers = #tpu.dot_dimension_numbers<[0], [0], [1], [1], [0, 1, 1, 1], [], []>, transpose_lhs_hint = false} : vector<16x1xf32>, vector<16x16384xf32>, vector<1x16384xf32> -> vector<1x16384xf32>
    %add3A_127 = arith.addf %dot_general3A_120, %dot_general3A_126 : vector<1x16384xf32>
    %get3A_128 = arith.constant 0 : index
    %get3A_129 = vector.load %arg14[%get3A_128] : memref<1xf32, #tpu.memory_space<vmem>>, vector<1xf32>
    %broadcast_in_dim3A_130 = vector.shape_cast %get3A_129 : vector<1xf32> to vector<1x1xf32>
    %add3A_131 = vector.broadcast %broadcast_in_dim3A_130 : vector<1x1xf32> to vector<1x16384xf32>
    %add3A_132 = arith.addf %add3A_127, %add3A_131 : vector<1x16384xf32>
    %swap3A = arith.constant 0 : index
    %swap3A_133 = arith.constant 0 : index
    %swap3A_134 = vector.load %arg15[%swap3A, %swap3A_133] : memref<1x16384xf32, #tpu.memory_space<vmem>>, vector<1x16384xf32>
    tpu.vector_store %arg15[%swap3A, %swap3A_133], %add3A_132 {strides = array<i32>} : memref<1x16384xf32, #tpu.memory_space<vmem>>, vector<1x16384xf32>,
    return
  }
}

</mosaic_0001>

<sc_bundles>
// kernel: kernel.4.cloned.1.call-start
scs
__scs_entry_jumppad:
0x0: {  	(pc) =	sbr.rel $0x88, $3  }
0x1: {  	(tag) =	ssettag $0x0;
	lr =	simm.s32 $0x1  }
0x2: {  	[smem:$0x3F91] =	sst lr;
	_ =	strace $0xD0000000  }
0x3: {  	_ = 	snop  }
0x4: {  	_ = 	snop  }
0x5: {  	_ = 	snop  }
0x6: {  	_ = 	snop  }
0x7: {  	_ = 	snop  }
__scs_overlays_trampoline_lowered:
0x8: {  	[smem:$0x3FA0] =	sst s0  }
0x9: {  	[smem:$0x3FA1] =	sst s1  }
0xa: {  	[smem:$0x3FA2] =	sst s2  }
0xb: {  	[smem:$0x3FA3] =	sst s3  }
0xc: {  	[smem:$0x3FA4] =	sst s4  }
0xd: {  	[smem:$0x3FA5] =	sst s5  }
0xe: {  	[smem:$0x3FA6] =	sst s6  }
0xf: {  	[smem:$0x3FA7] =	sst s7  }
0x10: {  	[smem:$0x3FA8] =	sst s8  }
0x11: {  	[smem:$0x3FA9] =	sst s9;
	s0 =	simm.s32 @!p0 $0x0  }
0x12: {  	s1 =	sld [smem:$0x3F8F];
	s0 =	simm.s32 @p0 $0x1  }
0x13: {  	[smem:$0x3FAA] =	sst s0;
	s0 =	simm.s32 @!p1 $0x0  }
0x14: {  	s2 =	sld [smem:$0x3F8E];
	s0 =	simm.s32 @p1 $0x1  }
0x15: {  	[smem:$0x3FAB] =	sst s0;
	s0 =	simm.s32 @!p2 $0x0  }
0x16: {  	s3 =	sld [smem:$0x3FDB];
	s0 =	simm.s32 @p2 $0x1  }
0x17: {  	s4 =	simm.s32 $0x1BF5;
	[smem:$0x3FAD] =	sst s0  }
0x18: {  	s0 =	sld [smem:$0x3F90];
	_ =	swait.ge [sflag:s4], $0x0  }
0x19: {  	s7 =	sld [smem:$0x3F91]  }
0x1a: {  	s8 =	sadd.s32 $0xFFFFE003, lr  }
0x1b: {  	s9 =	sadd.s32 $0xFFFFFEF7, lr;
	s5 =	simm.s32 $0xFFFFFFFF;
	p2 =	slt.u32 s8, $0xFFFFF086  }
0x1c: {  	p1 =	slt.u32 s9, $0xF7A;
	s5 =	simm.s32 @!p2 $0x0  }
0x1d: {  	s5 =	simm.s32 @p1 $0x1;
	p0 =	seq.s32 s7, s2  }
0x1e: {  	s7 =	smul.u32 @!p0 $0xF7A, s2;
	p2 =	seq.s32 @!p0 s5, $0x0  }
0x1f: {  	s9 =	smul.u32 $0xF7A, s1;
	s8 =	simm.s32 @!p0 $0x1BF5;
	p2 =	por !p2, p0  }
0x20: {  	[sflag:s8] =	ssyncset.s32 @!p0 $0xFFFFF086;
	s6 =	sadd.s32 @!p0 s3, s7;
	s7 =	simm.s32 @!p0 $0x108  }
0x21: {  	s3 =	sadd.s32 s3, s9;
	s6 =	sadd.s32 @!p0 $0x88, s6;
	s7 =	simm.s32 @p2 $0x1082  }
0x22: {  	[simem:s7], [sflag:s8] =	dma.local @!p0 [hbm:s6], $0xF7A  }
0x23: {  	s9 =	sor.u32 $0xD0000000, s2;
	s6 =	simm.s32 $0x108;
	_ =	swait.ge @!p0 [sflag:s8], $0x0  }
0x24: {  	s3 =	sadd.s32 $0x88, s3;
	s6 =	simm.s32 @!p1 $0x1082;
	[sflag:s4] =	ssyncset.s32 $0xFFFFF086  }
0x25: {  	[simem:s6], [sflag:s4] =	dma.local [hbm:s3], $0xF7A  }
0x26: {  	[smem:$0x3F91] =	sst s1;
	(tag) =	ssettag s2;
	_ =	strace s9  }
0x27: {  	s1 =	sld [smem:$0x3FA1]  }
0x28: {  	s2 =	sld [smem:$0x3FA2]  }
0x29: {  	s4 =	sld [smem:$0x3FA4]  }
0x2a: {  	p0 =	seq.s32 s5, $0x0;
	s5 =	sld [smem:$0x3FA5]  }
0x2b: {  	s6 =	sld [smem:$0x3FA6]  }
0x2c: {  	s7 =	sld [smem:$0x3FA7]  }
0x2d: {  	s3 =	simm.s32 $0x108;
	s8 =	sld [smem:$0x3FA8]  }
0x2e: {  	s3 =	simm.s32 @!p0 $0x1082;
	s9 =	sld [smem:$0x3FA9]  }
0x2f: {  	lr =	sadd.s32 s0, s3;
	s0 =	sld [smem:$0x3FA0]  }
0x30: {  	s3 =	sld [smem:$0x3FA3]  }
0x31: {  	[smem:$0x3FAC] =	sst s10  }
0x32: {  	s10 =	sld [smem:$0x3FAA];
	_ =	sdelay $0x3  }
0x33: {  	p0 =	seq.s32 s10, $0x1;
	s10 =	sld [smem:$0x3FAC];
	_ =	sdelay $0x3  }
0x34: {  	[smem:$0x3FAC] =	sst s10  }
0x35: {  	s10 =	sld [smem:$0x3FAB];
	_ =	sdelay $0x3  }
0x36: {  	p1 =	seq.s32 s10, $0x1;
	s10 =	sld [smem:$0x3FAC];
	_ =	sdelay $0x3  }
0x37: {  	[smem:$0x3FAC] =	sst s10  }
0x38: {  	s10 =	sld [smem:$0x3FAD]  }
0x39: {  	_ = 	snop;
	(pc) =	sbr.ind lr, $3  }
0x3a: {  	_ = 	snop  }
0x3b: {  	_ = 	snop  }
0x3c: {  	p2 =	seq.s32 s10, $0x1;
	s10 =	sld [smem:$0x3FAC]  }
0x3d: {  	_ =	shalt  }
0x3e: {  	_ =	shalt  }
0x3f: {  	_ =	shalt  }
0x40: {  	_ =	shalt  }
0x41: {  	_ =	shalt  }
0x42: {  	_ =	shalt  }
0x43: {  	_ =	shalt  }
0x44: {  	_ =	shalt  }
0x45: {  	_ =	shalt  }
0x46: {  	_ =	shalt  }
0x47: {  	_ =	shalt  }
0x48: {  	_ =	shalt  }
0x49: {  	_ =	shalt  }
0x4a: {  	_ =	shalt  }
0x4b: {  	_ =	shalt  }
0x4c: {  	_ =	shalt  }
0x4d: {  	_ =	shalt  }
0x4e: {  	_ =	shalt  }
0x4f: {  	_ =	shalt  }
0x50: {  	_ =	shalt  }
0x51: {  	_ =	shalt  }
0x52: {  	_ =	shalt  }
0x53: {  	_ =	shalt  }
0x54: {  	_ =	shalt  }
0x55: {  	_ =	shalt  }
0x56: {  	_ =	shalt  }
0x57: {  	_ =	shalt  }
0x58: {  	_ =	shalt  }
0x59: {  	_ =	shalt  }
0x5a: {  	_ =	shalt  }
0x5b: {  	_ =	shalt  }
0x5c: {  	_ =	shalt  }
0x5d: {  	_ =	shalt  }
0x5e: {  	_ =	shalt  }
0x5f: {  	_ =	shalt  }
0x60: {  	_ =	shalt  }
0x61: {  	_ =	shalt  }
0x62: {  	_ =	shalt  }
0x63: {  	_ =	shalt  }
0x64: {  	_ =	shalt  }
0x65: {  	_ =	shalt  }
0x66: {  	_ =	shalt  }
0x67: {  	_ =	shalt  }
0x68: {  	_ =	shalt  }
0x69: {  	_ =	shalt  }
0x6a: {  	_ =	shalt  }
0x6b: {  	_ =	shalt  }
0x6c: {  	_ =	shalt  }
0x6d: {  	_ =	shalt  }
0x6e: {  	_ =	shalt  }
0x6f: {  	_ =	shalt  }
0x70: {  	_ =	shalt  }
0x71: {  	_ =	shalt  }
0x72: {  	_ =	shalt  }
0x73: {  	_ =	shalt  }
0x74: {  	_ =	shalt  }
0x75: {  	_ =	shalt  }
0x76: {  	_ =	shalt  }
0x77: {  	_ =	shalt  }
0x78: {  	_ =	shalt  }
0x79: {  	_ =	shalt  }
0x7a: {  	_ =	shalt  }
0x7b: {  	_ =	shalt  }
0x7c: {  	_ =	shalt  }
0x7d: {  	_ =	shalt  }
0x7e: {  	_ =	shalt  }
0x7f: {  	_ =	shalt  }
0x80: {  	_ =	shalt  }
0x81: {  	_ =	shalt  }
0x82: {  	_ =	shalt  }
0x83: {  	_ =	shalt  }
0x84: {  	_ =	shalt  }
0x85: {  	_ =	shalt  }
0x86: {  	_ =	shalt  }
0x87: {  	_ =	shalt  }
.Lfunc_end0:
.L_simem_size_0:
called_computation_lowered:
.L_overlay_start_0:
0x88: {  	s2 =	sld [smem:$0x3FD9]  }
0x89: {  	s3 =	sld [smem:$0x3FFE];
	_ =	sdelay $0x1  }
0x8a: {  	s1 =	srdreg.scid  }
0x8b: {  	s0 =	sand.u32 $0x1, s1  }
0x8c: {  	s17 =	sshll.u32 s0, $0xA;
	s2 =	sadd.s32 s3, s2  }
0x8d: {  	s2 =	sadd.s32 s2, s17  }
0x8e: {  	[smem:$0x3FB8] =	sst s2  }
0x8f: {  	_ = 	snop  }
0x90: {  	s2 =	sld [smem:$0x3FC9]  }
0x91: {  	s18 =	sld [smem:$0x3FC8];
	(tm) =	ssettm $0x1  }
0x92: {  	s4 =	sld [smem:$0x3FFB];
	_ =	sdelay $0x3  }
0x93: {  	_ =	strace s4  }
0x94: {  	s4 =	sld [smem:$0x3FFC];
	_ =	sdelay $0x3  }
0x95: {  	_ =	strace s4  }
0x96: {  	s4 =	sld [smem:$0x3FFD];
	_ =	sdelay $0x3  }
0x97: {  	_ =	strace s4  }
0x98: {  	_ =	strace $0x8FFFFFFF  }
0x99: {  	s19 =	sld [smem:$0x3FDB];
	_ =	sdelay $0x1  }
0x9a: {  	s5 =	simm.s32 $_scs_section_size  }
0x9b: {  	s6 =	simm.s32 $_size__tile_overlayer_lowered;
	s7 =	simm.s32 $_tile_overlayer_lowered  }
0x9c: {  	s22 =	simm.s32 $0x1BFF;
	s21 =	sshll.u32 s7, $0x1;
	s4 =	sadd.s32 s5, s19  }
0x9d: {  	s8 =	simm.s32 $0x0;
	s20 =	sshll.u32 s6, $0x1;
	s6 =	sadd.s32 s21, s4  }
0x9e: {  	[timem:s8], [sflag:s22] =	dma.local [hbm:s6], s20  }
0x9f: {  	_ =	swait.ge [sflag:s22], s20  }
0xa0: {  	s5 =	ssub.s32 $0x0, s20;
	[sflag:s22] =	ssyncset.done $0x0  }
0xa1: {  	[sflag:s22] =	ssyncadd.s32 s5;
	_ =	sdelay $0x1  }
0xa2: {  	s23 =	simm.s32 $0x1B8B  }
0xa3: {  	_ =	swait.ge [sflag:s23], $0x1  }
0xa4: {  	[sflag:s23] =	ssyncset.done $0x0  }
0xa5: {  	s25 =	simm.s32 $0x1B8E;
	s24 =	sld [smem:$0x3FFE];
	[sflag:s23] =	ssyncadd.s32 $0xFFFFFFFF  }
0xa6: {  	s26 =	simm.s32 $execute0_lowered;
	[smem:$0x3FD2] =	sst s25  }
0xa7: {  	s6 =	sshll.u32 s26, $0x1;
	_ =	strace $0x80000046;
	[dreg:$0x1] =	wrdreg $0xFFFFFFFF  }
0xa8: {  	s28 =	simm.s32 $_size_execute0_lowered;
	s4 =	sadd.s32 s4, s6;
	[dreg:$0x0] =	wrdreg $0x0  }
0xa9: {  	s6 =	sshll.u32 s28, $0x1;
	[dreg:$0x2] =	wrdreg s4  }
0xaa: {  	[dreg:$0x3] =	wrdreg s6  }
0xab: {  	[dreg:$0x4] =	wrdreg $0xC0  }
0xac: {  	_ =	task [dreg:s8], $0x5FFFF  }
0xad: {  	[dreg:$0x1] =	wrdreg $0xFFFFFFFF  }
0xae: {  	[dreg:$0x0] =	wrdreg $0x60  }
0xaf: {  	[dreg:$0x2] =	wrdreg s18  }
0xb0: {  	[dreg:$0x3] =	wrdreg s2  }
0xb1: {  	[dreg:$0x4] =	wrdreg s24  }
0xb2: {  	[dreg:$0x5] =	wrdreg $0x9  }
0xb3: {  	_ =	task.clear_ibuf [dreg:s8], $0x6FFFF;
	_ =	strace $0x90000046  }
0xb4: {  	s29 =	simm.s32 $0x9;
	_ =	strace $0x80000048  }
0xb5: {  	_ =	swait.ge [sflag:s29], $0x1  }
0xb6: {  	[sflag:s29] =	ssyncadd.s32 $0xFFFFFFFF  }
0xb7: {  	_ =	strace $0x90000048  }
0xb8: {  	_ =	sfence  }
0xb9: {  	s30 =	sld [smem:$0x0];
	_ =	sdelay $0x2  }
0xba: {  	s31 =	sshll.u32 s1, $0xD;
	s1 =	sshrl.u32 s1, $0x2  }
0xbb: {  	s3 =	sand.u32 $0x4000, s31;
	s1 =	sadd.s32 s1, s30  }
0xbc: {  	s0 =	sor.u32 s3, s0;
	s1 =	sshll.u32 s1, $0x11  }
0xbd: {  	s0 =	sor.u32 s1, s0  }
0xbe: {  	s0 =	sadd.s32 $0x8F2B, s0  }
0xbf: {  	[sflag:s0] =	ssyncadd.remote.s32 $0x1  }
0xc0: {  	_ =	sfence.sel $0xFFFF  }
0xc1: {  	[dreg:$0x0] =	wrdreg $0xFFFFFFFF;
	(pc) =	sbr.abs _section_cstart, $3  }
0xc2: {  	[dreg:$0x1] =	wrdreg $0xFFFFFFFF  }
0xc3: {  	_ =	task.clear_ibuf [dreg:s8], $0x2FFFF;
	_ =	strace $0x9FFFFFFF  }
0xc4: {  	(tm) =	ssettm $0x7FFFFFFF  }
0xc5: {  	_ =	shalt  }
tec
execute0_lowered:
.L_overlay_start_1:
0x0: {  	(tag) =	ssettag $0x1  }
0x1: {  	s1 =	rddreg [dreg:$0x0]  }
0x2: {  	s4 =	rddreg [dreg:$0x1]  }
0x3: {  	s5 =	rddreg [dreg:$0x2]  }
0x4: {  	s0 =	rddreg [dreg:$0x3]  }
0x5: {  	s3 =	simm.s32 $0x0;
	s6 =	srdreg.scid;
	s2 =	stileid.u32  }
0x6: {  	s10 =	simm.s32 $0x80;
	s11 =	simm.s32 $0x2;
	s12 =	simm.s32 $0x5000  }
0x7: {  	s13 =	simm.s32 $0x6000;
	s14 =	simm.s32 $0x7000;
	s15 =	simm.s32 $0x8000  }
0x8: {  	s16 =	simm.s32 $0x0;
	s6 =	sand.u32 $0x1, s6;
	s7 =	sshll.u32 s2, $0x1  }
0x9: {  	[smem:$0x7FF] =	sst s3;
	s7 =	sor.u32 s6, s7;
	s6 =	ssub.s32 $0x2, s6  }
0xa: {  	_ =	strace $0x80000047;
	s8 =	sshll.u32 s7, $0x9;
	s9 =	sshrl.u32 s6, $0x1  }
0xb: {  	s7 =	sshll.u32 s7, $0x7;
	s8 =	sadd.s32 s8, s5;
	s9 =	ssub.s32 s6, s9  }
0xc: {  	s4 =	sadd.s32 s4, s7;
	s5 =	sadd.s32 $0x2080, s8;
	s6 =	sadd.s32 $0x2000, s8  }
0xd: {  	s7 =	sadd.s32 $0x2180, s8;
	s8 =	smax.u32 s9, $0x1;
	s9 =	simm.s32 $0x3  }
.LBB2_1:
0xe: {  	[tilespmem:s3], [sflag:$0x3] =	stream.linear.gather [hbm4b:s4+s3], $0x400, $0x38;
	[tilespmem:$0x8400] =	vst v63  }
0xf: {  	_ =	swait.ge [sflag:s9], $0x400  }
0x10: {  	p2 =	por $0x1, $0x1;
	[sflag:s9] =	ssyncset.done $0x0  }
0x11: {  	p1 =	por $0x0, $0x0;
	s22 =	simm.s32 $0x0;
	[sflag:s9] =	ssyncadd.s32 $0xFFFFFC00  }
.LBB2_2:
0x12: {  	s17 =	sshll.u32 s22, $0x9  }
0x13: {  	s17 =	sand.u32 $0x3FFFFE00, s17  }
0x14: {  	s17 =	sor.u32 $0x80, s17  }
0x15: {  	v0 =	vmov s17;
	_ =	sdelay $0x3  }
0x16: {  	s17 =	simm.s32 $0x0  }
0x17: {  	v2 =	vld.idx.msk [tilespmem:v0+s17+$0x0 ss:$0x1], $0xffff  }
0x18: {  	s18 =	sshll.u32 s22, $0xA;
	v3 =	vld.idx.msk [tilespmem:v0+s17+$0xFFFFFF80 ss:$0x1], $0xffff  }
0x19: {  	s23 =	sshrl.u32 s18, $0x2  }
0x1a: {  	s18 =	sadd.s32 $0x4200, s23  }
0x1b: {  	v1 =	vmov s18;
	_ =	sdelay $0x1  }
0x1c: {  	v2 =	vadd.s32 $0xF4240, v2;
	v5 =	vshll.u32 v3, $0x3  }
0x1d: {  	v3 =	vand.u32 $0x7F, v3;
	v4 =	vshll.u32 v2, $0x3;
	v5 =	vand.u32 $0xFFFFFC00, v5  }
0x1e: {  	v2 =	vand.u32 $0x7F, v2;
	v4 =	vand.u32 $0xFFFFFC00, v4;
	v3 =	vor.u32 v3, v5  }
0x1f: {  	v4 =	vor.u32 v2, v4;
	[tilespmem:v1+s17+$0xFFFFC200 ss:$0x1] =	vst.idx.msk $0xffff, v3  }
0x20: {  	v2 =	vor.u32 $0x80, v3;
	[tilespmem:v1+s17+$0xFFFFE200 ss:$0x1] =	vst.idx.msk $0xffff, v4  }
0x21: {  	v5 =	vor.u32 $0x80, v4;
	[tilespmem:v1+s17+$0xFFFFC400 ss:$0x1] =	vst.idx.msk $0xffff, v2  }
0x22: {  	v2 =	vor.u32 $0x100, v3;
	[tilespmem:v1+s17+$0xFFFFE400 ss:$0x1] =	vst.idx.msk $0xffff, v5  }
0x23: {  	v5 =	vor.u32 $0x100, v4;
	[tilespmem:v1+s17+$0xFFFFC600 ss:$0x1] =	vst.idx.msk $0xffff, v2  }
0x24: {  	v2 =	vor.u32 $0x180, v3;
	[tilespmem:v1+s17+$0xFFFFE600 ss:$0x1] =	vst.idx.msk $0xffff, v5  }
0x25: {  	v5 =	vor.u32 $0x180, v4;
	[tilespmem:v1+s17+$0xFFFFC800 ss:$0x1] =	vst.idx.msk $0xffff, v2  }
0x26: {  	v2 =	vor.u32 $0x200, v3;
	[tilespmem:v1+s17+$0xFFFFE800 ss:$0x1] =	vst.idx.msk $0xffff, v5  }
0x27: {  	v5 =	vor.u32 $0x200, v4;
	[tilespmem:v1+s17+$0xFFFFCA00 ss:$0x1] =	vst.idx.msk $0xffff, v2  }
0x28: {  	v2 =	vor.u32 $0x280, v3;
	[tilespmem:v1+s17+$0xFFFFEA00 ss:$0x1] =	vst.idx.msk $0xffff, v5  }
0x29: {  	v5 =	vor.u32 $0x280, v4;
	[tilespmem:v1+s17+$0xFFFFCC00 ss:$0x1] =	vst.idx.msk $0xffff, v2  }
0x2a: {  	v2 =	vor.u32 $0x300, v3;
	[tilespmem:v1+s17+$0xFFFFEC00 ss:$0x1] =	vst.idx.msk $0xffff, v5  }
0x2b: {  	v5 =	vor.u32 $0x300, v4;
	[tilespmem:v1+s17+$0xFFFFCE00 ss:$0x1] =	vst.idx.msk $0xffff, v2  }
0x2c: {  	v2 =	vor.u32 $0x380, v3;
	[tilespmem:v1+s17+$0xFFFFEE00 ss:$0x1] =	vst.idx.msk $0xffff, v5  }
0x2d: {  	v5 =	vor.u32 $0x380, v4;
	[tilespmem:v1+s17+$0xFFFFD000 ss:$0x1] =	vst.idx.msk $0xffff, v2  }
0x2e: {  	v2 =	vadd.s32 $0xF42400, v3;
	[tilespmem:v1+s17+$0xFFFFF000 ss:$0x1] =	vst.idx.msk $0xffff, v5  }
0x2f: {  	v5 =	vadd.s32 $0xF42400, v4;
	[tilespmem:v1+s17+$0xFFFFD200 ss:$0x1] =	vst.idx.msk $0xffff, v2  }
0x30: {  	v2 =	vadd.s32 $0xF42480, v3;
	[tilespmem:v1+s17+$0xFFFFF200 ss:$0x1] =	vst.idx.msk $0xffff, v5  }
0x31: {  	v5 =	vadd.s32 $0xF42480, v4;
	[tilespmem:v1+s17+$0xFFFFD400 ss:$0x1] =	vst.idx.msk $0xffff, v2  }
0x32: {  	v2 =	vadd.s32 $0xF42500, v3;
	[tilespmem:v1+s17+$0xFFFFF400 ss:$0x1] =	vst.idx.msk $0xffff, v5  }
0x33: {  	v5 =	vadd.s32 $0xF42500, v4;
	[tilespmem:v1+s17+$0xFFFFD600 ss:$0x1] =	vst.idx.msk $0xffff, v2  }
0x34: {  	v2 =	vadd.s32 $0xF42580, v3;
	[tilespmem:v1+s17+$0xFFFFF600 ss:$0x1] =	vst.idx.msk $0xffff, v5  }
0x35: {  	v5 =	vadd.s32 $0xF42580, v4;
	[tilespmem:v1+s17+$0xFFFFD800 ss:$0x1] =	vst.idx.msk $0xffff, v2  }
0x36: {  	v2 =	vadd.s32 $0xF42600, v3;
	[tilespmem:v1+s17+$0xFFFFF800 ss:$0x1] =	vst.idx.msk $0xffff, v5  }
0x37: {  	v5 =	vadd.s32 $0xF42600, v4;
	[tilespmem:v1+s17+$0xFFFFDA00 ss:$0x1] =	vst.idx.msk $0xffff, v2  }
0x38: {  	v2 =	vadd.s32 $0xF42680, v3;
	[tilespmem:v1+s17+$0xFFFFFA00 ss:$0x1] =	vst.idx.msk $0xffff, v5  }
0x39: {  	v5 =	vadd.s32 $0xF42680, v4;
	[tilespmem:v1+s17+$0xFFFFDC00 ss:$0x1] =	vst.idx.msk $0xffff, v2  }
0x3a: {  	v6 =	vadd.s32 $0xF42700, v3;
	[tilespmem:v1+s17+$0xFFFFFC00 ss:$0x1] =	vst.idx.msk $0xffff, v5  }
0x3b: {  	p0 =	por p2, p2;
	s18 =	simm.s32 $0x40;
	v3 =	vadd.s32 $0xF42780, v3;
	v2 =	vadd.s32 $0xF42780, v4;
	v4 =	vadd.s32 $0xF42700, v4;
	[tilespmem:v1+s17+$0xFFFFDE00 ss:$0x1] =	vst.idx.msk $0xffff, v6  }
.LBB2_3:
0x3c: {  	p2 =	sne.s32 s18, $0x1C0;
	[tilespmem:v1+s17+$0xFFFFFE00 ss:$0x1] =	vst.idx.msk $0xffff, v4;
	s19 =	smov.u32 s18;
	s18 =	sadd.s32 $0x40, s18  }
0x3d: {  	[tilespmem:v1+s17+$0xFFFFE000 ss:$0x1] =	vst.idx.msk $0xffff, v3  }
0x3e: {  	[tilespmem:v1+s17+$0x0 ss:$0x1] =	vst.idx.msk $0xffff, v2;
	s17 =	sshra.s32 s19, $0x2  }
0x3f: {  	v2 =	vld.idx.msk [tilespmem:v0+s17+$0x0 ss:$0x1], $0xffff  }
0x40: {  	v3 =	vld.idx.msk [tilespmem:v0+s17+$0xFFFFFF80 ss:$0x1], $0xffff;
	_ =	sdelay $0x4  }
0x41: {  	v2 =	vadd.s32 $0xF4240, v2  }
0x42: {  	v4 =	vshll.u32 v3, $0x3;
	v5 =	vshll.u32 v2, $0x3;
	v2 =	vand.u32 $0x7F, v2  }
0x43: {  	v3 =	vand.u32 $0x7F, v3;
	v4 =	vand.u32 $0xFFFFFC00, v4;
	v5 =	vand.u32 $0xFFFFFC00, v5  }
0x44: {  	v3 =	vor.u32 v3, v4;
	v4 =	vor.u32 v2, v5  }
0x45: {  	v5 =	vor.u32 $0x80, v4;
	v2 =	vadd.s32 $0xF42780, v4;
	[tilespmem:v1+s17+$0xFFFFE200 ss:$0x1] =	vst.idx.msk $0xffff, v4  }
0x46: {  	v6 =	vor.u32 $0x80, v3;
	[tilespmem:v1+s17+$0xFFFFC200 ss:$0x1] =	vst.idx.msk $0xffff, v3  }
0x47: {  	[tilespmem:v1+s17+$0xFFFFC400 ss:$0x1] =	vst.idx.msk $0xffff, v6;
	v6 =	vor.u32 $0x100, v3  }
0x48: {  	[tilespmem:v1+s17+$0xFFFFE400 ss:$0x1] =	vst.idx.msk $0xffff, v5;
	v5 =	vor.u32 $0x100, v4  }
0x49: {  	[tilespmem:v1+s17+$0xFFFFC600 ss:$0x1] =	vst.idx.msk $0xffff, v6;
	v6 =	vor.u32 $0x180, v3  }
0x4a: {  	[tilespmem:v1+s17+$0xFFFFE600 ss:$0x1] =	vst.idx.msk $0xffff, v5;
	v5 =	vor.u32 $0x180, v4  }
0x4b: {  	[tilespmem:v1+s17+$0xFFFFC800 ss:$0x1] =	vst.idx.msk $0xffff, v6;
	v6 =	vor.u32 $0x200, v3  }
0x4c: {  	[tilespmem:v1+s17+$0xFFFFE800 ss:$0x1] =	vst.idx.msk $0xffff, v5;
	v5 =	vor.u32 $0x200, v4  }
0x4d: {  	[tilespmem:v1+s17+$0xFFFFCA00 ss:$0x1] =	vst.idx.msk $0xffff, v6;
	v6 =	vor.u32 $0x280, v3  }
0x4e: {  	[tilespmem:v1+s17+$0xFFFFEA00 ss:$0x1] =	vst.idx.msk $0xffff, v5;
	v5 =	vor.u32 $0x280, v4  }
0x4f: {  	[tilespmem:v1+s17+$0xFFFFCC00 ss:$0x1] =	vst.idx.msk $0xffff, v6;
	v6 =	vor.u32 $0x300, v3  }
0x50: {  	[tilespmem:v1+s17+$0xFFFFEC00 ss:$0x1] =	vst.idx.msk $0xffff, v5;
	v5 =	vor.u32 $0x300, v4  }
0x51: {  	[tilespmem:v1+s17+$0xFFFFCE00 ss:$0x1] =	vst.idx.msk $0xffff, v6;
	v6 =	vor.u32 $0x380, v3  }
0x52: {  	[tilespmem:v1+s17+$0xFFFFEE00 ss:$0x1] =	vst.idx.msk $0xffff, v5;
	v5 =	vor.u32 $0x380, v4  }
0x53: {  	[tilespmem:v1+s17+$0xFFFFD000 ss:$0x1] =	vst.idx.msk $0xffff, v6;
	v6 =	vadd.s32 $0xF42400, v3  }
0x54: {  	[tilespmem:v1+s17+$0xFFFFF000 ss:$0x1] =	vst.idx.msk $0xffff, v5;
	v5 =	vadd.s32 $0xF42400, v4  }
0x55: {  	[tilespmem:v1+s17+$0xFFFFD200 ss:$0x1] =	vst.idx.msk $0xffff, v6;
	v6 =	vadd.s32 $0xF42480, v3  }
0x56: {  	[tilespmem:v1+s17+$0xFFFFF200 ss:$0x1] =	vst.idx.msk $0xffff, v5;
	v5 =	vadd.s32 $0xF42480, v4  }
0x57: {  	[tilespmem:v1+s17+$0xFFFFD400 ss:$0x1] =	vst.idx.msk $0xffff, v6;
	v6 =	vadd.s32 $0xF42500, v3  }
0x58: {  	[tilespmem:v1+s17+$0xFFFFF400 ss:$0x1] =	vst.idx.msk $0xffff, v5;
	v5 =	vadd.s32 $0xF42500, v4  }
0x59: {  	[tilespmem:v1+s17+$0xFFFFD600 ss:$0x1] =	vst.idx.msk $0xffff, v6;
	v6 =	vadd.s32 $0xF42580, v3  }
0x5a: {  	[tilespmem:v1+s17+$0xFFFFF600 ss:$0x1] =	vst.idx.msk $0xffff, v5;
	v5 =	vadd.s32 $0xF42580, v4  }
0x5b: {  	[tilespmem:v1+s17+$0xFFFFD800 ss:$0x1] =	vst.idx.msk $0xffff, v6;
	v6 =	vadd.s32 $0xF42600, v3  }
0x5c: {  	[tilespmem:v1+s17+$0xFFFFF800 ss:$0x1] =	vst.idx.msk $0xffff, v5;
	v5 =	vadd.s32 $0xF42600, v4  }
.Ltmp0:
0x5d: {  	[tilespmem:v1+s17+$0xFFFFDA00 ss:$0x1] =	vst.idx.msk $0xffff, v6;
	v6 =	vadd.s32 $0xF42680, v3;
	(pc) =	sbr.rel @p2 .LBB2_3-.Ltmp0, $4  }
0x5e: {  	[tilespmem:v1+s17+$0xFFFFFA00 ss:$0x1] =	vst.idx.msk $0xffff, v5;
	v5 =	vadd.s32 $0xF42680, v4  }
0x5f: {  	[tilespmem:v1+s17+$0xFFFFDC00 ss:$0x1] =	vst.idx.msk $0xffff, v6;
	v6 =	vadd.s32 $0xF42700, v3  }
0x60: {  	v4 =	vadd.s32 $0xF42700, v4;
	[tilespmem:v1+s17+$0xFFFFFC00 ss:$0x1] =	vst.idx.msk $0xffff, v5  }
0x61: {  	v3 =	vadd.s32 $0xF42780, v3;
	[tilespmem:v1+s17+$0xFFFFDE00 ss:$0x1] =	vst.idx.msk $0xffff, v6  }
0x62: {  	_ =	sdelay $0x3  }
0x63: {  	[tilespmem:v1+s17+$0xFFFFFE00 ss:$0x1] =	vst.idx.msk $0xffff, v4;
	s18 =	sshll.u32 s22, $0xB  }
0x64: {  	[tilespmem:v1+s17+$0xFFFFE000 ss:$0x1] =	vst.idx.msk $0xffff, v3;
	s25 =	sand.u32 $0x3FFFF800, s18;
	s18 =	sshll.u32 s22, $0x8  }
0x65: {  	[tilespmem:v1+s17+$0x0 ss:$0x1] =	vst.idx.msk $0xffff, v2;
	s17 =	sadd.s32 $0x4400, s25;
	s19 =	sadd.s32 $0x400, s18  }
0x66: {  	[tilespmem:s17], [sflag:$0x1] =	stream.indirect.gather [hbm4b:s1+s10], $0x1, s19, s10, $0xb8;
	[tilespmem:$0x8400] =	vst v63  }
0x67: {  	s21 =	sadd.s32 $0x4480, s25;
	s20 =	sadd.s32 $0x600, s18  }
0x68: {  	[tilespmem:s21], [sflag:$0x1] =	stream.indirect.gather [hbm4b:s1+s10], $0x1, s20, s10, $0xb8;
	[tilespmem:$0x8400] =	vst v63  }
0x69: {  	s24 =	sadd.s32 $0x4500, s25;
	s26 =	sadd.s32 $0x800, s18  }
0x6a: {  	[tilespmem:s24], [sflag:$0x1] =	stream.indirect.gather [hbm4b:s1+s10], $0x1, s26, s10, $0xb8;
	[tilespmem:$0x8400] =	vst v63  }
0x6b: {  	s28 =	sadd.s32 $0x4580, s25;
	s29 =	sadd.s32 $0xA00, s18  }
0x6c: {  	[tilespmem:s28], [sflag:$0x1] =	stream.indirect.gather [hbm4b:s1+s10], $0x1, s29, s10, $0xb8;
	[tilespmem:$0x8400] =	vst v63  }
0x6d: {  	s30 =	sadd.s32 $0x4600, s25;
	s31 =	sadd.s32 $0xC00, s18  }
0x6e: {  	[tilespmem:s30], [sflag:$0x1] =	stream.indirect.gather [hbm4b:s1+s10], $0x1, s31, s10, $0xb8;
	[tilespmem:$0x8400] =	vst v63  }
0x6f: {  	s20 =	sadd.s32 $0x4680, s25;
	s21 =	sadd.s32 $0xE00, s18  }
0x70: {  	[tilespmem:s20], [sflag:$0x1] =	stream.indirect.gather [hbm4b:s1+s10], $0x1, s21, s10, $0xb8;
	[tilespmem:$0x8400] =	vst v63  }
0x71: {  	s24 =	sadd.s32 $0x4700, s25;
	s26 =	sadd.s32 $0x1000, s18  }
0x72: {  	[tilespmem:s24], [sflag:$0x1] =	stream.indirect.gather [hbm4b:s1+s10], $0x1, s26, s10, $0xb8;
	[tilespmem:$0x8400] =	vst v63  }
0x73: {  	s28 =	sadd.s32 $0x4780, s25;
	s29 =	sadd.s32 $0x1200, s18  }
0x74: {  	[tilespmem:s28], [sflag:$0x1] =	stream.indirect.gather [hbm4b:s1+s10], $0x1, s29, s10, $0xb8;
	[tilespmem:$0x8400] =	vst v63  }
0x75: {  	s19 =	sadd.s32 $0x5400, s25;
	s30 =	sadd.s32 $0x1400, s18  }
0x76: {  	[tilespmem:s19], [sflag:$0x1] =	stream.indirect.gather [hbm4b:s1+s10], $0x1, s30, s10, $0xb8;
	[tilespmem:$0x8400] =	vst v63  }
0x77: {  	s31 =	sadd.s32 $0x5480, s25;
	s21 =	sadd.s32 $0x1600, s18  }
0x78: {  	[tilespmem:s31], [sflag:$0x1] =	stream.indirect.gather [hbm4b:s1+s10], $0x1, s21, s10, $0xb8;
	[tilespmem:$0x8400] =	vst v63  }
0x79: {  	s24 =	sadd.s32 $0x5500, s25;
	s26 =	sadd.s32 $0x1800, s18  }
0x7a: {  	[tilespmem:s24], [sflag:$0x1] =	stream.indirect.gather [hbm4b:s1+s10], $0x1, s26, s10, $0xb8;
	[tilespmem:$0x8400] =	vst v63  }
0x7b: {  	s28 =	sadd.s32 $0x5580, s25;
	s29 =	sadd.s32 $0x1A00, s18  }
0x7c: {  	[tilespmem:s28], [sflag:$0x1] =	stream.indirect.gather [hbm4b:s1+s10], $0x1, s29, s10, $0xb8;
	[tilespmem:$0x8400] =	vst v63  }
0x7d: {  	s30 =	sadd.s32 $0x5600, s25;
	s31 =	sadd.s32 $0x1C00, s18  }
0x7e: {  	[tilespmem:s30], [sflag:$0x1] =	stream.indirect.gather [hbm4b:s1+s10], $0x1, s31, s10, $0xb8;
	[tilespmem:$0x8400] =	vst v63  }
0x7f: {  	s24 =	sadd.s32 $0x5680, s25;
	s26 =	sadd.s32 $0x1E00, s18  }
0x80: {  	[tilespmem:s24], [sflag:$0x1] =	stream.indirect.gather [hbm4b:s1+s10], $0x1, s26, s10, $0xb8;
	[tilespmem:$0x8400] =	vst v63  }
0x81: {  	s28 =	sadd.s32 $0x5700, s25;
	s29 =	sadd.s32 $0x2000, s18  }
0x82: {  	[tilespmem:s28], [sflag:$0x1] =	stream.indirect.gather [hbm4b:s1+s10], $0x1, s29, s10, $0xb8;
	[tilespmem:$0x8400] =	vst v63  }
0x83: {  	s30 =	sadd.s32 $0x5780, s25;
	s31 =	sadd.s32 $0x2200, s18  }
0x84: {  	[tilespmem:s30], [sflag:$0x1] =	stream.indirect.gather [hbm4b:s1+s10], $0x1, s31, s10, $0xb8;
	[tilespmem:$0x8400] =	vst v63  }
0x85: {  	s20 =	sadd.s32 $0x6400, s25;
	s24 =	sadd.s32 $0x2400, s18  }
0x86: {  	[tilespmem:s20], [sflag:$0x1] =	stream.indirect.gather [hbm4b:s1+s10], $0x1, s24, s10, $0xb8;
	[tilespmem:$0x8400] =	vst v63  }
0x87: {  	s26 =	sadd.s32 $0x6480, s25;
	s24 =	sadd.s32 $0x2600, s18  }
0x88: {  	[tilespmem:s26], [sflag:$0x1] =	stream.indirect.gather [hbm4b:s1+s10], $0x1, s24, s10, $0xb8;
	[tilespmem:$0x8400] =	vst v63  }
0x89: {  	s28 =	sadd.s32 $0x6500, s25;
	s29 =	sadd.s32 $0x2800, s18  }
0x8a: {  	[tilespmem:s28], [sflag:$0x1] =	stream.indirect.gather [hbm4b:s1+s10], $0x1, s29, s10, $0xb8;
	[tilespmem:$0x8400] =	vst v63  }
0x8b: {  	s30 =	sadd.s32 $0x6580, s25;
	s31 =	sadd.s32 $0x2A00, s18  }
0x8c: {  	[tilespmem:s30], [sflag:$0x1] =	stream.indirect.gather [hbm4b:s1+s10], $0x1, s31, s10, $0xb8;
	[tilespmem:$0x8400] =	vst v63  }
0x8d: {  	s24 =	sadd.s32 $0x6600, s25;
	s26 =	sadd.s32 $0x2C00, s18  }
0x8e: {  	[tilespmem:s24], [sflag:$0x1] =	stream.indirect.gather [hbm4b:s1+s10], $0x1, s26, s10, $0xb8;
	[tilespmem:$0x8400] =	vst v63  }
0x8f: {  	s28 =	sadd.s32 $0x6680, s25;
	s29 =	sadd.s32 $0x2E00, s18  }
0x90: {  	[tilespmem:s28], [sflag:$0x1] =	stream.indirect.gather [hbm4b:s1+s10], $0x1, s29, s10, $0xb8;
	[tilespmem:$0x8400] =	vst v63  }
0x91: {  	s30 =	sadd.s32 $0x6700, s25;
	s31 =	sadd.s32 $0x3000, s18  }
0x92: {  	[tilespmem:s30], [sflag:$0x1] =	stream.indirect.gather [hbm4b:s1+s10], $0x1, s31, s10, $0xb8;
	[tilespmem:$0x8400] =	vst v63  }
0x93: {  	s24 =	sadd.s32 $0x6780, s25;
	s26 =	sadd.s32 $0x3200, s18  }
0x94: {  	[tilespmem:s24], [sflag:$0x1] =	stream.indirect.gather [hbm4b:s1+s10], $0x1, s26, s10, $0xb8;
	[tilespmem:$0x8400] =	vst v63  }
0x95: {  	s21 =	sadd.s32 $0x7400, s25;
	s28 =	sadd.s32 $0x3400, s18  }
0x96: {  	[tilespmem:s21], [sflag:$0x1] =	stream.indirect.gather [hbm4b:s1+s10], $0x1, s28, s10, $0xb8;
	[tilespmem:$0x8400] =	vst v63  }
0x97: {  	s29 =	sadd.s32 $0x7480, s25;
	s26 =	sadd.s32 $0x3600, s18  }
0x98: {  	[tilespmem:s29], [sflag:$0x1] =	stream.indirect.gather [hbm4b:s1+s10], $0x1, s26, s10, $0xb8;
	[tilespmem:$0x8400] =	vst v63  }
0x99: {  	s30 =	sadd.s32 $0x7500, s25;
	s31 =	sadd.s32 $0x3800, s18  }
0x9a: {  	[tilespmem:s30], [sflag:$0x1] =	stream.indirect.gather [hbm4b:s1+s10], $0x1, s31, s10, $0xb8;
	[tilespmem:$0x8400] =	vst v63  }
0x9b: {  	s24 =	sshllo.u32 s22, $0x1;
	s28 =	sadd.s32 $0x7580, s25;
	s29 =	sadd.s32 $0x3A00, s18  }
0x9c: {  	[tilespmem:s28], [sflag:$0x1] =	stream.indirect.gather [hbm4b:s1+s10], $0x1, s29, s10, $0xb8;
	[tilespmem:$0x8400] =	vst v63  }
0x9d: {  	s29 =	sshll.u32 s24, $0x8  }
0x9e: {  	s30 =	sadd.s32 $0x7600, s25;
	s31 =	sadd.s32 $0x3C00, s18;
	s22 =	sand.u32 $0x3FFFFF00, s29  }
0x9f: {  	[tilespmem:s30], [sflag:$0x1] =	stream.indirect.gather [hbm4b:s1+s10], $0x1, s31, s10, $0xb8;
	[tilespmem:$0x8400] =	vst v63  }
0xa0: {  	s26 =	sadd.s32 $0x7680, s25;
	s28 =	sadd.s32 $0x3E00, s18;
	s22 =	sor.u32 $0x80, s22  }
0xa1: {  	v0 =	vmov s22;
	[tilespmem:s26], [sflag:$0x1] =	stream.indirect.gather [hbm4b:s1+s10], $0x1, s28, s10, $0xb8;
	[tilespmem:$0x8400] =	vst v63  }
0xa2: {  	s30 =	sadd.s32 $0x7700, s25;
	s31 =	sadd.s32 $0x4000, s18  }
0xa3: {  	[tilespmem:s30], [sflag:$0x1] =	stream.indirect.gather [hbm4b:s1+s10], $0x1, s31, s10, $0xb8;
	[tilespmem:$0x8400] =	vst v63  }
0xa4: {  	s29 =	sadd.s32 $0x4200, s18;
	s28 =	sadd.s32 $0x7780, s25;
	s25 =	simm.s32 $0x0  }
0xa5: {  	[tilespmem:s28], [sflag:$0x1] =	stream.indirect.gather [hbm4b:s1+s10], $0x1, s29, s10, $0xb8;
	[tilespmem:$0x8400] =	vst v63  }
0xa6: {  	v2 =	vld.idx.msk [tilespmem:v0+s25+$0x0 ss:$0x1], $0xffff  }
0xa7: {  	v3 =	vld.idx.msk [tilespmem:v0+s25+$0xFFFFFF80 ss:$0x1], $0xffff;
	_ =	sdelay $0x1  }
0xa8: {  	s30 =	sadd.s32 $0x4280, s23  }
0xa9: {  	v1 =	vmov s30;
	_ =	sdelay $0x1  }
0xaa: {  	v2 =	vadd.s32 $0xF4240, v2;
	v5 =	vshll.u32 v3, $0x3  }
0xab: {  	v3 =	vand.u32 $0x7F, v3;
	v4 =	vshll.u32 v2, $0x3;
	v5 =	vand.u32 $0xFFFFFC00, v5  }
0xac: {  	v2 =	vand.u32 $0x7F, v2;
	v4 =	vand.u32 $0xFFFFFC00, v4;
	v5 =	vor.u32 v3, v5  }
0xad: {  	v4 =	vor.u32 v2, v4;
	[tilespmem:v1+s25+$0xFFFFC200 ss:$0x1] =	vst.idx.msk $0xffff, v5  }
0xae: {  	v2 =	vor.u32 $0x80, v5;
	[tilespmem:v1+s25+$0xFFFFE200 ss:$0x1] =	vst.idx.msk $0xffff, v4  }
0xaf: {  	v3 =	vor.u32 $0x80, v4;
	[tilespmem:v1+s25+$0xFFFFC400 ss:$0x1] =	vst.idx.msk $0xffff, v2  }
0xb0: {  	v2 =	vor.u32 $0x100, v5;
	[tilespmem:v1+s25+$0xFFFFE400 ss:$0x1] =	vst.idx.msk $0xffff, v3  }
0xb1: {  	v3 =	vor.u32 $0x100, v4;
	[tilespmem:v1+s25+$0xFFFFC600 ss:$0x1] =	vst.idx.msk $0xffff, v2  }
0xb2: {  	v2 =	vor.u32 $0x180, v5;
	[tilespmem:v1+s25+$0xFFFFE600 ss:$0x1] =	vst.idx.msk $0xffff, v3  }
0xb3: {  	v3 =	vor.u32 $0x180, v4;
	[tilespmem:v1+s25+$0xFFFFC800 ss:$0x1] =	vst.idx.msk $0xffff, v2  }
0xb4: {  	v2 =	vor.u32 $0x200, v5;
	[tilespmem:v1+s25+$0xFFFFE800 ss:$0x1] =	vst.idx.msk $0xffff, v3  }
0xb5: {  	v3 =	vor.u32 $0x200, v4;
	[tilespmem:v1+s25+$0xFFFFCA00 ss:$0x1] =	vst.idx.msk $0xffff, v2  }
0xb6: {  	v2 =	vor.u32 $0x280, v5;
	[tilespmem:v1+s25+$0xFFFFEA00 ss:$0x1] =	vst.idx.msk $0xffff, v3  }
0xb7: {  	v3 =	vor.u32 $0x280, v4;
	[tilespmem:v1+s25+$0xFFFFCC00 ss:$0x1] =	vst.idx.msk $0xffff, v2  }
0xb8: {  	v2 =	vor.u32 $0x300, v5;
	[tilespmem:v1+s25+$0xFFFFEC00 ss:$0x1] =	vst.idx.msk $0xffff, v3  }
0xb9: {  	v3 =	vor.u32 $0x300, v4;
	[tilespmem:v1+s25+$0xFFFFCE00 ss:$0x1] =	vst.idx.msk $0xffff, v2  }
0xba: {  	v2 =	vor.u32 $0x380, v5;
	[tilespmem:v1+s25+$0xFFFFEE00 ss:$0x1] =	vst.idx.msk $0xffff, v3  }
0xbb: {  	v3 =	vor.u32 $0x380, v4;
	[tilespmem:v1+s25+$0xFFFFD000 ss:$0x1] =	vst.idx.msk $0xffff, v2  }
0xbc: {  	v2 =	vadd.s32 $0xF42400, v5;
	[tilespmem:v1+s25+$0xFFFFF000 ss:$0x1] =	vst.idx.msk $0xffff, v3  }
0xbd: {  	v3 =	vadd.s32 $0xF42400, v4;
	[tilespmem:v1+s25+$0xFFFFD200 ss:$0x1] =	vst.idx.msk $0xffff, v2  }
0xbe: {  	v2 =	vadd.s32 $0xF42480, v5;
	[tilespmem:v1+s25+$0xFFFFF200 ss:$0x1] =	vst.idx.msk $0xffff, v3  }
0xbf: {  	v3 =	vadd.s32 $0xF42480, v4;
	[tilespmem:v1+s25+$0xFFFFD400 ss:$0x1] =	vst.idx.msk $0xffff, v2  }
0xc0: {  	v2 =	vadd.s32 $0xF42500, v5;
	[tilespmem:v1+s25+$0xFFFFF400 ss:$0x1] =	vst.idx.msk $0xffff, v3  }
0xc1: {  	v3 =	vadd.s32 $0xF42500, v4;
	[tilespmem:v1+s25+$0xFFFFD600 ss:$0x1] =	vst.idx.msk $0xffff, v2  }
0xc2: {  	v2 =	vadd.s32 $0xF42580, v5;
	[tilespmem:v1+s25+$0xFFFFF600 ss:$0x1] =	vst.idx.msk $0xffff, v3  }
0xc3: {  	v3 =	vadd.s32 $0xF42580, v4;
	[tilespmem:v1+s25+$0xFFFFD800 ss:$0x1] =	vst.idx.msk $0xffff, v2  }
0xc4: {  	v2 =	vadd.s32 $0xF42600, v5;
	[tilespmem:v1+s25+$0xFFFFF800 ss:$0x1] =	vst.idx.msk $0xffff, v3  }
0xc5: {  	v3 =	vadd.s32 $0xF42600, v4;
	[tilespmem:v1+s25+$0xFFFFDA00 ss:$0x1] =	vst.idx.msk $0xffff, v2  }
0xc6: {  	s31 =	sshll.u32 s24, $0x7;
	v2 =	vadd.s32 $0xF42680, v5;
	[tilespmem:v1+s25+$0xFFFFFA00 ss:$0x1] =	vst.idx.msk $0xffff, v3  }
0xc7: {  	s22 =	sand.u32 $0x3FFFFF80, s31;
	v3 =	vadd.s32 $0xF42680, v4;
	[tilespmem:v1+s25+$0xFFFFDC00 ss:$0x1] =	vst.idx.msk $0xffff, v2  }
0xc8: {  	s23 =	sadd.s32 $0x400, s22;
	v6 =	vadd.s32 $0xF42700, v5;
	[tilespmem:v1+s25+$0xFFFFFC00 ss:$0x1] =	vst.idx.msk $0xffff, v3  }
0xc9: {  	s26 =	simm.s32 $0x40;
	v2 =	vadd.s32 $0xF42780, v4;
	v3 =	vadd.s32 $0xF42700, v4;
	v4 =	vadd.s32 $0xF42780, v5;
	[tilespmem:v1+s25+$0xFFFFDE00 ss:$0x1] =	vst.idx.msk $0xffff, v6  }
.LBB2_5:
0xca: {  	p2 =	sne.s32 s26, $0x1C0;
	[tilespmem:v1+s25+$0xFFFFFE00 ss:$0x1] =	vst.idx.msk $0xffff, v3;
	s28 =	smov.u32 s26;
	s26 =	sadd.s32 $0x40, s26  }
0xcb: {  	[tilespmem:v1+s25+$0xFFFFE000 ss:$0x1] =	vst.idx.msk $0xffff, v4  }
0xcc: {  	[tilespmem:v1+s25+$0x0 ss:$0x1] =	vst.idx.msk $0xffff, v2;
	s25 =	sshra.s32 s28, $0x2  }
0xcd: {  	v2 =	vld.idx.msk [tilespmem:v0+s25+$0x0 ss:$0x1], $0xffff  }
0xce: {  	v3 =	vld.idx.msk [tilespmem:v0+s25+$0xFFFFFF80 ss:$0x1], $0xffff;
	_ =	sdelay $0x4  }
0xcf: {  	v2 =	vadd.s32 $0xF4240, v2  }
0xd0: {  	v4 =	vshll.u32 v3, $0x3;
	v5 =	vshll.u32 v2, $0x3;
	v2 =	vand.u32 $0x7F, v2  }
0xd1: {  	v3 =	vand.u32 $0x7F, v3;
	v4 =	vand.u32 $0xFFFFFC00, v4;
	v5 =	vand.u32 $0xFFFFFC00, v5  }
0xd2: {  	v4 =	vor.u32 v3, v4;
	v3 =	vor.u32 v2, v5  }
0xd3: {  	v5 =	vor.u32 $0x80, v3;
	v2 =	vadd.s32 $0xF42780, v3;
	[tilespmem:v1+s25+$0xFFFFE200 ss:$0x1] =	vst.idx.msk $0xffff, v3  }
0xd4: {  	v6 =	vor.u32 $0x80, v4;
	[tilespmem:v1+s25+$0xFFFFC200 ss:$0x1] =	vst.idx.msk $0xffff, v4  }
0xd5: {  	[tilespmem:v1+s25+$0xFFFFC400 ss:$0x1] =	vst.idx.msk $0xffff, v6;
	v6 =	vor.u32 $0x100, v4  }
0xd6: {  	[tilespmem:v1+s25+$0xFFFFE400 ss:$0x1] =	vst.idx.msk $0xffff, v5;
	v5 =	vor.u32 $0x100, v3  }
0xd7: {  	[tilespmem:v1+s25+$0xFFFFC600 ss:$0x1] =	vst.idx.msk $0xffff, v6;
	v6 =	vor.u32 $0x180, v4  }
0xd8: {  	[tilespmem:v1+s25+$0xFFFFE600 ss:$0x1] =	vst.idx.msk $0xffff, v5;
	v5 =	vor.u32 $0x180, v3  }
0xd9: {  	[tilespmem:v1+s25+$0xFFFFC800 ss:$0x1] =	vst.idx.msk $0xffff, v6;
	v6 =	vor.u32 $0x200, v4  }
0xda: {  	[tilespmem:v1+s25+$0xFFFFE800 ss:$0x1] =	vst.idx.msk $0xffff, v5;
	v5 =	vor.u32 $0x200, v3  }
0xdb: {  	[tilespmem:v1+s25+$0xFFFFCA00 ss:$0x1] =	vst.idx.msk $0xffff, v6;
	v6 =	vor.u32 $0x280, v4  }
0xdc: {  	[tilespmem:v1+s25+$0xFFFFEA00 ss:$0x1] =	vst.idx.msk $0xffff, v5;
	v5 =	vor.u32 $0x280, v3  }
0xdd: {  	[tilespmem:v1+s25+$0xFFFFCC00 ss:$0x1] =	vst.idx.msk $0xffff, v6;
	v6 =	vor.u32 $0x300, v4  }
0xde: {  	[tilespmem:v1+s25+$0xFFFFEC00 ss:$0x1] =	vst.idx.msk $0xffff, v5;
	v5 =	vor.u32 $0x300, v3  }
0xdf: {  	[tilespmem:v1+s25+$0xFFFFCE00 ss:$0x1] =	vst.idx.msk $0xffff, v6;
	v6 =	vor.u32 $0x380, v4  }
0xe0: {  	[tilespmem:v1+s25+$0xFFFFEE00 ss:$0x1] =	vst.idx.msk $0xffff, v5;
	v5 =	vor.u32 $0x380, v3  }
0xe1: {  	[tilespmem:v1+s25+$0xFFFFD000 ss:$0x1] =	vst.idx.msk $0xffff, v6;
	v6 =	vadd.s32 $0xF42400, v4  }
0xe2: {  	[tilespmem:v1+s25+$0xFFFFF000 ss:$0x1] =	vst.idx.msk $0xffff, v5;
	v5 =	vadd.s32 $0xF42400, v3  }
0xe3: {  	[tilespmem:v1+s25+$0xFFFFD200 ss:$0x1] =	vst.idx.msk $0xffff, v6;
	v6 =	vadd.s32 $0xF42480, v4  }
0xe4: {  	[tilespmem:v1+s25+$0xFFFFF200 ss:$0x1] =	vst.idx.msk $0xffff, v5;
	v5 =	vadd.s32 $0xF42480, v3  }
0xe5: {  	[tilespmem:v1+s25+$0xFFFFD400 ss:$0x1] =	vst.idx.msk $0xffff, v6;
	v6 =	vadd.s32 $0xF42500, v4  }
0xe6: {  	[tilespmem:v1+s25+$0xFFFFF400 ss:$0x1] =	vst.idx.msk $0xffff, v5;
	v5 =	vadd.s32 $0xF42500, v3  }
0xe7: {  	[tilespmem:v1+s25+$0xFFFFD600 ss:$0x1] =	vst.idx.msk $0xffff, v6;
	v6 =	vadd.s32 $0xF42580, v4  }
0xe8: {  	[tilespmem:v1+s25+$0xFFFFF600 ss:$0x1] =	vst.idx.msk $0xffff, v5;
	v5 =	vadd.s32 $0xF42580, v3  }
0xe9: {  	[tilespmem:v1+s25+$0xFFFFD800 ss:$0x1] =	vst.idx.msk $0xffff, v6;
	v6 =	vadd.s32 $0xF42600, v4  }
0xea: {  	[tilespmem:v1+s25+$0xFFFFF800 ss:$0x1] =	vst.idx.msk $0xffff, v5;
	v5 =	vadd.s32 $0xF42600, v3  }
.Ltmp1:
0xeb: {  	[tilespmem:v1+s25+$0xFFFFDA00 ss:$0x1] =	vst.idx.msk $0xffff, v6;
	v6 =	vadd.s32 $0xF42680, v4;
	(pc) =	sbr.rel @p2 .LBB2_5-.Ltmp1, $4  }
0xec: {  	[tilespmem:v1+s25+$0xFFFFFA00 ss:$0x1] =	vst.idx.msk $0xffff, v5;
	v5 =	vadd.s32 $0xF42680, v3  }
0xed: {  	[tilespmem:v1+s25+$0xFFFFDC00 ss:$0x1] =	vst.idx.msk $0xffff, v6;
	v6 =	vadd.s32 $0xF42700, v4  }
0xee: {  	v3 =	vadd.s32 $0xF42700, v3;
	[tilespmem:v1+s25+$0xFFFFFC00 ss:$0x1] =	vst.idx.msk $0xffff, v5  }
0xef: {  	v4 =	vadd.s32 $0xF42780, v4;
	[tilespmem:v1+s25+$0xFFFFDE00 ss:$0x1] =	vst.idx.msk $0xffff, v6  }
0xf0: {  	_ =	sdelay $0x3  }
0xf1: {  	[tilespmem:v1+s25+$0xFFFFFE00 ss:$0x1] =	vst.idx.msk $0xffff, v3  }
0xf2: {  	[tilespmem:v1+s25+$0xFFFFE000 ss:$0x1] =	vst.idx.msk $0xffff, v4  }
0xf3: {  	[tilespmem:v1+s25+$0x0 ss:$0x1] =	vst.idx.msk $0xffff, v2;
	s25 =	simm.s32 @p1 $0x2  }
0xf4: {  	_ =	swait.ge @p1 [sflag:s25], $0x1000  }
0xf5: {  	[sflag:s25] =	ssyncset.done @p1 $0x0  }
0xf6: {  	s26 =	simm.s32 @p1 $0x4800;
	[sflag:s25] =	ssyncadd.s32 @p1 $0xFFFFF000;
	s25 =	simm.s32 @p1 $0x0  }
0xf7: {  	[hbm4b:s5+s25] =	stream.linear.scatter @p1 [tilespmem:s26], [sflag:$0x3], $0x400, $0x38;
	[tilespmem:$0x8400] =	vst v63  }
0xf8: {  	s28 =	simm.s32 @p1 $0x5800;
	s26 =	sadd.s32 @p1 $0x4000, s5  }
0xf9: {  	[hbm4b:s26+s25] =	stream.linear.scatter @p1 [tilespmem:s28], [sflag:$0x3], $0x400, $0x38;
	[tilespmem:$0x8400] =	vst v63  }
0xfa: {  	s26 =	sadd.s32 @p1 $0x8000, s5;
	s28 =	simm.s32 @p1 $0x6800  }
0xfb: {  	[hbm4b:s26+s25] =	stream.linear.scatter @p1 [tilespmem:s28], [sflag:$0x3], $0x400, $0x38;
	[tilespmem:$0x8400] =	vst v63  }
0xfc: {  	s26 =	sadd.s32 @p1 $0xC000, s5;
	s28 =	simm.s32 @p1 $0x7800  }
0xfd: {  	[hbm4b:s26+s25] =	stream.linear.scatter @p1 [tilespmem:s28], [sflag:$0x3], $0x400, $0x38;
	[tilespmem:$0x8400] =	vst v63  }
0xfe: {  	s25 =	simm.s32 @p1 $0x3  }
0xff: {  	s24 =	sshll.u32 s24, $0xA;
	_ =	swait.ge @p1 [sflag:s25], $0x1000  }
0x100: {  	s24 =	sand.u32 $0x3FFFFC00, s24;
	[sflag:s25] =	ssyncset.done @p1 $0x0  }
0x101: {  	s31 =	sadd.s32 $0x4400, s24;
	[sflag:s25] =	ssyncadd.s32 @p1 $0xFFFFF000  }
0x102: {  	[tilespmem:s31], [sflag:$0x2] =	stream.indirect.gather [hbm4b:s1+s10], $0x1, s23, s10, $0xb8;
	[tilespmem:$0x8400] =	vst v63  }
0x103: {  	s26 =	sadd.s32 $0x600, s22;
	s25 =	sadd.s32 $0x4480, s24  }
0x104: {  	[tilespmem:s25], [sflag:$0x2] =	stream.indirect.gather [hbm4b:s1+s10], $0x1, s26, s10, $0xb8;
	[tilespmem:$0x8400] =	vst v63  }
0x105: {  	s29 =	sadd.s32 $0x800, s22;
	s28 =	sadd.s32 $0x4500, s24  }
0x106: {  	[tilespmem:s28], [sflag:$0x2] =	stream.indirect.gather [hbm4b:s1+s10], $0x1, s29, s10, $0xb8;
	[tilespmem:$0x8400] =	vst v63  }
0x107: {  	s30 =	sadd.s32 $0x4580, s24;
	s31 =	sadd.s32 $0xA00, s22  }
0x108: {  	[tilespmem:s30], [sflag:$0x2] =	stream.indirect.gather [hbm4b:s1+s10], $0x1, s31, s10, $0xb8;
	[tilespmem:$0x8400] =	vst v63  }
0x109: {  	s25 =	sadd.s32 $0x4600, s24;
	s26 =	sadd.s32 $0xC00, s22  }
0x10a: {  	[tilespmem:s25], [sflag:$0x2] =	stream.indirect.gather [hbm4b:s1+s10], $0x1, s26, s10, $0xb8;
	[tilespmem:$0x8400] =	vst v63  }
0x10b: {  	s28 =	sadd.s32 $0x4680, s24;
	s29 =	sadd.s32 $0xE00, s22  }
0x10c: {  	[tilespmem:s28], [sflag:$0x2] =	stream.indirect.gather [hbm4b:s1+s10], $0x1, s29, s10, $0xb8;
	[tilespmem:$0x8400] =	vst v63  }
0x10d: {  	s30 =	sadd.s32 $0x4700, s24;
	s31 =	sadd.s32 $0x1000, s22  }
0x10e: {  	[tilespmem:s30], [sflag:$0x2] =	stream.indirect.gather [hbm4b:s1+s10], $0x1, s31, s10, $0xb8;
	[tilespmem:$0x8400] =	vst v63  }
0x10f: {  	s25 =	sadd.s32 $0x4780, s24;
	s26 =	sadd.s32 $0x1200, s22  }
0x110: {  	[tilespmem:s25], [sflag:$0x2] =	stream.indirect.gather [hbm4b:s1+s10], $0x1, s26, s10, $0xb8;
	[tilespmem:$0x8400] =	vst v63  }
0x111: {  	s28 =	sadd.s32 $0x5400, s24;
	s29 =	sadd.s32 $0x1400, s22  }
0x112: {  	[tilespmem:s28], [sflag:$0x2] =	stream.indirect.gather [hbm4b:s1+s10], $0x1, s29, s10, $0xb8;
	[tilespmem:$0x8400] =	vst v63  }
0x113: {  	s30 =	sadd.s32 $0x5480, s24;
	s31 =	sadd.s32 $0x1600, s22  }
0x114: {  	[tilespmem:s30], [sflag:$0x2] =	stream.indirect.gather [hbm4b:s1+s10], $0x1, s31, s10, $0xb8;
	[tilespmem:$0x8400] =	vst v63  }
0x115: {  	s25 =	sadd.s32 $0x5500, s24;
	s26 =	sadd.s32 $0x1800, s22  }
0x116: {  	[tilespmem:s25], [sflag:$0x2] =	stream.indirect.gather [hbm4b:s1+s10], $0x1, s26, s10, $0xb8;
	[tilespmem:$0x8400] =	vst v63  }
0x117: {  	s28 =	sadd.s32 $0x5580, s24;
	s29 =	sadd.s32 $0x1A00, s22  }
0x118: {  	[tilespmem:s28], [sflag:$0x2] =	stream.indirect.gather [hbm4b:s1+s10], $0x1, s29, s10, $0xb8;
	[tilespmem:$0x8400] =	vst v63  }
0x119: {  	s30 =	sadd.s32 $0x5600, s24;
	s31 =	sadd.s32 $0x1C00, s22  }
0x11a: {  	[tilespmem:s30], [sflag:$0x2] =	stream.indirect.gather [hbm4b:s1+s10], $0x1, s31, s10, $0xb8;
	[tilespmem:$0x8400] =	vst v63  }
0x11b: {  	s25 =	sadd.s32 $0x5680, s24;
	s26 =	sadd.s32 $0x1E00, s22  }
0x11c: {  	[tilespmem:s25], [sflag:$0x2] =	stream.indirect.gather [hbm4b:s1+s10], $0x1, s26, s10, $0xb8;
	[tilespmem:$0x8400] =	vst v63  }
0x11d: {  	s28 =	sadd.s32 $0x5700, s24;
	s29 =	sadd.s32 $0x2000, s22  }
0x11e: {  	[tilespmem:s28], [sflag:$0x2] =	stream.indirect.gather [hbm4b:s1+s10], $0x1, s29, s10, $0xb8;
	[tilespmem:$0x8400] =	vst v63  }
0x11f: {  	s30 =	sadd.s32 $0x5780, s24;
	s31 =	sadd.s32 $0x2200, s22  }
0x120: {  	[tilespmem:s30], [sflag:$0x2] =	stream.indirect.gather [hbm4b:s1+s10], $0x1, s31, s10, $0xb8;
	[tilespmem:$0x8400] =	vst v63  }
0x121: {  	s25 =	sadd.s32 $0x6400, s24;
	s26 =	sadd.s32 $0x2400, s22  }
0x122: {  	[tilespmem:s25], [sflag:$0x2] =	stream.indirect.gather [hbm4b:s1+s10], $0x1, s26, s10, $0xb8;
	[tilespmem:$0x8400] =	vst v63  }
0x123: {  	s28 =	sadd.s32 $0x6480, s24;
	s29 =	sadd.s32 $0x2600, s22  }
0x124: {  	[tilespmem:s28], [sflag:$0x2] =	stream.indirect.gather [hbm4b:s1+s10], $0x1, s29, s10, $0xb8;
	[tilespmem:$0x8400] =	vst v63  }
0x125: {  	s30 =	sadd.s32 $0x6500, s24;
	s31 =	sadd.s32 $0x2800, s22  }
0x126: {  	[tilespmem:s30], [sflag:$0x2] =	stream.indirect.gather [hbm4b:s1+s10], $0x1, s31, s10, $0xb8;
	[tilespmem:$0x8400] =	vst v63  }
0x127: {  	s25 =	sadd.s32 $0x6580, s24;
	s26 =	sadd.s32 $0x2A00, s22  }
0x128: {  	[tilespmem:s25], [sflag:$0x2] =	stream.indirect.gather [hbm4b:s1+s10], $0x1, s26, s10, $0xb8;
	[tilespmem:$0x8400] =	vst v63  }
0x129: {  	s28 =	sadd.s32 $0x6600, s24;
	s29 =	sadd.s32 $0x2C00, s22  }
0x12a: {  	[tilespmem:s28], [sflag:$0x2] =	stream.indirect.gather [hbm4b:s1+s10], $0x1, s29, s10, $0xb8;
	[tilespmem:$0x8400] =	vst v63  }
0x12b: {  	s30 =	sadd.s32 $0x6680, s24;
	s31 =	sadd.s32 $0x2E00, s22  }
0x12c: {  	[tilespmem:s30], [sflag:$0x2] =	stream.indirect.gather [hbm4b:s1+s10], $0x1, s31, s10, $0xb8;
	[tilespmem:$0x8400] =	vst v63  }
0x12d: {  	s25 =	sadd.s32 $0x6700, s24;
	s26 =	sadd.s32 $0x3000, s22  }
0x12e: {  	[tilespmem:s25], [sflag:$0x2] =	stream.indirect.gather [hbm4b:s1+s10], $0x1, s26, s10, $0xb8;
	[tilespmem:$0x8400] =	vst v63  }
0x12f: {  	s28 =	sadd.s32 $0x6780, s24;
	s29 =	sadd.s32 $0x3200, s22  }
0x130: {  	[tilespmem:s28], [sflag:$0x2] =	stream.indirect.gather [hbm4b:s1+s10], $0x1, s29, s10, $0xb8;
	[tilespmem:$0x8400] =	vst v63  }
0x131: {  	s30 =	sadd.s32 $0x7400, s24;
	s31 =	sadd.s32 $0x3400, s22  }
0x132: {  	[tilespmem:s30], [sflag:$0x2] =	stream.indirect.gather [hbm4b:s1+s10], $0x1, s31, s10, $0xb8;
	[tilespmem:$0x8400] =	vst v63  }
0x133: {  	s25 =	sadd.s32 $0x7480, s24;
	s26 =	sadd.s32 $0x3600, s22  }
0x134: {  	[tilespmem:s25], [sflag:$0x2] =	stream.indirect.gather [hbm4b:s1+s10], $0x1, s26, s10, $0xb8;
	[tilespmem:$0x8400] =	vst v63  }
0x135: {  	s28 =	sadd.s32 $0x7500, s24;
	s29 =	sadd.s32 $0x3800, s22  }
0x136: {  	[tilespmem:s28], [sflag:$0x2] =	stream.indirect.gather [hbm4b:s1+s10], $0x1, s29, s10, $0xb8;
	[tilespmem:$0x8400] =	vst v63  }
0x137: {  	s30 =	sadd.s32 $0x7580, s24;
	s31 =	sadd.s32 $0x3A00, s22  }
0x138: {  	[tilespmem:s30], [sflag:$0x2] =	stream.indirect.gather [hbm4b:s1+s10], $0x1, s31, s10, $0xb8;
	[tilespmem:$0x8400] =	vst v63  }
0x139: {  	s25 =	sadd.s32 $0x7600, s24;
	s26 =	sadd.s32 $0x3C00, s22  }
0x13a: {  	[tilespmem:s25], [sflag:$0x2] =	stream.indirect.gather [hbm4b:s1+s10], $0x1, s26, s10, $0xb8;
	[tilespmem:$0x8400] =	vst v63  }
0x13b: {  	s28 =	sadd.s32 $0x7680, s24;
	s29 =	sadd.s32 $0x3E00, s22  }
0x13c: {  	[tilespmem:s28], [sflag:$0x2] =	stream.indirect.gather [hbm4b:s1+s10], $0x1, s29, s10, $0xb8;
	[tilespmem:$0x8400] =	vst v63  }
0x13d: {  	s30 =	sadd.s32 $0x7700, s24;
	s31 =	sadd.s32 $0x4000, s22  }
0x13e: {  	[tilespmem:s30], [sflag:$0x2] =	stream.indirect.gather [hbm4b:s1+s10], $0x1, s31, s10, $0xb8;
	[tilespmem:$0x8400] =	vst v63  }
0x13f: {  	s26 =	sadd.s32 $0x7780, s24;
	s28 =	sadd.s32 $0x4200, s22;
	s22 =	simm.s32 $0x1  }
0x140: {  	[tilespmem:s26], [sflag:$0x2] =	stream.indirect.gather [hbm4b:s1+s10], $0x1, s28, s10, $0xb8;
	[tilespmem:$0x8400] =	vst v63  }
0x141: {  	_ =	swait.ge [sflag:s22], $0x1000  }
0x142: {  	[sflag:s22] =	ssyncset.done $0x0  }
0x143: {  	s18 =	sadd.s32 s18, s6;
	[sflag:s22] =	ssyncadd.s32 $0xFFFFF000  }
0x144: {  	[hbm4b:s18+s3] =	stream.linear.scatter [tilespmem:s17], [sflag:$0x3], $0x400, $0x38;
	[tilespmem:$0x8400] =	vst v63  }
0x145: {  	s29 =	sadd.s32 $0x4000, s18  }
0x146: {  	[hbm4b:s29+s3] =	stream.linear.scatter [tilespmem:s19], [sflag:$0x3], $0x400, $0x38;
	[tilespmem:$0x8400] =	vst v63  }
0x147: {  	s30 =	sadd.s32 $0x8000, s18  }
0x148: {  	[hbm4b:s30+s3] =	stream.linear.scatter [tilespmem:s20], [sflag:$0x3], $0x400, $0x38;
	[tilespmem:$0x8400] =	vst v63  }
.Ltmp2:
0x149: {  	s31 =	sadd.s32 $0xC000, s18;
	(pc) =	sbr.rel @p0 .LBB2_2-.Ltmp2, $4  }
0x14a: {  	[hbm4b:s31+s3] =	stream.linear.scatter [tilespmem:s21], [sflag:$0x3], $0x400, $0x38;
	[tilespmem:$0x8400] =	vst v63  }
0x14b: {  	_ =	swait.ge [sflag:s9], $0x1000  }
0x14c: {  	[sflag:s9] =	ssyncset.done $0x0  }
0x14d: {  	p2 =	por $0x0, $0x0;
	p1 =	por $0x1, $0x1;
	[sflag:s9] =	ssyncadd.s32 $0xFFFFF000  }
0x14e: {  	_ =	swait.ge [sflag:s11], $0x1000  }
0x14f: {  	[sflag:s11] =	ssyncset.done $0x0  }
0x150: {  	[sflag:s11] =	ssyncadd.s32 $0xFFFFF000  }
0x151: {  	[hbm4b:s7+s3] =	stream.linear.scatter [tilespmem:s12], [sflag:$0x3], $0x400, $0x38;
	[tilespmem:$0x8400] =	vst v63  }
0x152: {  	s17 =	sadd.s32 $0x4000, s7;
	s16 =	sadd.s32 $0x1, s16  }
0x153: {  	[hbm4b:s17+s3] =	stream.linear.scatter [tilespmem:s13], [sflag:$0x3], $0x400, $0x38;
	[tilespmem:$0x8400] =	vst v63  }
0x154: {  	s30 =	sadd.s32 $0x8000, s7;
	p0 =	sne.s32 s16, s8  }
0x155: {  	[hbm4b:s30+s3] =	stream.linear.scatter [tilespmem:s14], [sflag:$0x3], $0x400, $0x38;
	[tilespmem:$0x8400] =	vst v63  }
.Ltmp3:
0x156: {  	s31 =	sadd.s32 $0xC000, s7;
	(pc) =	sbr.rel @p0 .LBB2_1-.Ltmp3, $4  }
0x157: {  	[hbm4b:s31+s3] =	stream.linear.scatter [tilespmem:s15], [sflag:$0x3], $0x400, $0x38;
	[tilespmem:$0x8400] =	vst v63  }
0x158: {  	_ =	swait.ge [sflag:s9], $0x1000  }
0x159: {  	[sflag:s9] =	ssyncset.done $0x0  }
0x15a: {  	[sflag:s9] =	ssyncadd.s32 $0xFFFFF000  }
0x15b: {  	_ =	sfence.sel $0x180000  }
0x15c: {  	[bflag:$0x0] =	sbarrier.arrive $0xFFFF  }
0x15d: {  	p0 =	sne.s32 s2, $0x0;
	_ =	strace $0x90000047  }
0x15e: {  	s0 =	sadd.s32 @!p0 $0x100000, s0;
	[bflag:$0x2] =	sbarrier.arrive $0xFFFF  }
0x15f: {  	[sflag:s0] =	ssyncadd.tile.s32 @!p0 $0x1;
	_ =	shalt  }
.Lfunc_end2:
_tile_overlayer_lowered:
.L_overlay_start_2:
0x160: {  	(tag) =	ssettag $0x2  }
0x161: {  	s0 =	rddreg [dreg:$0x0];
	s2 =	stileid.u32  }
0x162: {  	s1 =	rddreg [dreg:$0x1];
	p0 =	sne.s32 s2, $0x0  }
0x163: {  	s3 =	rddreg [dreg:$0x2];
	[bflag:$0x3] =	sbarrier.arrive $0xFFFF;
	s2 =	simm.s32 @!p0 $0x1C03  }
0x164: {  	[timem:s3], [sflag:s2] =	dma.local @!p0 [hbm:s0], s1  }
0x165: {  	s0 =	simm.s32 @!p0 $0x3  }
0x166: {  	_ =	swait.ge @!p0 [sflag:s0], s1  }
0x167: {  	s1 =	ssub.s32 @!p0 $0x0, s1;
	[sflag:s0] =	ssyncset.done @!p0 $0x0  }
0x168: {  	[sflag:s0] =	ssyncadd.s32 @!p0 s1  }
0x169: {  	[bflag:$0x3] =	sbarrier.arrive $0xFFFF  }
0x16a: {  	_ =	shalt  }

</sc_bundles>
